<compile_context>
chip_gen: v7x
topology: tpu7x:2x2x1
jax: 0.10.2.dev20260603
libtpu: 0.0.44.dev20260713+nightly
codegen_flags: <defaults>
</compile_context>

<pallas_src>
import functools
import math

import jax
import jax.numpy as jnp
from jax import lax
from jax.experimental import pallas as pl
from jax.experimental.pallas import tpu as pltpu
from jax.experimental.pallas import tpu_sc as plsc

_N = 10000
_E = 160000
_MUL0 = 16
_MUL1 = 8
_D = _MUL0 + 3 * _MUL1
_NB = 8
_CUT = 5.0
_H = 64
_WN = _MUL0 * _MUL0 + _MUL1 * _MUL0 + _MUL0 * _MUL1 + _MUL1 * _MUL1
_O1 = _MUL0 * _MUL0
_O2 = _O1 + _MUL1 * _MUL0
_O3 = _O2 + _MUL0 * _MUL1

_TE = 3200
_TN = 1280
_NP = 10240

_CH = 128
_NCHUNK = _E // _CH
_NW = 32
_ROWS_PER_TILE = _N // 16

_INV_SQRT_M0 = 1.0 / math.sqrt(_MUL0)
_INV_SQRT_M1 = 1.0 / math.sqrt(_MUL1)
_SQRT3 = math.sqrt(3.0)

def _sc_mesh():
    return plsc.VectorSubcoreMesh(
        core_axis_name="c", subcore_axis_name="s",
        num_cores=2, num_subcores=16)


_KF = 4


def _gather_body(table_hbm, idx_hbm, out_hbm, idx_all, buf_a, buf_b,
                 sem_a, sem_b):
    cid = lax.axis_index("c")
    sid = lax.axis_index("s")
    wid = sid * 2 + cid
    c0 = (wid * _NCHUNK) // _NW
    c1 = ((wid + 1) * _NCHUNK) // _NW
    nch = c1 - c0
    pltpu.sync_copy(idx_hbm.at[pl.ds(c0, 40)], idx_all)
    bufs = (buf_a, buf_b)
    sems = (sem_a, sem_b)

    def fire(blk, b):
        for j in range(_KF):
            pltpu.async_copy(table_hbm.at[idx_all.at[blk * _KF + j]],
                             bufs[b].at[pl.ds(_CH * j, _CH)], sems[b])

    def drain(blk, b):
        for j in range(_KF):
            pltpu.make_async_copy(table_hbm.at[idx_all.at[blk * _KF + j]],
                                  bufs[b].at[pl.ds(_CH * j, _CH)],
                                  sems[b]).wait()

    def store(blk, b):
        pltpu.sync_copy(bufs[b],
                        out_hbm.at[pl.ds((c0 + blk * _KF) * _CH, _KF * _CH)])

    fire(0, 0)

    def body(i, carry):
        blk = 2 * i
        fire(blk + 1, 1)
        drain(blk, 0)
        store(blk, 0)
        fire(blk + 2, 0)
        drain(blk + 1, 1)
        store(blk + 1, 1)
        return carry

    lax.fori_loop(0, 4, body, 0)
    drain(8, 0)
    store(8, 0)
    for g in range(36, 40):
        @pl.when(g < nch)
        def _():
            pltpu.async_copy(table_hbm.at[idx_all.at[g]],
                             buf_a.at[pl.ds(0, _CH)], sem_a).wait()
            pltpu.sync_copy(buf_a.at[pl.ds(0, _CH)],
                            out_hbm.at[pl.ds((c0 + g) * _CH, _CH)])


def _sc_gather(table, idx2d):
    k = functools.partial(
        pl.kernel,
        out_type=jax.ShapeDtypeStruct((_E, _D), jnp.float32),
        mesh=_sc_mesh(),
        scratch_types=[
            pltpu.VMEM((40, _CH), jnp.int32),
            pltpu.VMEM((_KF * _CH, _D), jnp.float32),
            pltpu.VMEM((_KF * _CH, _D), jnp.float32),
            pltpu.SemaphoreType.DMA,
            pltpu.SemaphoreType.DMA,
        ],
        compiler_params=pltpu.CompilerParams(use_tc_tiling_on_sc=False),
    )(_gather_body)
    return k(table, idx2d)


_SCH = 640
_CPC = (_E // 2) // _SCH


def _scatter_body(msgs_hbm, col_hbm, z_hbm, out_hbm, idx_a, idx_b, msg_a,
                  msg_b, acc, lsem_a, lsem_b):
    cid = lax.axis_index("c")
    sid = lax.axis_index("s")
    fg = sid % 5
    es = sid // 5
    live = sid < 15

    pltpu.sync_copy(z_hbm, acc)

    idxs = (idx_a, idx_b)
    msgs = (msg_a, msg_b)
    lsems = (lsem_a, lsem_b)

    def refs(l):
        ch = cid * _CPC + es + 3 * l
        base = ch * _SCH
        return (col_hbm.at[pl.ds(base, _SCH)],
                msgs_hbm.at[pl.ds(8 * fg, 8), pl.ds(base, _SCH)])

    def load(l, b):
        cref, mref = refs(l)
        pltpu.async_copy(cref, idxs[b], lsems[b])
        pltpu.async_copy(mref, msgs[b], lsems[b])

    def wload(l, b):
        cref, mref = refs(l)
        pltpu.make_async_copy(cref, idxs[b], lsems[b]).wait()
        pltpu.make_async_copy(mref, msgs[b], lsems[b]).wait()

    fvecs = [jnp.full((16,), f, jnp.int32) for f in range(8)]

    def consume(b):
        def kbody(k, carry):
            dst = idxs[b][pl.ds(16 * k, 16)]
            for f in range(8):
                vals = msgs[b][f, pl.ds(16 * k, 16)]
                plsc.addupdate_scatter(acc, [fvecs[f], dst], vals)
            return carry

        lax.fori_loop(0, _SCH // 16, kbody, 0)

    @pl.when(live)
    def _():
        load(0, 0)

        def body(i, carry):
            l = 2 * i
            load(l + 1, 1)
            wload(l, 0)
            consume(0)
            load(l + 2, 0)
            wload(l + 1, 1)
            consume(1)
            return carry

        lax.fori_loop(0, 20, body, 0)
        wload(40, 0)
        consume(0)

        @pl.when(es <= 1)
        def _():
            base = (cid * _CPC + 123 + es) * _SCH
            pltpu.sync_copy(col_hbm.at[pl.ds(base, _SCH)], idx_b)
            pltpu.sync_copy(msgs_hbm.at[pl.ds(8 * fg, 8), pl.ds(base, _SCH)],
                            msg_b)
            consume(1)

        pltpu.sync_copy(acc, out_hbm.at[cid * 3 + es, pl.ds(8 * fg, 8)])


def _sc_scatter(msgs, col, zinit):
    k = functools.partial(
        pl.kernel,
        out_type=jax.ShapeDtypeStruct((6, _D, _NP), jnp.float32),
        mesh=_sc_mesh(),
        scratch_types=[
            pltpu.VMEM((_SCH,), jnp.int32),
            pltpu.VMEM((_SCH,), jnp.int32),
            pltpu.VMEM((8, _SCH), jnp.float32),
            pltpu.VMEM((8, _SCH), jnp.float32),
            pltpu.VMEM((8, _NP), jnp.float32),
            pltpu.SemaphoreType.DMA,
            pltpu.SemaphoreType.DMA,
        ],
        compiler_params=pltpu.CompilerParams(
            use_tc_tiling_on_sc=False, needs_layout_passes=False),
    )(_scatter_body)
    return k(msgs, col, zinit)


def _tree_sum(terms):
    terms = list(terms)
    while len(terms) > 1:
        nxt = [terms[i] + terms[i + 1] for i in range(0, len(terms) - 1, 2)]
        if len(terms) % 2:
            nxt.append(terms[-1])
        terms = nxt
    return terms[0]


def _edge_body(el_ref, evt_ref, sender_ref, w1a_ref, w2a_ref, w3a_ref,
               out_ref):
    f32 = jnp.float32
    bf16 = jnp.bfloat16
    r = el_ref[...]
    theta = r * (math.pi / _CUT)
    s1 = jnp.sin(theta)
    c2 = 2.0 * jnp.cos(theta)
    scale_r = math.sqrt(2.0 / _CUT) / r
    sins = [s1, c2 * s1]
    for _ in range(2, _NB):
        sins.append(c2 * sins[-1] - sins[-2])
    rbf_aug = jnp.concatenate(
        [sn * scale_r for sn in sins] + [jnp.ones((1, _TE), f32)],
        axis=0).astype(bf16)

    x = r * (1.0 / _CUT)
    x2 = x * x
    x4 = x2 * x2
    x5 = x4 * x
    env = 1.0 - 21.0 * x5 + 35.0 * x5 * x - 15.0 * x5 * x2
    env = jnp.where(x < 1.0, env, 0.0)

    one_row = jnp.ones((1, _TE), bf16)
    h = jax.nn.silu(jnp.dot(w1a_ref[...], rbf_aug,
                            preferred_element_type=f32))
    h = jnp.concatenate([h.astype(bf16), one_row], axis=0)
    h = jax.nn.silu(jnp.dot(w2a_ref[...], h, preferred_element_type=f32))
    h = jnp.concatenate([h.astype(bf16), one_row], axis=0)
    tpw = jnp.dot(w3a_ref[...], h, preferred_element_type=f32)

    ev = evt_ref[...].T
    rn = jnp.sqrt(jnp.sum(ev * ev, axis=0, keepdims=True))
    sh1 = _SQRT3 * ev / jnp.maximum(rn, 1e-9)

    st = sender_ref[...].T
    s = st[0:_MUL0]
    v = [jnp.concatenate([st[_MUL0 + 3 * u + c:_MUL0 + 3 * u + c + 1]
                          for u in range(8)], axis=0)
         for c in range(3)]
    duv = (v[0] * sh1[0:1] + v[1] * sh1[1:2] + v[2] * sh1[2:3]) * (1.0 / _SQRT3)

    t1 = [tpw[16 * u:16 * (u + 1)] * s[u:u + 1] for u in range(16)]
    t2 = [tpw[_O1 + 16 * u:_O1 + 16 * (u + 1)] * duv[u:u + 1]
          for u in range(8)]
    o_s = _tree_sum(t1) * _INV_SQRT_M0 + _tree_sum(t2) * _INV_SQRT_M1

    t3 = [tpw[_O2 + 8 * u:_O2 + 8 * (u + 1)] * s[u:u + 1] for u in range(16)]
    acc3 = _tree_sum(t3) * _INV_SQRT_M0
    o_v = []
    for c in range(3):
        t4 = [tpw[_O3 + 8 * u:_O3 + 8 * (u + 1)] * v[c][u:u + 1]
              for u in range(8)]
        o_v.append(acc3 * sh1[c:c + 1] + _tree_sum(t4) * _INV_SQRT_M1)

    out_ref[...] = jnp.concatenate([o_s] + o_v, axis=0) * env


def _tc_edge(el, evt, sender, w1a, w2a, w3a):
    grid = (_E // _TE,)
    return pl.pallas_call(
        _edge_body,
        grid=grid,
        in_specs=[
            pl.BlockSpec((1, _TE), lambda i: (0, i)),
            pl.BlockSpec((_TE, 3), lambda i: (i, 0)),
            pl.BlockSpec((_TE, _D), lambda i: (i, 0)),
            pl.BlockSpec((_H, _NB + 1), lambda i: (0, 0)),
            pl.BlockSpec((_H, _H + 1), lambda i: (0, 0)),
            pl.BlockSpec((_WN, _H + 1), lambda i: (0, 0)),
        ],
        out_specs=pl.BlockSpec((_D, _TE), lambda i: (0, i)),
        out_shape=jax.ShapeDtypeStruct((_D, _E), jnp.float32),
    )(el, evt, sender, w1a, w2a, w3a)


def _node_body(nf_ref, p_ref, wst_ref, bs_ref,
               wvt_ref, gs_ref, gv_ref, out_ref):
    f32 = jnp.float32
    pall = p_ref[...]
    at = _tree_sum([pall[i] for i in range(6)])
    a_s = at[0:_MUL0]
    a_v = [at[_MUL0 + 8 * c:_MUL0 + 8 * (c + 1)] for c in range(3)]

    l_s = jnp.dot(wst_ref[...], a_s, preferred_element_type=f32) \
        * _INV_SQRT_M0 + bs_ref[...]
    l_v = [jnp.dot(wvt_ref[...], a_v[c], preferred_element_type=f32)
           * _INV_SQRT_M1 for c in range(3)]

    mu = jnp.mean(l_s, axis=0, keepdims=True)
    sc = l_s - mu
    rms_s = jnp.sqrt(jnp.mean(sc * sc, axis=0, keepdims=True) + 1e-5)
    n_s = sc / rms_s * gs_ref[...]

    vn2 = (jnp.sum(l_v[0] * l_v[0], axis=0, keepdims=True)
           + jnp.sum(l_v[1] * l_v[1], axis=0, keepdims=True)
           + jnp.sum(l_v[2] * l_v[2], axis=0, keepdims=True)) * (1.0 / _MUL1)
    rms_v = jnp.sqrt(vn2 + 1e-5)
    n_v = [l_v[c] / rms_v * gv_ref[...] for c in range(3)]

    rows = [n_s] + [n_v[c][w:w + 1] for w in range(8) for c in range(3)]
    out_t = jnp.concatenate(rows, axis=0)
    out_ref[...] = nf_ref[...] + out_t.T


def _tc_node(nf, parts, wst, bsc, wvt, gsc, gvc):
    grid = (_NP // _TN,)
    pspec = pl.BlockSpec((6, _D, _TN), lambda i: (0, 0, i))
    return pl.pallas_call(
        _node_body,
        grid=grid,
        in_specs=[pl.BlockSpec((_TN, _D), lambda i: (i, 0)), pspec]
        + [
            pl.BlockSpec((_MUL0, _MUL0), lambda i: (0, 0)),
            pl.BlockSpec((_MUL0, 1), lambda i: (0, 0)),
            pl.BlockSpec((_MUL1, _MUL1), lambda i: (0, 0)),
            pl.BlockSpec((_MUL0, 1), lambda i: (0, 0)),
            pl.BlockSpec((_MUL1, 1), lambda i: (0, 0)),
        ],
        out_specs=pl.BlockSpec((_TN, _D), lambda i: (i, 0)),
        out_shape=jax.ShapeDtypeStruct((_NP, _D), jnp.float32),
    )(nf, parts, wst, bsc, wvt, gsc, gvc)


def kernel(node_feats, edge_index, edge_vectors, edge_lengths, W1, b1, W2, b2,
           W3, b3, Ws, bs, Wv, gamma_s, gamma_v):
    row2d = edge_index[0].reshape(_NCHUNK, _CH)
    col2d = edge_index[1].reshape(_NCHUNK, _CH)

    sender = _sc_gather(node_feats, row2d)

    w1a = jnp.concatenate([W1.T, b1[:, None]], axis=1).astype(jnp.bfloat16)
    w2a = jnp.concatenate([W2.T, b2[:, None]], axis=1).astype(jnp.bfloat16)
    w3a = jnp.concatenate([W3.T, b3[:, None]], axis=1).astype(jnp.bfloat16)
    msgs = _tc_edge(
        edge_lengths.reshape(1, _E),
        edge_vectors,
        sender,
        w1a, w2a, w3a,
    )

    zinit = jnp.zeros((8, _NP), jnp.float32)
    pstack = _sc_scatter(msgs, edge_index[1], zinit)

    nf_pad = jnp.concatenate(
        [node_feats, jnp.zeros((_NP - _N, _D), jnp.float32)], axis=0)
    out = _tc_node(
        nf_pad, pstack,
        Ws.T, bs.reshape(_MUL0, 1),
        Wv.T,
        gamma_s.reshape(_MUL0, 1), gamma_v.reshape(_MUL1, 1),
    )
    return out[:_N]

# --- scband reference (transcript-rebuilt; emitter-appended) ---
"""Pipeline reference for scband-equivariant-interaction-block-62869731279069 (READ-ONLY COPY).

The authoritative reference and input builder live on the scoring server;
editing this copy changes nothing except your own understanding.
"""

import jax
import jax.numpy as jnp
import numpy as np

N = 10000
E = 160000
MUL0 = 16
MUL1 = 8
NODE_DIM = MUL0 + 3 * MUL1
NUM_BASIS = 8
CUTOFF = 5.0
HIDDEN = 64
W_NUMEL = MUL0 * MUL0 + MUL1 * MUL0 + MUL0 * MUL1 + MUL1 * MUL1


def setup_inputs(seed: int = 0):
    key = jax.random.key(seed)
    ks = jax.random.split(key, 12)
    node_feats = jax.random.normal(ks[0], (N, NODE_DIM), dtype=jnp.float32)
    edge_index = jax.random.randint(ks[1], (2, E), 0, N, dtype=jnp.int32)
    edge_vectors = jax.random.normal(ks[2], (E, 3), dtype=jnp.float32)
    edge_lengths = jax.random.uniform(ks[3], (E,), minval=0.5, maxval=CUTOFF - 0.1, dtype=jnp.float32)
    W1 = jax.random.normal(ks[4], (NUM_BASIS, HIDDEN), dtype=jnp.float32) / np.sqrt(NUM_BASIS)
    b1 = jnp.zeros((HIDDEN,), dtype=jnp.float32)
    W2 = jax.random.normal(ks[5], (HIDDEN, HIDDEN), dtype=jnp.float32) / np.sqrt(HIDDEN)
    b2 = jnp.zeros((HIDDEN,), dtype=jnp.float32)
    W3 = jax.random.normal(ks[6], (HIDDEN, W_NUMEL), dtype=jnp.float32) / np.sqrt(HIDDEN)
    b3 = jnp.zeros((W_NUMEL,), dtype=jnp.float32)
    Ws = jax.random.normal(ks[7], (MUL0, MUL0), dtype=jnp.float32)
    bs = jnp.zeros((MUL0,), dtype=jnp.float32)
    Wv = jax.random.normal(ks[8], (MUL1, MUL1), dtype=jnp.float32)
    gamma_s = jnp.ones((MUL0,), dtype=jnp.float32)
    gamma_v = jnp.ones((MUL1,), dtype=jnp.float32)
    return {"node_feats": node_feats, "edge_index": edge_index, "edge_vectors": edge_vectors,
            "edge_lengths": edge_lengths, "W1": W1, "b1": b1, "W2": W2, "b2": b2, "W3": W3, "b3": b3,
            "Ws": Ws, "bs": bs, "Wv": Wv, "gamma_s": gamma_s, "gamma_v": gamma_v}


def reference(node_feats, edge_index, edge_vectors, edge_lengths, W1, b1, W2, b2, W3, b3, Ws, bs, Wv, gamma_s, gamma_v):
    row = edge_index[0]
    col = edge_index[1]
    # spherical harmonics for 1x0e + 1x1o, normalize=True, component normalization
    r_norm = jnp.linalg.norm(edge_vectors, axis=-1, keepdims=True)
    unit = edge_vectors / jnp.maximum(r_norm, 1e-9)
    sh0 = jnp.ones((edge_vectors.shape[0], 1), dtype=edge_vectors.dtype)
    sh1 = jnp.sqrt(3.0) * unit
    # Bessel radial basis
    n = jnp.arange(1, NUM_BASIS + 1, dtype=jnp.float32)
    r = edge_lengths[:, None]
    rbf = jnp.sqrt(2.0 / CUTOFF) * jnp.sin(n * jnp.pi * r / CUTOFF) / r
    # polynomial envelope (p=5)
    x = edge_lengths / CUTOFF
    env = 1.0 - 21.0 * x ** 5 + 35.0 * x ** 6 - 15.0 * x ** 7
    env = jnp.where(x < 1.0, env, 0.0)[:, None]
    # radial MLP -> per-edge tensor-product weights
    h = jax.nn.silu(rbf @ W1 + b1)
    h = jax.nn.silu(h @ W2 + b2)
    tp_w = (h @ W3 + b3) * env
    # gather sender node features
    sender = node_feats[row]
    s = sender[:, :MUL0]
    v = sender[:, MUL0:].reshape(-1, MUL1, 3)
    o1 = MUL0 * MUL0
    o2 = o1 + MUL1 * MUL0
    o3 = o2 + MUL0 * MUL1
    w1 = tp_w[:, :o1].reshape(-1, MUL0, MUL0)
    w2 = tp_w[:, o1:o2].reshape(-1, MUL1, MUL0)
    w3p = tp_w[:, o2:o3].reshape(-1, MUL0, MUL1)
    w4 = tp_w[:, o3:].reshape(-1, MUL1, MUL1)
    sh0s = sh0[:, 0:1]
    # paths to 0e output: 0e x 0e -> 0e, and 1o x 1o -> 0e (dot with CG 1/sqrt(3))
    dot = jnp.einsum('euc,ec->eu', v, sh1) / jnp.sqrt(3.0)
    o_s = jnp.einsum('euw,eu->ew', w1, s * sh0s) / np.sqrt(MUL0) + jnp.einsum('euw,eu->ew', w2, dot) / np.sqrt(MUL1)
    # paths to 1o output: 0e x 1o -> 1o, and 1o x 0e -> 1o
    o_v = jnp.einsum('euw,eu,ec->ewc', w3p, s, sh1) / np.sqrt(MUL0) + jnp.einsum('euw,euc->ewc', w4, v * sh0s[:, :, None]) / np.sqrt(MUL1)
    messages = jnp.concatenate([o_s, o_v.reshape(-1, 3 * MUL1)], axis=-1)
    # scatter-add aggregation onto destination nodes
    agg = jnp.zeros_like(node_feats).at[col].add(messages)
    # equivariant linear (mixes multiplicities within each irrep; bias only on scalars)
    a_s = agg[:, :MUL0]
    a_v = agg[:, MUL0:].reshape(-1, MUL1, 3)
    l_s = a_s @ Ws / np.sqrt(MUL0) + bs
    l_v = jnp.einsum('nuc,uw->nwc', a_v, Wv) / np.sqrt(MUL1)
    # equivariant layer norm: mean-center scalars, RMS-normalize per irrep block
    mu = jnp.mean(l_s, axis=-1, keepdims=True)
    sc = l_s - mu
    rms_s = jnp.sqrt(jnp.mean(sc ** 2, axis=-1, keepdims=True) + 1e-5)
    n_s = sc / rms_s * gamma_s
    vn2 = jnp.mean(jnp.sum(l_v ** 2, axis=-1), axis=-1, keepdims=True)
    rms_v = jnp.sqrt(vn2 + 1e-5)
    n_v = l_v / rms_v[:, :, None] * gamma_v[None, :, None]
    out = jnp.concatenate([n_s, n_v.reshape(-1, 3 * MUL1)], axis=-1)
    return node_feats + out

if __name__ == "__main__":
    import jax
    _d = setup_inputs()
    print(jax.jit(kernel)(*tuple(_d.values())))

</pallas_src>

<mosaic_0001>
#map = affine_map<(d0, d1) -> (0, 0)>
module attributes {stable_mosaic.version = 14 : i64} {
  func.func @_gather_body(%arg0: i32, %arg1: i32, %arg2: memref<10000x40xf32, #tpu.memory_space<hbm>>, %arg3: memref<1250x128xi32, #tpu.memory_space<hbm>>, %arg4: memref<160000x40xf32, #tpu.memory_space<hbm>>, %arg5: memref<40x128xi32, #tpu.memory_space<vmem>>, %arg6: memref<512x40xf32, #tpu.memory_space<vmem>>, %arg7: memref<512x40xf32, #tpu.memory_space<vmem>>, %arg8: memref<!tpu.dma_semaphore, #tpu.memory_space<semaphore_mem>>, %arg9: memref<!tpu.dma_semaphore, #tpu.memory_space<semaphore_mem>>) attributes {dimension_semantics = [#tpu.dimension_semantics<core_parallel>, #tpu.dimension_semantics<subcore_parallel>], iteration_bounds = array<i64: 2, 16>, scalar_prefetch = 0 : i64, scratch_operands = 5 : i64, tpu.core_type = #tpu.core_type<sc_vector_subcore>, window_params = [{transform_indices = #map}, {transform_indices = #map}, {transform_indices = #map}]} {
    %mul3A = arith.constant 2 : i32
    %mul3A_0 = arith.muli %arg1, %mul3A : i32
    %add3A = arith.addi %mul3A_0, %arg0 : i32
    %mul3A_1 = arith.constant 1250 : i32
    %mul3A_2 = arith.muli %add3A, %mul3A_1 : i32
    %jit3A = arith.constant 32 : i32
    %div3A = arith.divsi %mul3A_2, %jit3A : i32
    %sign3A = arith.constant 0 : i32
    %sign3A_3 = arith.cmpi sgt, %mul3A_2, %sign3A : i32
    %sign3A_4 = arith.extui %sign3A_3 : i1 to i32
    %sign3A_5 = arith.constant 0 : i32
    %sign3A_6 = arith.cmpi slt, %mul3A_2, %sign3A_5 : i32
    %sign3A_7 = arith.extui %sign3A_6 : i1 to i32
    %sign3A_8 = arith.subi %sign3A_4, %sign3A_7 : i32
    %sign3A_9 = arith.constant 0 : i32
    %sign3A_10 = arith.cmpi sgt, %jit3A, %sign3A_9 : i32
    %sign3A_11 = arith.extui %sign3A_10 : i1 to i32
    %sign3A_12 = arith.constant 0 : i32
    %sign3A_13 = arith.cmpi slt, %jit3A, %sign3A_12 : i32
    %sign3A_14 = arith.extui %sign3A_13 : i1 to i32
    %sign3A_15 = arith.subi %sign3A_11, %sign3A_14 : i32
    %ne3A = arith.cmpi ne, %sign3A_8, %sign3A_15 : i32
    %rem3A = arith.remsi %mul3A_2, %jit3A : i32
    %ne3A_16 = arith.constant 0 : i32
    %ne3A_17 = arith.cmpi ne, %rem3A, %ne3A_16 : i32
    %and3A = arith.andi %ne3A, %ne3A_17 : i1
    %sub3A = arith.constant 1 : i32
    %sub3A_18 = arith.subi %div3A, %sub3A : i32
    %select_n3A = arith.select %and3A, %sub3A_18, %div3A : i32
    %add3A_19 = arith.constant 1 : i32
    %add3A_20 = arith.addi %add3A, %add3A_19 : i32
    %mul3A_21 = arith.constant 1250 : i32
    %mul3A_22 = arith.muli %add3A_20, %mul3A_21 : i32
    %jit3A_23 = arith.constant 32 : i32
    %div3A_24 = arith.divsi %mul3A_22, %jit3A_23 : i32
    %sign3A_25 = arith.constant 0 : i32
    %sign3A_26 = arith.cmpi sgt, %mul3A_22, %sign3A_25 : i32
    %sign3A_27 = arith.extui %sign3A_26 : i1 to i32
    %sign3A_28 = arith.constant 0 : i32
    %sign3A_29 = arith.cmpi slt, %mul3A_22, %sign3A_28 : i32
    %sign3A_30 = arith.extui %sign3A_29 : i1 to i32
    %sign3A_31 = arith.subi %sign3A_27, %sign3A_30 : i32
    %sign3A_32 = arith.constant 0 : i32
    %sign3A_33 = arith.cmpi sgt, %jit3A_23, %sign3A_32 : i32
    %sign3A_34 = arith.extui %sign3A_33 : i1 to i32
    %sign3A_35 = arith.constant 0 : i32
    %sign3A_36 = arith.cmpi slt, %jit3A_23, %sign3A_35 : i32
    %sign3A_37 = arith.extui %sign3A_36 : i1 to i32
    %sign3A_38 = arith.subi %sign3A_34, %sign3A_37 : i32
    %ne3A_39 = arith.cmpi ne, %sign3A_31, %sign3A_38 : i32
    %rem3A_40 = arith.remsi %mul3A_22, %jit3A_23 : i32
    %ne3A_41 = arith.constant 0 : i32
    %ne3A_42 = arith.cmpi ne, %rem3A_40, %ne3A_41 : i32
    %and3A_43 = arith.andi %ne3A_39, %ne3A_42 : i1
    %sub3A_44 = arith.constant 1 : i32
    %sub3A_45 = arith.subi %div3A_24, %sub3A_44 : i32
    %select_n3A_46 = arith.select %and3A_43, %sub3A_45, %div3A_24 : i32
    %sub3A_47 = arith.subi %select_n3A_46, %select_n3A : i32
    "tpu.region"() ({
      %run_scoped3A = tpu.sem_alloc : memref<!tpu.dma_semaphore, #tpu.memory_space<semaphore_mem>>
      %dma_start3A_152 = arith.constant 0 : i32
      %dma_start3A_153 = tpu.memref_slice %arg3[%select_n3A, %dma_start3A_152] : memref<1250x128xi32, #tpu.memory_space<hbm>> -> memref<40x128xi32, #tpu.memory_space<hbm>>
      %dma_start3A_154 = arith.constant 0 : i32
      %dma_start3A_155 = tpu.memref_slice %arg3[%select_n3A, %dma_start3A_154] : memref<1250x128xi32, #tpu.memory_space<hbm>> -> memref<40x128xi32, #tpu.memory_space<hbm>>
      tpu.enqueue_dma source(%dma_start3A_155 : memref<40x128xi32, #tpu.memory_space<hbm>>) target(%arg5 : memref<40x128xi32, #tpu.memory_space<vmem>>) target_semaphore(%run_scoped3A : memref<!tpu.dma_semaphore, #tpu.memory_space<semaphore_mem>>)
      %dma_wait3A_156 = arith.constant 0 : i32
      %dma_wait3A_157 = tpu.memref_slice %arg3[%select_n3A, %dma_wait3A_156] : memref<1250x128xi32, #tpu.memory_space<hbm>> -> memref<40x128xi32, #tpu.memory_space<hbm>>
      %dma_wait3A_158 = arith.constant 0 : i32
      %dma_wait3A_159 = tpu.memref_slice %arg3[%select_n3A, %dma_wait3A_158] : memref<1250x128xi32, #tpu.memory_space<hbm>> -> memref<40x128xi32, #tpu.memory_space<hbm>>
      tpu.wait_dma2 semaphore(%run_scoped3A : memref<!tpu.dma_semaphore, #tpu.memory_space<semaphore_mem>>) src(%dma_wait3A_159 : memref<40x128xi32, #tpu.memory_space<hbm>>) dst(%arg5 : memref<40x128xi32, #tpu.memory_space<vmem>>)
      tpu.yield
    }) : () -> ()
    %dma_start3A = arith.constant 0 : i32
    %dma_start3A_48 = arith.constant 0 : i32
    %dma_start3A_49 = arith.constant 0 : i32
    %dma_start3A_50 = tpu.memref_slice %arg6[%dma_start3A_48, %dma_start3A_49] : memref<512x40xf32, #tpu.memory_space<vmem>> -> memref<128x40xf32, #tpu.memory_space<vmem>>
    %dma_start3A_51 = arith.constant 0 : i32
    %dma_start3A_52 = tpu.memref_slice %arg5[%dma_start3A, %dma_start3A_51] : memref<40x128xi32, #tpu.memory_space<vmem>> -> memref<1x128xi32, #tpu.memory_space<vmem>>
    %dma_start3A_53 = tpu.memref_squeeze %dma_start3A_52 : memref<1x128xi32, #tpu.memory_space<vmem>> -> memref<128xi32, #tpu.memory_space<vmem>>
    %dma_start3A_54 = arith.constant 0 : i32
    %dma_start3A_55 = arith.constant 0 : i32
    %dma_start3A_56 = tpu.memref_slice %arg2[%dma_start3A_54, %dma_start3A_55] : memref<10000x40xf32, #tpu.memory_space<hbm>> -> memref<10000x40xf32, #tpu.memory_space<hbm>>
    tpu.enqueue_indirect_dma source(%dma_start3A_56 : memref<10000x40xf32, #tpu.memory_space<hbm>>) target(%dma_start3A_50 : memref<128x40xf32, #tpu.memory_space<vmem>>) offsets(%dma_start3A_53 : memref<128xi32, #tpu.memory_space<vmem>>) semaphore(%arg8 : memref<!tpu.dma_semaphore, #tpu.memory_space<semaphore_mem>>)
    %dma_start3A_57 = arith.constant 1 : i32
    %dma_start3A_58 = arith.constant 128 : i32
    %dma_start3A_59 = arith.constant 0 : i32
    %dma_start3A_60 = tpu.memref_slice %arg6[%dma_start3A_58, %dma_start3A_59] : memref<512x40xf32, #tpu.memory_space<vmem>> -> memref<128x40xf32, #tpu.memory_space<vmem>>
    %dma_start3A_61 = arith.constant 0 : i32
    %dma_start3A_62 = tpu.memref_slice %arg5[%dma_start3A_57, %dma_start3A_61] : memref<40x128xi32, #tpu.memory_space<vmem>> -> memref<1x128xi32, #tpu.memory_space<vmem>>
    %dma_start3A_63 = tpu.memref_squeeze %dma_start3A_62 : memref<1x128xi32, #tpu.memory_space<vmem>> -> memref<128xi32, #tpu.memory_space<vmem>>
    %dma_start3A_64 = arith.constant 0 : i32
    %dma_start3A_65 = arith.constant 0 : i32
    %dma_start3A_66 = tpu.memref_slice %arg2[%dma_start3A_64, %dma_start3A_65] : memref<10000x40xf32, #tpu.memory_space<hbm>> -> memref<10000x40xf32, #tpu.memory_space<hbm>>
    tpu.enqueue_indirect_dma source(%dma_start3A_66 : memref<10000x40xf32, #tpu.memory_space<hbm>>) target(%dma_start3A_60 : memref<128x40xf32, #tpu.memory_space<vmem>>) offsets(%dma_start3A_63 : memref<128xi32, #tpu.memory_space<vmem>>) semaphore(%arg8 : memref<!tpu.dma_semaphore, #tpu.memory_space<semaphore_mem>>)
    %dma_start3A_67 = arith.constant 2 : i32
    %dma_start3A_68 = arith.constant 256 : i32
    %dma_start3A_69 = arith.constant 0 : i32
    %dma_start3A_70 = tpu.memref_slice %arg6[%dma_start3A_68, %dma_start3A_69] : memref<512x40xf32, #tpu.memory_space<vmem>> -> memref<128x40xf32, #tpu.memory_space<vmem>>
    %dma_start3A_71 = arith.constant 0 : i32
    %dma_start3A_72 = tpu.memref_slice %arg5[%dma_start3A_67, %dma_start3A_71] : memref<40x128xi32, #tpu.memory_space<vmem>> -> memref<1x128xi32, #tpu.memory_space<vmem>>
    %dma_start3A_73 = tpu.memref_squeeze %dma_start3A_72 : memref<1x128xi32, #tpu.memory_space<vmem>> -> memref<128xi32, #tpu.memory_space<vmem>>
    %dma_start3A_74 = arith.constant 0 : i32
    %dma_start3A_75 = arith.constant 0 : i32
    %dma_start3A_76 = tpu.memref_slice %arg2[%dma_start3A_74, %dma_start3A_75] : memref<10000x40xf32, #tpu.memory_space<hbm>> -> memref<10000x40xf32, #tpu.memory_space<hbm>>
    tpu.enqueue_indirect_dma source(%dma_start3A_76 : memref<10000x40xf32, #tpu.memory_space<hbm>>) target(%dma_start3A_70 : memref<128x40xf32, #tpu.memory_space<vmem>>) offsets(%dma_start3A_73 : memref<128xi32, #tpu.memory_space<vmem>>) semaphore(%arg8 : memref<!tpu.dma_semaphore, #tpu.memory_space<semaphore_mem>>)
    %dma_start3A_77 = arith.constant 3 : i32
    %dma_start3A_78 = arith.constant 384 : i32
    %dma_start3A_79 = arith.constant 0 : i32
    %dma_start3A_80 = tpu.memref_slice %arg6[%dma_start3A_78, %dma_start3A_79] : memref<512x40xf32, #tpu.memory_space<vmem>> -> memref<128x40xf32, #tpu.memory_space<vmem>>
    %dma_start3A_81 = arith.constant 0 : i32
    %dma_start3A_82 = tpu.memref_slice %arg5[%dma_start3A_77, %dma_start3A_81] : memref<40x128xi32, #tpu.memory_space<vmem>> -> memref<1x128xi32, #tpu.memory_space<vmem>>
    %dma_start3A_83 = tpu.memref_squeeze %dma_start3A_82 : memref<1x128xi32, #tpu.memory_space<vmem>> -> memref<128xi32, #tpu.memory_space<vmem>>
    %dma_start3A_84 = arith.constant 0 : i32
    %dma_start3A_85 = arith.constant 0 : i32
    %dma_start3A_86 = tpu.memref_slice %arg2[%dma_start3A_84, %dma_start3A_85] : memref<10000x40xf32, #tpu.memory_space<hbm>> -> memref<10000x40xf32, #tpu.memory_space<hbm>>
    tpu.enqueue_indirect_dma source(%dma_start3A_86 : memref<10000x40xf32, #tpu.memory_space<hbm>>) target(%dma_start3A_80 : memref<128x40xf32, #tpu.memory_space<vmem>>) offsets(%dma_start3A_83 : memref<128xi32, #tpu.memory_space<vmem>>) semaphore(%arg8 : memref<!tpu.dma_semaphore, #tpu.memory_space<semaphore_mem>>)
    %scan3A = arith.constant 0 : i32
    %scan3A_87 = arith.constant 0 : i32
    %scan3A_88 = arith.constant 4 : i32
    %scan3A_89 = arith.addi %scan3A_87, %scan3A_88 : i32
    %scan3A_90 = arith.constant 1 : i32
    scf.for %scan3A_152 = %scan3A_87 to %scan3A_89 step %scan3A_90  : i32 {
      %mul3A_153 = arith.constant 2 : i32
      %mul3A_154 = arith.muli %mul3A_153, %scan3A_152 : i32
      %add3A_155 = arith.constant 1 : i32
      %add3A_156 = arith.addi %mul3A_154, %add3A_155 : i32
      %mul3A_157 = arith.constant 4 : i32
      %mul3A_158 = arith.muli %add3A_156, %mul3A_157 : i32
      %add3A_159 = arith.constant 0 : i32
      %add3A_160 = arith.addi %mul3A_158, %add3A_159 : i32
      %dma_start3A_161 = arith.constant 0 : i32
      %dma_start3A_162 = arith.constant 0 : i32
      %dma_start3A_163 = tpu.memref_slice %arg7[%dma_start3A_161, %dma_start3A_162] : memref<512x40xf32, #tpu.memory_space<vmem>> -> memref<128x40xf32, #tpu.memory_space<vmem>>
      %dma_start3A_164 = arith.constant 0 : i32
      %dma_start3A_165 = tpu.memref_slice %arg5[%add3A_160, %dma_start3A_164] : memref<40x128xi32, #tpu.memory_space<vmem>> -> memref<1x128xi32, #tpu.memory_space<vmem>>
      %dma_start3A_166 = tpu.memref_squeeze %dma_start3A_165 : memref<1x128xi32, #tpu.memory_space<vmem>> -> memref<128xi32, #tpu.memory_space<vmem>>
      %dma_start3A_167 = arith.constant 0 : i32
      %dma_start3A_168 = arith.constant 0 : i32
      %dma_start3A_169 = tpu.memref_slice %arg2[%dma_start3A_167, %dma_start3A_168] : memref<10000x40xf32, #tpu.memory_space<hbm>> -> memref<10000x40xf32, #tpu.memory_space<hbm>>
      tpu.enqueue_indirect_dma source(%dma_start3A_169 : memref<10000x40xf32, #tpu.memory_space<hbm>>) target(%dma_start3A_163 : memref<128x40xf32, #tpu.memory_space<vmem>>) offsets(%dma_start3A_166 : memref<128xi32, #tpu.memory_space<vmem>>) semaphore(%arg9 : memref<!tpu.dma_semaphore, #tpu.memory_space<semaphore_mem>>)
      %mul3A_170 = arith.constant 4 : i32
      %mul3A_171 = arith.muli %add3A_156, %mul3A_170 : i32
      %add3A_172 = arith.constant 1 : i32
      %add3A_173 = arith.addi %mul3A_171, %add3A_172 : i32
      %dma_start3A_174 = arith.constant 128 : i32
      %dma_start3A_175 = arith.constant 0 : i32
      %dma_start3A_176 = tpu.memref_slice %arg7[%dma_start3A_174, %dma_start3A_175] : memref<512x40xf32, #tpu.memory_space<vmem>> -> memref<128x40xf32, #tpu.memory_space<vmem>>
      %dma_start3A_177 = arith.constant 0 : i32
      %dma_start3A_178 = tpu.memref_slice %arg5[%add3A_173, %dma_start3A_177] : memref<40x128xi32, #tpu.memory_space<vmem>> -> memref<1x128xi32, #tpu.memory_space<vmem>>
      %dma_start3A_179 = tpu.memref_squeeze %dma_start3A_178 : memref<1x128xi32, #tpu.memory_space<vmem>> -> memref<128xi32, #tpu.memory_space<vmem>>
      %dma_start3A_180 = arith.constant 0 : i32
      %dma_start3A_181 = arith.constant 0 : i32
      %dma_start3A_182 = tpu.memref_slice %arg2[%dma_start3A_180, %dma_start3A_181] : memref<10000x40xf32, #tpu.memory_space<hbm>> -> memref<10000x40xf32, #tpu.memory_space<hbm>>
      tpu.enqueue_indirect_dma source(%dma_start3A_182 : memref<10000x40xf32, #tpu.memory_space<hbm>>) target(%dma_start3A_176 : memref<128x40xf32, #tpu.memory_space<vmem>>) offsets(%dma_start3A_179 : memref<128xi32, #tpu.memory_space<vmem>>) semaphore(%arg9 : memref<!tpu.dma_semaphore, #tpu.memory_space<semaphore_mem>>)
      %mul3A_183 = arith.constant 4 : i32
      %mul3A_184 = arith.muli %add3A_156, %mul3A_183 : i32
      %add3A_185 = arith.constant 2 : i32
      %add3A_186 = arith.addi %mul3A_184, %add3A_185 : i32
      %dma_start3A_187 = arith.constant 256 : i32
      %dma_start3A_188 = arith.constant 0 : i32
      %dma_start3A_189 = tpu.memref_slice %arg7[%dma_start3A_187, %dma_start3A_188] : memref<512x40xf32, #tpu.memory_space<vmem>> -> memref<128x40xf32, #tpu.memory_space<vmem>>
      %dma_start3A_190 = arith.constant 0 : i32
      %dma_start3A_191 = tpu.memref_slice %arg5[%add3A_186, %dma_start3A_190] : memref<40x128xi32, #tpu.memory_space<vmem>> -> memref<1x128xi32, #tpu.memory_space<vmem>>
      %dma_start3A_192 = tpu.memref_squeeze %dma_start3A_191 : memref<1x128xi32, #tpu.memory_space<vmem>> -> memref<128xi32, #tpu.memory_space<vmem>>
      %dma_start3A_193 = arith.constant 0 : i32
      %dma_start3A_194 = arith.constant 0 : i32
      %dma_start3A_195 = tpu.memref_slice %arg2[%dma_start3A_193, %dma_start3A_194] : memref<10000x40xf32, #tpu.memory_space<hbm>> -> memref<10000x40xf32, #tpu.memory_space<hbm>>
      tpu.enqueue_indirect_dma source(%dma_start3A_195 : memref<10000x40xf32, #tpu.memory_space<hbm>>) target(%dma_start3A_189 : memref<128x40xf32, #tpu.memory_space<vmem>>) offsets(%dma_start3A_192 : memref<128xi32, #tpu.memory_space<vmem>>) semaphore(%arg9 : memref<!tpu.dma_semaphore, #tpu.memory_space<semaphore_mem>>)
      %mul3A_196 = arith.constant 4 : i32
      %mul3A_197 = arith.muli %add3A_156, %mul3A_196 : i32
      %add3A_198 = arith.constant 3 : i32
      %add3A_199 = arith.addi %mul3A_197, %add3A_198 : i32
      %dma_start3A_200 = arith.constant 384 : i32
      %dma_start3A_201 = arith.constant 0 : i32
      %dma_start3A_202 = tpu.memref_slice %arg7[%dma_start3A_200, %dma_start3A_201] : memref<512x40xf32, #tpu.memory_space<vmem>> -> memref<128x40xf32, #tpu.memory_space<vmem>>
      %dma_start3A_203 = arith.constant 0 : i32
      %dma_start3A_204 = tpu.memref_slice %arg5[%add3A_199, %dma_start3A_203] : memref<40x128xi32, #tpu.memory_space<vmem>> -> memref<1x128xi32, #tpu.memory_space<vmem>>
      %dma_start3A_205 = tpu.memref_squeeze %dma_start3A_204 : memref<1x128xi32, #tpu.memory_space<vmem>> -> memref<128xi32, #tpu.memory_space<vmem>>
      %dma_start3A_206 = arith.constant 0 : i32
      %dma_start3A_207 = arith.constant 0 : i32
      %dma_start3A_208 = tpu.memref_slice %arg2[%dma_start3A_206, %dma_start3A_207] : memref<10000x40xf32, #tpu.memory_space<hbm>> -> memref<10000x40xf32, #tpu.memory_space<hbm>>
      tpu.enqueue_indirect_dma source(%dma_start3A_208 : memref<10000x40xf32, #tpu.memory_space<hbm>>) target(%dma_start3A_202 : memref<128x40xf32, #tpu.memory_space<vmem>>) offsets(%dma_start3A_205 : memref<128xi32, #tpu.memory_space<vmem>>) semaphore(%arg9 : memref<!tpu.dma_semaphore, #tpu.memory_space<semaphore_mem>>)
      %mul3A_209 = arith.constant 4 : i32
      %mul3A_210 = arith.muli %mul3A_154, %mul3A_209 : i32
      %add3A_211 = arith.constant 0 : i32
      %add3A_212 = arith.addi %mul3A_210, %add3A_211 : i32
      %dma_wait3A_213 = arith.constant 0 : i32
      %dma_wait3A_214 = arith.constant 0 : i32
      %dma_wait3A_215 = tpu.memref_slice %arg6[%dma_wait3A_213, %dma_wait3A_214] : memref<512x40xf32, #tpu.memory_space<vmem>> -> memref<128x40xf32, #tpu.memory_space<vmem>>
      %dma_wait3A_216 = arith.constant 0 : i32
      %dma_wait3A_217 = tpu.memref_slice %arg5[%add3A_212, %dma_wait3A_216] : memref<40x128xi32, #tpu.memory_space<vmem>> -> memref<1x128xi32, #tpu.memory_space<vmem>>
      %dma_wait3A_218 = tpu.memref_squeeze %dma_wait3A_217 : memref<1x128xi32, #tpu.memory_space<vmem>> -> memref<128xi32, #tpu.memory_space<vmem>>
      %dma_wait3A_219 = arith.constant 0 : i32
      %dma_wait3A_220 = arith.constant 0 : i32
      %dma_wait3A_221 = tpu.memref_slice %arg2[%dma_wait3A_219, %dma_wait3A_220] : memref<10000x40xf32, #tpu.memory_space<hbm>> -> memref<10000x40xf32, #tpu.memory_space<hbm>>
      tpu.wait_indirect_dma semaphore(%arg8 : memref<!tpu.dma_semaphore, #tpu.memory_space<semaphore_mem>>) src(%dma_wait3A_221 : memref<10000x40xf32, #tpu.memory_space<hbm>>) dst(%dma_wait3A_215 : memref<128x40xf32, #tpu.memory_space<vmem>>)
      %mul3A_222 = arith.constant 4 : i32
      %mul3A_223 = arith.muli %mul3A_154, %mul3A_222 : i32
      %add3A_224 = arith.constant 1 : i32
      %add3A_225 = arith.addi %mul3A_223, %add3A_224 : i32
      %dma_wait3A_226 = arith.constant 128 : i32
      %dma_wait3A_227 = arith.constant 0 : i32
      %dma_wait3A_228 = tpu.memref_slice %arg6[%dma_wait3A_226, %dma_wait3A_227] : memref<512x40xf32, #tpu.memory_space<vmem>> -> memref<128x40xf32, #tpu.memory_space<vmem>>
      %dma_wait3A_229 = arith.constant 0 : i32
      %dma_wait3A_230 = tpu.memref_slice %arg5[%add3A_225, %dma_wait3A_229] : memref<40x128xi32, #tpu.memory_space<vmem>> -> memref<1x128xi32, #tpu.memory_space<vmem>>
      %dma_wait3A_231 = tpu.memref_squeeze %dma_wait3A_230 : memref<1x128xi32, #tpu.memory_space<vmem>> -> memref<128xi32, #tpu.memory_space<vmem>>
      %dma_wait3A_232 = arith.constant 0 : i32
      %dma_wait3A_233 = arith.constant 0 : i32
      %dma_wait3A_234 = tpu.memref_slice %arg2[%dma_wait3A_232, %dma_wait3A_233] : memref<10000x40xf32, #tpu.memory_space<hbm>> -> memref<10000x40xf32, #tpu.memory_space<hbm>>
      tpu.wait_indirect_dma semaphore(%arg8 : memref<!tpu.dma_semaphore, #tpu.memory_space<semaphore_mem>>) src(%dma_wait3A_234 : memref<10000x40xf32, #tpu.memory_space<hbm>>) dst(%dma_wait3A_228 : memref<128x40xf32, #tpu.memory_space<vmem>>)
      %mul3A_235 = arith.constant 4 : i32
      %mul3A_236 = arith.muli %mul3A_154, %mul3A_235 : i32
      %add3A_237 = arith.constant 2 : i32
      %add3A_238 = arith.addi %mul3A_236, %add3A_237 : i32
      %dma_wait3A_239 = arith.constant 256 : i32
      %dma_wait3A_240 = arith.constant 0 : i32
      %dma_wait3A_241 = tpu.memref_slice %arg6[%dma_wait3A_239, %dma_wait3A_240] : memref<512x40xf32, #tpu.memory_space<vmem>> -> memref<128x40xf32, #tpu.memory_space<vmem>>
      %dma_wait3A_242 = arith.constant 0 : i32
      %dma_wait3A_243 = tpu.memref_slice %arg5[%add3A_238, %dma_wait3A_242] : memref<40x128xi32, #tpu.memory_space<vmem>> -> memref<1x128xi32, #tpu.memory_space<vmem>>
      %dma_wait3A_244 = tpu.memref_squeeze %dma_wait3A_243 : memref<1x128xi32, #tpu.memory_space<vmem>> -> memref<128xi32, #tpu.memory_space<vmem>>
      %dma_wait3A_245 = arith.constant 0 : i32
      %dma_wait3A_246 = arith.constant 0 : i32
      %dma_wait3A_247 = tpu.memref_slice %arg2[%dma_wait3A_245, %dma_wait3A_246] : memref<10000x40xf32, #tpu.memory_space<hbm>> -> memref<10000x40xf32, #tpu.memory_space<hbm>>
      tpu.wait_indirect_dma semaphore(%arg8 : memref<!tpu.dma_semaphore, #tpu.memory_space<semaphore_mem>>) src(%dma_wait3A_247 : memref<10000x40xf32, #tpu.memory_space<hbm>>) dst(%dma_wait3A_241 : memref<128x40xf32, #tpu.memory_space<vmem>>)
      %mul3A_248 = arith.constant 4 : i32
      %mul3A_249 = arith.muli %mul3A_154, %mul3A_248 : i32
      %add3A_250 = arith.constant 3 : i32
      %add3A_251 = arith.addi %mul3A_249, %add3A_250 : i32
      %dma_wait3A_252 = arith.constant 384 : i32
      %dma_wait3A_253 = arith.constant 0 : i32
      %dma_wait3A_254 = tpu.memref_slice %arg6[%dma_wait3A_252, %dma_wait3A_253] : memref<512x40xf32, #tpu.memory_space<vmem>> -> memref<128x40xf32, #tpu.memory_space<vmem>>
      %dma_wait3A_255 = arith.constant 0 : i32
      %dma_wait3A_256 = tpu.memref_slice %arg5[%add3A_251, %dma_wait3A_255] : memref<40x128xi32, #tpu.memory_space<vmem>> -> memref<1x128xi32, #tpu.memory_space<vmem>>
      %dma_wait3A_257 = tpu.memref_squeeze %dma_wait3A_256 : memref<1x128xi32, #tpu.memory_space<vmem>> -> memref<128xi32, #tpu.memory_space<vmem>>
      %dma_wait3A_258 = arith.constant 0 : i32
      %dma_wait3A_259 = arith.constant 0 : i32
      %dma_wait3A_260 = tpu.memref_slice %arg2[%dma_wait3A_258, %dma_wait3A_259] : memref<10000x40xf32, #tpu.memory_space<hbm>> -> memref<10000x40xf32, #tpu.memory_space<hbm>>
      tpu.wait_indirect_dma semaphore(%arg8 : memref<!tpu.dma_semaphore, #tpu.memory_space<semaphore_mem>>) src(%dma_wait3A_260 : memref<10000x40xf32, #tpu.memory_space<hbm>>) dst(%dma_wait3A_254 : memref<128x40xf32, #tpu.memory_space<vmem>>)
      %mul3A_261 = arith.constant 4 : i32
      %mul3A_262 = arith.muli %mul3A_154, %mul3A_261 : i32
      %add3A_263 = arith.addi %select_n3A, %mul3A_262 : i32
      %mul3A_264 = arith.constant 128 : i32
      %mul3A_265 = arith.muli %add3A_263, %mul3A_264 : i32
      "tpu.region"() ({
        %run_scoped3A = tpu.sem_alloc : memref<!tpu.dma_semaphore, #tpu.memory_space<semaphore_mem>>
        %dma_start3A_381 = arith.constant 0 : i32
        %dma_start3A_382 = tpu.memref_slice %arg4[%mul3A_265, %dma_start3A_381] : memref<160000x40xf32, #tpu.memory_space<hbm>> -> memref<512x40xf32, #tpu.memory_space<hbm>>
        %dma_start3A_383 = arith.constant 0 : i32
        %dma_start3A_384 = tpu.memref_slice %arg4[%mul3A_265, %dma_start3A_383] : memref<160000x40xf32, #tpu.memory_space<hbm>> -> memref<512x40xf32, #tpu.memory_space<hbm>>
        tpu.enqueue_dma source(%arg6 : memref<512x40xf32, #tpu.memory_space<vmem>>) target(%dma_start3A_384 : memref<512x40xf32, #tpu.memory_space<hbm>>) target_semaphore(%run_scoped3A : memref<!tpu.dma_semaphore, #tpu.memory_space<semaphore_mem>>)
        %dma_wait3A_385 = arith.constant 0 : i32
        %dma_wait3A_386 = tpu.memref_slice %arg4[%mul3A_265, %dma_wait3A_385] : memref<160000x40xf32, #tpu.memory_space<hbm>> -> memref<512x40xf32, #tpu.memory_space<hbm>>
        %dma_wait3A_387 = arith.constant 0 : i32
        %dma_wait3A_388 = tpu.memref_slice %arg4[%mul3A_265, %dma_wait3A_387] : memref<160000x40xf32, #tpu.memory_space<hbm>> -> memref<512x40xf32, #tpu.memory_space<hbm>>
        tpu.wait_dma2 semaphore(%run_scoped3A : memref<!tpu.dma_semaphore, #tpu.memory_space<semaphore_mem>>) src(%arg6 : memref<512x40xf32, #tpu.memory_space<vmem>>) dst(%dma_wait3A_388 : memref<512x40xf32, #tpu.memory_space<hbm>>)
        tpu.yield
      }) : () -> ()
      %add3A_266 = arith.constant 2 : i32
      %add3A_267 = arith.addi %mul3A_154, %add3A_266 : i32
      %mul3A_268 = arith.constant 4 : i32
      %mul3A_269 = arith.muli %add3A_267, %mul3A_268 : i32
      %add3A_270 = arith.constant 0 : i32
      %add3A_271 = arith.addi %mul3A_269, %add3A_270 : i32
      %dma_start3A_272 = arith.constant 0 : i32
      %dma_start3A_273 = arith.constant 0 : i32
      %dma_start3A_274 = tpu.memref_slice %arg6[%dma_start3A_272, %dma_start3A_273] : memref<512x40xf32, #tpu.memory_space<vmem>> -> memref<128x40xf32, #tpu.memory_space<vmem>>
      %dma_start3A_275 = arith.constant 0 : i32
      %dma_start3A_276 = tpu.memref_slice %arg5[%add3A_271, %dma_start3A_275] : memref<40x128xi32, #tpu.memory_space<vmem>> -> memref<1x128xi32, #tpu.memory_space<vmem>>
      %dma_start3A_277 = tpu.memref_squeeze %dma_start3A_276 : memref<1x128xi32, #tpu.memory_space<vmem>> -> memref<128xi32, #tpu.memory_space<vmem>>
      %dma_start3A_278 = arith.constant 0 : i32
      %dma_start3A_279 = arith.constant 0 : i32
      %dma_start3A_280 = tpu.memref_slice %arg2[%dma_start3A_278, %dma_start3A_279] : memref<10000x40xf32, #tpu.memory_space<hbm>> -> memref<10000x40xf32, #tpu.memory_space<hbm>>
      tpu.enqueue_indirect_dma source(%dma_start3A_280 : memref<10000x40xf32, #tpu.memory_space<hbm>>) target(%dma_start3A_274 : memref<128x40xf32, #tpu.memory_space<vmem>>) offsets(%dma_start3A_277 : memref<128xi32, #tpu.memory_space<vmem>>) semaphore(%arg8 : memref<!tpu.dma_semaphore, #tpu.memory_space<semaphore_mem>>)
      %mul3A_281 = arith.constant 4 : i32
      %mul3A_282 = arith.muli %add3A_267, %mul3A_281 : i32
      %add3A_283 = arith.constant 1 : i32
      %add3A_284 = arith.addi %mul3A_282, %add3A_283 : i32
      %dma_start3A_285 = arith.constant 128 : i32
      %dma_start3A_286 = arith.constant 0 : i32
      %dma_start3A_287 = tpu.memref_slice %arg6[%dma_start3A_285, %dma_start3A_286] : memref<512x40xf32, #tpu.memory_space<vmem>> -> memref<128x40xf32, #tpu.memory_space<vmem>>
      %dma_start3A_288 = arith.constant 0 : i32
      %dma_start3A_289 = tpu.memref_slice %arg5[%add3A_284, %dma_start3A_288] : memref<40x128xi32, #tpu.memory_space<vmem>> -> memref<1x128xi32, #tpu.memory_space<vmem>>
      %dma_start3A_290 = tpu.memref_squeeze %dma_start3A_289 : memref<1x128xi32, #tpu.memory_space<vmem>> -> memref<128xi32, #tpu.memory_space<vmem>>
      %dma_start3A_291 = arith.constant 0 : i32
      %dma_start3A_292 = arith.constant 0 : i32
      %dma_start3A_293 = tpu.memref_slice %arg2[%dma_start3A_291, %dma_start3A_292] : memref<10000x40xf32, #tpu.memory_space<hbm>> -> memref<10000x40xf32, #tpu.memory_space<hbm>>
      tpu.enqueue_indirect_dma source(%dma_start3A_293 : memref<10000x40xf32, #tpu.memory_space<hbm>>) target(%dma_start3A_287 : memref<128x40xf32, #tpu.memory_space<vmem>>) offsets(%dma_start3A_290 : memref<128xi32, #tpu.memory_space<vmem>>) semaphore(%arg8 : memref<!tpu.dma_semaphore, #tpu.memory_space<semaphore_mem>>)
      %mul3A_294 = arith.constant 4 : i32
      %mul3A_295 = arith.muli %add3A_267, %mul3A_294 : i32
      %add3A_296 = arith.constant 2 : i32
      %add3A_297 = arith.addi %mul3A_295, %add3A_296 : i32
      %dma_start3A_298 = arith.constant 256 : i32
      %dma_start3A_299 = arith.constant 0 : i32
      %dma_start3A_300 = tpu.memref_slice %arg6[%dma_start3A_298, %dma_start3A_299] : memref<512x40xf32, #tpu.memory_space<vmem>> -> memref<128x40xf32, #tpu.memory_space<vmem>>
      %dma_start3A_301 = arith.constant 0 : i32
      %dma_start3A_302 = tpu.memref_slice %arg5[%add3A_297, %dma_start3A_301] : memref<40x128xi32, #tpu.memory_space<vmem>> -> memref<1x128xi32, #tpu.memory_space<vmem>>
      %dma_start3A_303 = tpu.memref_squeeze %dma_start3A_302 : memref<1x128xi32, #tpu.memory_space<vmem>> -> memref<128xi32, #tpu.memory_space<vmem>>
      %dma_start3A_304 = arith.constant 0 : i32
      %dma_start3A_305 = arith.constant 0 : i32
      %dma_start3A_306 = tpu.memref_slice %arg2[%dma_start3A_304, %dma_start3A_305] : memref<10000x40xf32, #tpu.memory_space<hbm>> -> memref<10000x40xf32, #tpu.memory_space<hbm>>
      tpu.enqueue_indirect_dma source(%dma_start3A_306 : memref<10000x40xf32, #tpu.memory_space<hbm>>) target(%dma_start3A_300 : memref<128x40xf32, #tpu.memory_space<vmem>>) offsets(%dma_start3A_303 : memref<128xi32, #tpu.memory_space<vmem>>) semaphore(%arg8 : memref<!tpu.dma_semaphore, #tpu.memory_space<semaphore_mem>>)
      %mul3A_307 = arith.constant 4 : i32
      %mul3A_308 = arith.muli %add3A_267, %mul3A_307 : i32
      %add3A_309 = arith.constant 3 : i32
      %add3A_310 = arith.addi %mul3A_308, %add3A_309 : i32
      %dma_start3A_311 = arith.constant 384 : i32
      %dma_start3A_312 = arith.constant 0 : i32
      %dma_start3A_313 = tpu.memref_slice %arg6[%dma_start3A_311, %dma_start3A_312] : memref<512x40xf32, #tpu.memory_space<vmem>> -> memref<128x40xf32, #tpu.memory_space<vmem>>
      %dma_start3A_314 = arith.constant 0 : i32
      %dma_start3A_315 = tpu.memref_slice %arg5[%add3A_310, %dma_start3A_314] : memref<40x128xi32, #tpu.memory_space<vmem>> -> memref<1x128xi32, #tpu.memory_space<vmem>>
      %dma_start3A_316 = tpu.memref_squeeze %dma_start3A_315 : memref<1x128xi32, #tpu.memory_space<vmem>> -> memref<128xi32, #tpu.memory_space<vmem>>
      %dma_start3A_317 = arith.constant 0 : i32
      %dma_start3A_318 = arith.constant 0 : i32
      %dma_start3A_319 = tpu.memref_slice %arg2[%dma_start3A_317, %dma_start3A_318] : memref<10000x40xf32, #tpu.memory_space<hbm>> -> memref<10000x40xf32, #tpu.memory_space<hbm>>
      tpu.enqueue_indirect_dma source(%dma_start3A_319 : memref<10000x40xf32, #tpu.memory_space<hbm>>) target(%dma_start3A_313 : memref<128x40xf32, #tpu.memory_space<vmem>>) offsets(%dma_start3A_316 : memref<128xi32, #tpu.memory_space<vmem>>) semaphore(%arg8 : memref<!tpu.dma_semaphore, #tpu.memory_space<semaphore_mem>>)
      %add3A_320 = arith.constant 1 : i32
      %add3A_321 = arith.addi %mul3A_154, %add3A_320 : i32
      %mul3A_322 = arith.constant 4 : i32
      %mul3A_323 = arith.muli %add3A_321, %mul3A_322 : i32
      %add3A_324 = arith.constant 0 : i32
      %add3A_325 = arith.addi %mul3A_323, %add3A_324 : i32
      %dma_wait3A_326 = arith.constant 0 : i32
      %dma_wait3A_327 = arith.constant 0 : i32
      %dma_wait3A_328 = tpu.memref_slice %arg7[%dma_wait3A_326, %dma_wait3A_327] : memref<512x40xf32, #tpu.memory_space<vmem>> -> memref<128x40xf32, #tpu.memory_space<vmem>>
      %dma_wait3A_329 = arith.constant 0 : i32
      %dma_wait3A_330 = tpu.memref_slice %arg5[%add3A_325, %dma_wait3A_329] : memref<40x128xi32, #tpu.memory_space<vmem>> -> memref<1x128xi32, #tpu.memory_space<vmem>>
      %dma_wait3A_331 = tpu.memref_squeeze %dma_wait3A_330 : memref<1x128xi32, #tpu.memory_space<vmem>> -> memref<128xi32, #tpu.memory_space<vmem>>
      %dma_wait3A_332 = arith.constant 0 : i32
      %dma_wait3A_333 = arith.constant 0 : i32
      %dma_wait3A_334 = tpu.memref_slice %arg2[%dma_wait3A_332, %dma_wait3A_333] : memref<10000x40xf32, #tpu.memory_space<hbm>> -> memref<10000x40xf32, #tpu.memory_space<hbm>>
      tpu.wait_indirect_dma semaphore(%arg9 : memref<!tpu.dma_semaphore, #tpu.memory_space<semaphore_mem>>) src(%dma_wait3A_334 : memref<10000x40xf32, #tpu.memory_space<hbm>>) dst(%dma_wait3A_328 : memref<128x40xf32, #tpu.memory_space<vmem>>)
      %mul3A_335 = arith.constant 4 : i32
      %mul3A_336 = arith.muli %add3A_321, %mul3A_335 : i32
      %add3A_337 = arith.constant 1 : i32
      %add3A_338 = arith.addi %mul3A_336, %add3A_337 : i32
      %dma_wait3A_339 = arith.constant 128 : i32
      %dma_wait3A_340 = arith.constant 0 : i32
      %dma_wait3A_341 = tpu.memref_slice %arg7[%dma_wait3A_339, %dma_wait3A_340] : memref<512x40xf32, #tpu.memory_space<vmem>> -> memref<128x40xf32, #tpu.memory_space<vmem>>
      %dma_wait3A_342 = arith.constant 0 : i32
      %dma_wait3A_343 = tpu.memref_slice %arg5[%add3A_338, %dma_wait3A_342] : memref<40x128xi32, #tpu.memory_space<vmem>> -> memref<1x128xi32, #tpu.memory_space<vmem>>
      %dma_wait3A_344 = tpu.memref_squeeze %dma_wait3A_343 : memref<1x128xi32, #tpu.memory_space<vmem>> -> memref<128xi32, #tpu.memory_space<vmem>>
      %dma_wait3A_345 = arith.constant 0 : i32
      %dma_wait3A_346 = arith.constant 0 : i32
      %dma_wait3A_347 = tpu.memref_slice %arg2[%dma_wait3A_345, %dma_wait3A_346] : memref<10000x40xf32, #tpu.memory_space<hbm>> -> memref<10000x40xf32, #tpu.memory_space<hbm>>
      tpu.wait_indirect_dma semaphore(%arg9 : memref<!tpu.dma_semaphore, #tpu.memory_space<semaphore_mem>>) src(%dma_wait3A_347 : memref<10000x40xf32, #tpu.memory_space<hbm>>) dst(%dma_wait3A_341 : memref<128x40xf32, #tpu.memory_space<vmem>>)
      %mul3A_348 = arith.constant 4 : i32
      %mul3A_349 = arith.muli %add3A_321, %mul3A_348 : i32
      %add3A_350 = arith.constant 2 : i32
      %add3A_351 = arith.addi %mul3A_349, %add3A_350 : i32
      %dma_wait3A_352 = arith.constant 256 : i32
      %dma_wait3A_353 = arith.constant 0 : i32
      %dma_wait3A_354 = tpu.memref_slice %arg7[%dma_wait3A_352, %dma_wait3A_353] : memref<512x40xf32, #tpu.memory_space<vmem>> -> memref<128x40xf32, #tpu.memory_space<vmem>>
      %dma_wait3A_355 = arith.constant 0 : i32
      %dma_wait3A_356 = tpu.memref_slice %arg5[%add3A_351, %dma_wait3A_355] : memref<40x128xi32, #tpu.memory_space<vmem>> -> memref<1x128xi32, #tpu.memory_space<vmem>>
      %dma_wait3A_357 = tpu.memref_squeeze %dma_wait3A_356 : memref<1x128xi32, #tpu.memory_space<vmem>> -> memref<128xi32, #tpu.memory_space<vmem>>
      %dma_wait3A_358 = arith.constant 0 : i32
      %dma_wait3A_359 = arith.constant 0 : i32
      %dma_wait3A_360 = tpu.memref_slice %arg2[%dma_wait3A_358, %dma_wait3A_359] : memref<10000x40xf32, #tpu.memory_space<hbm>> -> memref<10000x40xf32, #tpu.memory_space<hbm>>
      tpu.wait_indirect_dma semaphore(%arg9 : memref<!tpu.dma_semaphore, #tpu.memory_space<semaphore_mem>>) src(%dma_wait3A_360 : memref<10000x40xf32, #tpu.memory_space<hbm>>) dst(%dma_wait3A_354 : memref<128x40xf32, #tpu.memory_space<vmem>>)
      %mul3A_361 = arith.constant 4 : i32
      %mul3A_362 = arith.muli %add3A_321, %mul3A_361 : i32
      %add3A_363 = arith.constant 3 : i32
      %add3A_364 = arith.addi %mul3A_362, %add3A_363 : i32
      %dma_wait3A_365 = arith.constant 384 : i32
      %dma_wait3A_366 = arith.constant 0 : i32
      %dma_wait3A_367 = tpu.memref_slice %arg7[%dma_wait3A_365, %dma_wait3A_366] : memref<512x40xf32, #tpu.memory_space<vmem>> -> memref<128x40xf32, #tpu.memory_space<vmem>>
      %dma_wait3A_368 = arith.constant 0 : i32
      %dma_wait3A_369 = tpu.memref_slice %arg5[%add3A_364, %dma_wait3A_368] : memref<40x128xi32, #tpu.memory_space<vmem>> -> memref<1x128xi32, #tpu.memory_space<vmem>>
      %dma_wait3A_370 = tpu.memref_squeeze %dma_wait3A_369 : memref<1x128xi32, #tpu.memory_space<vmem>> -> memref<128xi32, #tpu.memory_space<vmem>>
      %dma_wait3A_371 = arith.constant 0 : i32
      %dma_wait3A_372 = arith.constant 0 : i32
      %dma_wait3A_373 = tpu.memref_slice %arg2[%dma_wait3A_371, %dma_wait3A_372] : memref<10000x40xf32, #tpu.memory_space<hbm>> -> memref<10000x40xf32, #tpu.memory_space<hbm>>
      tpu.wait_indirect_dma semaphore(%arg9 : memref<!tpu.dma_semaphore, #tpu.memory_space<semaphore_mem>>) src(%dma_wait3A_373 : memref<10000x40xf32, #tpu.memory_space<hbm>>) dst(%dma_wait3A_367 : memref<128x40xf32, #tpu.memory_space<vmem>>)
      %add3A_374 = arith.constant 1 : i32
      %add3A_375 = arith.addi %mul3A_154, %add3A_374 : i32
      %mul3A_376 = arith.constant 4 : i32
      %mul3A_377 = arith.muli %add3A_375, %mul3A_376 : i32
      %add3A_378 = arith.addi %select_n3A, %mul3A_377 : i32
      %mul3A_379 = arith.constant 128 : i32
      %mul3A_380 = arith.muli %add3A_378, %mul3A_379 : i32
      "tpu.region"() ({
        %run_scoped3A = tpu.sem_alloc : memref<!tpu.dma_semaphore, #tpu.memory_space<semaphore_mem>>
        %dma_start3A_381 = arith.constant 0 : i32
        %dma_start3A_382 = tpu.memref_slice %arg4[%mul3A_380, %dma_start3A_381] : memref<160000x40xf32, #tpu.memory_space<hbm>> -> memref<512x40xf32, #tpu.memory_space<hbm>>
        %dma_start3A_383 = arith.constant 0 : i32
        %dma_start3A_384 = tpu.memref_slice %arg4[%mul3A_380, %dma_start3A_383] : memref<160000x40xf32, #tpu.memory_space<hbm>> -> memref<512x40xf32, #tpu.memory_space<hbm>>
        tpu.enqueue_dma source(%arg7 : memref<512x40xf32, #tpu.memory_space<vmem>>) target(%dma_start3A_384 : memref<512x40xf32, #tpu.memory_space<hbm>>) target_semaphore(%run_scoped3A : memref<!tpu.dma_semaphore, #tpu.memory_space<semaphore_mem>>)
        %dma_wait3A_385 = arith.constant 0 : i32
        %dma_wait3A_386 = tpu.memref_slice %arg4[%mul3A_380, %dma_wait3A_385] : memref<160000x40xf32, #tpu.memory_space<hbm>> -> memref<512x40xf32, #tpu.memory_space<hbm>>
        %dma_wait3A_387 = arith.constant 0 : i32
        %dma_wait3A_388 = tpu.memref_slice %arg4[%mul3A_380, %dma_wait3A_387] : memref<160000x40xf32, #tpu.memory_space<hbm>> -> memref<512x40xf32, #tpu.memory_space<hbm>>
        tpu.wait_dma2 semaphore(%run_scoped3A : memref<!tpu.dma_semaphore, #tpu.memory_space<semaphore_mem>>) src(%arg7 : memref<512x40xf32, #tpu.memory_space<vmem>>) dst(%dma_wait3A_388 : memref<512x40xf32, #tpu.memory_space<hbm>>)
        tpu.yield
      }) : () -> ()
    }
    %scan3A_91 = arith.constant 4 : i32
    %dma_wait3A = arith.constant 32 : i32
    %dma_wait3A_92 = arith.constant 0 : i32
    %dma_wait3A_93 = arith.constant 0 : i32
    %dma_wait3A_94 = tpu.memref_slice %arg6[%dma_wait3A_92, %dma_wait3A_93] : memref<512x40xf32, #tpu.memory_space<vmem>> -> memref<128x40xf32, #tpu.memory_space<vmem>>
    %dma_wait3A_95 = arith.constant 0 : i32
    %dma_wait3A_96 = tpu.memref_slice %arg5[%dma_wait3A, %dma_wait3A_95] : memref<40x128xi32, #tpu.memory_space<vmem>> -> memref<1x128xi32, #tpu.memory_space<vmem>>
    %dma_wait3A_97 = tpu.memref_squeeze %dma_wait3A_96 : memref<1x128xi32, #tpu.memory_space<vmem>> -> memref<128xi32, #tpu.memory_space<vmem>>
    %dma_wait3A_98 = arith.constant 0 : i32
    %dma_wait3A_99 = arith.constant 0 : i32
    %dma_wait3A_100 = tpu.memref_slice %arg2[%dma_wait3A_98, %dma_wait3A_99] : memref<10000x40xf32, #tpu.memory_space<hbm>> -> memref<10000x40xf32, #tpu.memory_space<hbm>>
    tpu.wait_indirect_dma semaphore(%arg8 : memref<!tpu.dma_semaphore, #tpu.memory_space<semaphore_mem>>) src(%dma_wait3A_100 : memref<10000x40xf32, #tpu.memory_space<hbm>>) dst(%dma_wait3A_94 : memref<128x40xf32, #tpu.memory_space<vmem>>)
    %dma_wait3A_101 = arith.constant 33 : i32
    %dma_wait3A_102 = arith.constant 128 : i32
    %dma_wait3A_103 = arith.constant 0 : i32
    %dma_wait3A_104 = tpu.memref_slice %arg6[%dma_wait3A_102, %dma_wait3A_103] : memref<512x40xf32, #tpu.memory_space<vmem>> -> memref<128x40xf32, #tpu.memory_space<vmem>>
    %dma_wait3A_105 = arith.constant 0 : i32
    %dma_wait3A_106 = tpu.memref_slice %arg5[%dma_wait3A_101, %dma_wait3A_105] : memref<40x128xi32, #tpu.memory_space<vmem>> -> memref<1x128xi32, #tpu.memory_space<vmem>>
    %dma_wait3A_107 = tpu.memref_squeeze %dma_wait3A_106 : memref<1x128xi32, #tpu.memory_space<vmem>> -> memref<128xi32, #tpu.memory_space<vmem>>
    %dma_wait3A_108 = arith.constant 0 : i32
    %dma_wait3A_109 = arith.constant 0 : i32
    %dma_wait3A_110 = tpu.memref_slice %arg2[%dma_wait3A_108, %dma_wait3A_109] : memref<10000x40xf32, #tpu.memory_space<hbm>> -> memref<10000x40xf32, #tpu.memory_space<hbm>>
    tpu.wait_indirect_dma semaphore(%arg8 : memref<!tpu.dma_semaphore, #tpu.memory_space<semaphore_mem>>) src(%dma_wait3A_110 : memref<10000x40xf32, #tpu.memory_space<hbm>>) dst(%dma_wait3A_104 : memref<128x40xf32, #tpu.memory_space<vmem>>)
    %dma_wait3A_111 = arith.constant 34 : i32
    %dma_wait3A_112 = arith.constant 256 : i32
    %dma_wait3A_113 = arith.constant 0 : i32
    %dma_wait3A_114 = tpu.memref_slice %arg6[%dma_wait3A_112, %dma_wait3A_113] : memref<512x40xf32, #tpu.memory_space<vmem>> -> memref<128x40xf32, #tpu.memory_space<vmem>>
    %dma_wait3A_115 = arith.constant 0 : i32
    %dma_wait3A_116 = tpu.memref_slice %arg5[%dma_wait3A_111, %dma_wait3A_115] : memref<40x128xi32, #tpu.memory_space<vmem>> -> memref<1x128xi32, #tpu.memory_space<vmem>>
    %dma_wait3A_117 = tpu.memref_squeeze %dma_wait3A_116 : memref<1x128xi32, #tpu.memory_space<vmem>> -> memref<128xi32, #tpu.memory_space<vmem>>
    %dma_wait3A_118 = arith.constant 0 : i32
    %dma_wait3A_119 = arith.constant 0 : i32
    %dma_wait3A_120 = tpu.memref_slice %arg2[%dma_wait3A_118, %dma_wait3A_119] : memref<10000x40xf32, #tpu.memory_space<hbm>> -> memref<10000x40xf32, #tpu.memory_space<hbm>>
    tpu.wait_indirect_dma semaphore(%arg8 : memref<!tpu.dma_semaphore, #tpu.memory_space<semaphore_mem>>) src(%dma_wait3A_120 : memref<10000x40xf32, #tpu.memory_space<hbm>>) dst(%dma_wait3A_114 : memref<128x40xf32, #tpu.memory_space<vmem>>)
    %dma_wait3A_121 = arith.constant 35 : i32
    %dma_wait3A_122 = arith.constant 384 : i32
    %dma_wait3A_123 = arith.constant 0 : i32
    %dma_wait3A_124 = tpu.memref_slice %arg6[%dma_wait3A_122, %dma_wait3A_123] : memref<512x40xf32, #tpu.memory_space<vmem>> -> memref<128x40xf32, #tpu.memory_space<vmem>>
    %dma_wait3A_125 = arith.constant 0 : i32
    %dma_wait3A_126 = tpu.memref_slice %arg5[%dma_wait3A_121, %dma_wait3A_125] : memref<40x128xi32, #tpu.memory_space<vmem>> -> memref<1x128xi32, #tpu.memory_space<vmem>>
    %dma_wait3A_127 = tpu.memref_squeeze %dma_wait3A_126 : memref<1x128xi32, #tpu.memory_space<vmem>> -> memref<128xi32, #tpu.memory_space<vmem>>
    %dma_wait3A_128 = arith.constant 0 : i32
    %dma_wait3A_129 = arith.constant 0 : i32
    %dma_wait3A_130 = tpu.memref_slice %arg2[%dma_wait3A_128, %dma_wait3A_129] : memref<10000x40xf32, #tpu.memory_space<hbm>> -> memref<10000x40xf32, #tpu.memory_space<hbm>>
    tpu.wait_indirect_dma semaphore(%arg8 : memref<!tpu.dma_semaphore, #tpu.memory_space<semaphore_mem>>) src(%dma_wait3A_130 : memref<10000x40xf32, #tpu.memory_space<hbm>>) dst(%dma_wait3A_124 : memref<128x40xf32, #tpu.memory_space<vmem>>)
    %add3A_131 = arith.constant 32 : i32
    %add3A_132 = arith.addi %select_n3A, %add3A_131 : i32
    %mul3A_133 = arith.constant 128 : i32
    %mul3A_134 = arith.muli %add3A_132, %mul3A_133 : i32
    "tpu.region"() ({
      %run_scoped3A = tpu.sem_alloc : memref<!tpu.dma_semaphore, #tpu.memory_space<semaphore_mem>>
      %dma_start3A_152 = arith.constant 0 : i32
      %dma_start3A_153 = tpu.memref_slice %arg4[%mul3A_134, %dma_start3A_152] : memref<160000x40xf32, #tpu.memory_space<hbm>> -> memref<512x40xf32, #tpu.memory_space<hbm>>
      %dma_start3A_154 = arith.constant 0 : i32
      %dma_start3A_155 = tpu.memref_slice %arg4[%mul3A_134, %dma_start3A_154] : memref<160000x40xf32, #tpu.memory_space<hbm>> -> memref<512x40xf32, #tpu.memory_space<hbm>>
      tpu.enqueue_dma source(%arg6 : memref<512x40xf32, #tpu.memory_space<vmem>>) target(%dma_start3A_155 : memref<512x40xf32, #tpu.memory_space<hbm>>) target_semaphore(%run_scoped3A : memref<!tpu.dma_semaphore, #tpu.memory_space<semaphore_mem>>)
      %dma_wait3A_156 = arith.constant 0 : i32
      %dma_wait3A_157 = tpu.memref_slice %arg4[%mul3A_134, %dma_wait3A_156] : memref<160000x40xf32, #tpu.memory_space<hbm>> -> memref<512x40xf32, #tpu.memory_space<hbm>>
      %dma_wait3A_158 = arith.constant 0 : i32
      %dma_wait3A_159 = tpu.memref_slice %arg4[%mul3A_134, %dma_wait3A_158] : memref<160000x40xf32, #tpu.memory_space<hbm>> -> memref<512x40xf32, #tpu.memory_space<hbm>>
      tpu.wait_dma2 semaphore(%run_scoped3A : memref<!tpu.dma_semaphore, #tpu.memory_space<semaphore_mem>>) src(%arg6 : memref<512x40xf32, #tpu.memory_space<vmem>>) dst(%dma_wait3A_159 : memref<512x40xf32, #tpu.memory_space<hbm>>)
      tpu.yield
    }) : () -> ()
    %gt3A = arith.constant 36 : i32
    %gt3A_135 = arith.cmpi sgt, %sub3A_47, %gt3A : i32
    %convert_element_type3A = arith.extui %gt3A_135 : i1 to i32
    %cond3A = arith.constant 0 : i32
    %cond3A_136 = arith.cmpi ne, %convert_element_type3A, %cond3A : i32
    scf.if %cond3A_136 {
      %dma_start3A_152 = arith.constant 36 : i32
      %dma_start3A_153 = arith.constant 0 : i32
      %dma_start3A_154 = arith.constant 0 : i32
      %dma_start3A_155 = tpu.memref_slice %arg6[%dma_start3A_153, %dma_start3A_154] : memref<512x40xf32, #tpu.memory_space<vmem>> -> memref<128x40xf32, #tpu.memory_space<vmem>>
      %dma_start3A_156 = arith.constant 0 : i32
      %dma_start3A_157 = tpu.memref_slice %arg5[%dma_start3A_152, %dma_start3A_156] : memref<40x128xi32, #tpu.memory_space<vmem>> -> memref<1x128xi32, #tpu.memory_space<vmem>>
      %dma_start3A_158 = tpu.memref_squeeze %dma_start3A_157 : memref<1x128xi32, #tpu.memory_space<vmem>> -> memref<128xi32, #tpu.memory_space<vmem>>
      %dma_start3A_159 = arith.constant 0 : i32
      %dma_start3A_160 = arith.constant 0 : i32
      %dma_start3A_161 = tpu.memref_slice %arg2[%dma_start3A_159, %dma_start3A_160] : memref<10000x40xf32, #tpu.memory_space<hbm>> -> memref<10000x40xf32, #tpu.memory_space<hbm>>
      tpu.enqueue_indirect_dma source(%dma_start3A_161 : memref<10000x40xf32, #tpu.memory_space<hbm>>) target(%dma_start3A_155 : memref<128x40xf32, #tpu.memory_space<vmem>>) offsets(%dma_start3A_158 : memref<128xi32, #tpu.memory_space<vmem>>) semaphore(%arg8 : memref<!tpu.dma_semaphore, #tpu.memory_space<semaphore_mem>>)
      %dma_wait3A_162 = arith.constant 36 : i32
      %dma_wait3A_163 = arith.constant 0 : i32
      %dma_wait3A_164 = arith.constant 0 : i32
      %dma_wait3A_165 = tpu.memref_slice %arg6[%dma_wait3A_163, %dma_wait3A_164] : memref<512x40xf32, #tpu.memory_space<vmem>> -> memref<128x40xf32, #tpu.memory_space<vmem>>
      %dma_wait3A_166 = arith.constant 0 : i32
      %dma_wait3A_167 = tpu.memref_slice %arg5[%dma_wait3A_162, %dma_wait3A_166] : memref<40x128xi32, #tpu.memory_space<vmem>> -> memref<1x128xi32, #tpu.memory_space<vmem>>
      %dma_wait3A_168 = tpu.memref_squeeze %dma_wait3A_167 : memref<1x128xi32, #tpu.memory_space<vmem>> -> memref<128xi32, #tpu.memory_space<vmem>>
      %dma_wait3A_169 = arith.constant 0 : i32
      %dma_wait3A_170 = arith.constant 0 : i32
      %dma_wait3A_171 = tpu.memref_slice %arg2[%dma_wait3A_169, %dma_wait3A_170] : memref<10000x40xf32, #tpu.memory_space<hbm>> -> memref<10000x40xf32, #tpu.memory_space<hbm>>
      tpu.wait_indirect_dma semaphore(%arg8 : memref<!tpu.dma_semaphore, #tpu.memory_space<semaphore_mem>>) src(%dma_wait3A_171 : memref<10000x40xf32, #tpu.memory_space<hbm>>) dst(%dma_wait3A_165 : memref<128x40xf32, #tpu.memory_space<vmem>>)
      %add3A_172 = arith.constant 36 : i32
      %add3A_173 = arith.addi %select_n3A, %add3A_172 : i32
      %mul3A_174 = arith.constant 128 : i32
      %mul3A_175 = arith.muli %add3A_173, %mul3A_174 : i32
      "tpu.region"() ({
        %run_scoped3A = tpu.sem_alloc : memref<!tpu.dma_semaphore, #tpu.memory_space<semaphore_mem>>
        %dma_start3A_176 = arith.constant 0 : i32
        %dma_start3A_177 = arith.constant 0 : i32
        %dma_start3A_178 = tpu.memref_slice %arg6[%dma_start3A_176, %dma_start3A_177] : memref<512x40xf32, #tpu.memory_space<vmem>> -> memref<128x40xf32, #tpu.memory_space<vmem>>
        %dma_start3A_179 = arith.constant 0 : i32
        %dma_start3A_180 = tpu.memref_slice %arg4[%mul3A_175, %dma_start3A_179] : memref<160000x40xf32, #tpu.memory_space<hbm>> -> memref<128x40xf32, #tpu.memory_space<hbm>>
        %dma_start3A_181 = arith.constant 0 : i32
        %dma_start3A_182 = tpu.memref_slice %arg4[%mul3A_175, %dma_start3A_181] : memref<160000x40xf32, #tpu.memory_space<hbm>> -> memref<128x40xf32, #tpu.memory_space<hbm>>
        %dma_start3A_183 = arith.constant 0 : i32
        %dma_start3A_184 = arith.constant 0 : i32
        %dma_start3A_185 = tpu.memref_slice %arg6[%dma_start3A_183, %dma_start3A_184] : memref<512x40xf32, #tpu.memory_space<vmem>> -> memref<128x40xf32, #tpu.memory_space<vmem>>
        tpu.enqueue_dma source(%dma_start3A_185 : memref<128x40xf32, #tpu.memory_space<vmem>>) target(%dma_start3A_182 : memref<128x40xf32, #tpu.memory_space<hbm>>) target_semaphore(%run_scoped3A : memref<!tpu.dma_semaphore, #tpu.memory_space<semaphore_mem>>)
        %dma_wait3A_186 = arith.constant 0 : i32
        %dma_wait3A_187 = arith.constant 0 : i32
        %dma_wait3A_188 = tpu.memref_slice %arg6[%dma_wait3A_186, %dma_wait3A_187] : memref<512x40xf32, #tpu.memory_space<vmem>> -> memref<128x40xf32, #tpu.memory_space<vmem>>
        %dma_wait3A_189 = arith.constant 0 : i32
        %dma_wait3A_190 = tpu.memref_slice %arg4[%mul3A_175, %dma_wait3A_189] : memref<160000x40xf32, #tpu.memory_space<hbm>> -> memref<128x40xf32, #tpu.memory_space<hbm>>
        %dma_wait3A_191 = arith.constant 0 : i32
        %dma_wait3A_192 = tpu.memref_slice %arg4[%mul3A_175, %dma_wait3A_191] : memref<160000x40xf32, #tpu.memory_space<hbm>> -> memref<128x40xf32, #tpu.memory_space<hbm>>
        %dma_wait3A_193 = arith.constant 0 : i32
        %dma_wait3A_194 = arith.constant 0 : i32
        %dma_wait3A_195 = tpu.memref_slice %arg6[%dma_wait3A_193, %dma_wait3A_194] : memref<512x40xf32, #tpu.memory_space<vmem>> -> memref<128x40xf32, #tpu.memory_space<vmem>>
        tpu.wait_dma2 semaphore(%run_scoped3A : memref<!tpu.dma_semaphore, #tpu.memory_space<semaphore_mem>>) src(%dma_wait3A_195 : memref<128x40xf32, #tpu.memory_space<vmem>>) dst(%dma_wait3A_192 : memref<128x40xf32, #tpu.memory_space<hbm>>)
        tpu.yield
      }) : () -> ()
    } else {
    }
    %gt3A_137 = arith.constant 37 : i32
    %gt3A_138 = arith.cmpi sgt, %sub3A_47, %gt3A_137 : i32
    %convert_element_type3A_139 = arith.extui %gt3A_138 : i1 to i32
    %cond3A_140 = arith.constant 0 : i32
    %cond3A_141 = arith.cmpi ne, %convert_element_type3A_139, %cond3A_140 : i32
    scf.if %cond3A_141 {
      %dma_start3A_152 = arith.constant 37 : i32
      %dma_start3A_153 = arith.constant 0 : i32
      %dma_start3A_154 = arith.constant 0 : i32
      %dma_start3A_155 = tpu.memref_slice %arg6[%dma_start3A_153, %dma_start3A_154] : memref<512x40xf32, #tpu.memory_space<vmem>> -> memref<128x40xf32, #tpu.memory_space<vmem>>
      %dma_start3A_156 = arith.constant 0 : i32
      %dma_start3A_157 = tpu.memref_slice %arg5[%dma_start3A_152, %dma_start3A_156] : memref<40x128xi32, #tpu.memory_space<vmem>> -> memref<1x128xi32, #tpu.memory_space<vmem>>
      %dma_start3A_158 = tpu.memref_squeeze %dma_start3A_157 : memref<1x128xi32, #tpu.memory_space<vmem>> -> memref<128xi32, #tpu.memory_space<vmem>>
      %dma_start3A_159 = arith.constant 0 : i32
      %dma_start3A_160 = arith.constant 0 : i32
      %dma_start3A_161 = tpu.memref_slice %arg2[%dma_start3A_159, %dma_start3A_160] : memref<10000x40xf32, #tpu.memory_space<hbm>> -> memref<10000x40xf32, #tpu.memory_space<hbm>>
      tpu.enqueue_indirect_dma source(%dma_start3A_161 : memref<10000x40xf32, #tpu.memory_space<hbm>>) target(%dma_start3A_155 : memref<128x40xf32, #tpu.memory_space<vmem>>) offsets(%dma_start3A_158 : memref<128xi32, #tpu.memory_space<vmem>>) semaphore(%arg8 : memref<!tpu.dma_semaphore, #tpu.memory_space<semaphore_mem>>)
      %dma_wait3A_162 = arith.constant 37 : i32
      %dma_wait3A_163 = arith.constant 0 : i32
      %dma_wait3A_164 = arith.constant 0 : i32
      %dma_wait3A_165 = tpu.memref_slice %arg6[%dma_wait3A_163, %dma_wait3A_164] : memref<512x40xf32, #tpu.memory_space<vmem>> -> memref<128x40xf32, #tpu.memory_space<vmem>>
      %dma_wait3A_166 = arith.constant 0 : i32
      %dma_wait3A_167 = tpu.memref_slice %arg5[%dma_wait3A_162, %dma_wait3A_166] : memref<40x128xi32, #tpu.memory_space<vmem>> -> memref<1x128xi32, #tpu.memory_space<vmem>>
      %dma_wait3A_168 = tpu.memref_squeeze %dma_wait3A_167 : memref<1x128xi32, #tpu.memory_space<vmem>> -> memref<128xi32, #tpu.memory_space<vmem>>
      %dma_wait3A_169 = arith.constant 0 : i32
      %dma_wait3A_170 = arith.constant 0 : i32
      %dma_wait3A_171 = tpu.memref_slice %arg2[%dma_wait3A_169, %dma_wait3A_170] : memref<10000x40xf32, #tpu.memory_space<hbm>> -> memref<10000x40xf32, #tpu.memory_space<hbm>>
      tpu.wait_indirect_dma semaphore(%arg8 : memref<!tpu.dma_semaphore, #tpu.memory_space<semaphore_mem>>) src(%dma_wait3A_171 : memref<10000x40xf32, #tpu.memory_space<hbm>>) dst(%dma_wait3A_165 : memref<128x40xf32, #tpu.memory_space<vmem>>)
      %add3A_172 = arith.constant 37 : i32
      %add3A_173 = arith.addi %select_n3A, %add3A_172 : i32
      %mul3A_174 = arith.constant 128 : i32
      %mul3A_175 = arith.muli %add3A_173, %mul3A_174 : i32
      "tpu.region"() ({
        %run_scoped3A = tpu.sem_alloc : memref<!tpu.dma_semaphore, #tpu.memory_space<semaphore_mem>>
        %dma_start3A_176 = arith.constant 0 : i32
        %dma_start3A_177 = arith.constant 0 : i32
        %dma_start3A_178 = tpu.memref_slice %arg6[%dma_start3A_176, %dma_start3A_177] : memref<512x40xf32, #tpu.memory_space<vmem>> -> memref<128x40xf32, #tpu.memory_space<vmem>>
        %dma_start3A_179 = arith.constant 0 : i32
        %dma_start3A_180 = tpu.memref_slice %arg4[%mul3A_175, %dma_start3A_179] : memref<160000x40xf32, #tpu.memory_space<hbm>> -> memref<128x40xf32, #tpu.memory_space<hbm>>
        %dma_start3A_181 = arith.constant 0 : i32
        %dma_start3A_182 = tpu.memref_slice %arg4[%mul3A_175, %dma_start3A_181] : memref<160000x40xf32, #tpu.memory_space<hbm>> -> memref<128x40xf32, #tpu.memory_space<hbm>>
        %dma_start3A_183 = arith.constant 0 : i32
        %dma_start3A_184 = arith.constant 0 : i32
        %dma_start3A_185 = tpu.memref_slice %arg6[%dma_start3A_183, %dma_start3A_184] : memref<512x40xf32, #tpu.memory_space<vmem>> -> memref<128x40xf32, #tpu.memory_space<vmem>>
        tpu.enqueue_dma source(%dma_start3A_185 : memref<128x40xf32, #tpu.memory_space<vmem>>) target(%dma_start3A_182 : memref<128x40xf32, #tpu.memory_space<hbm>>) target_semaphore(%run_scoped3A : memref<!tpu.dma_semaphore, #tpu.memory_space<semaphore_mem>>)
        %dma_wait3A_186 = arith.constant 0 : i32
        %dma_wait3A_187 = arith.constant 0 : i32
        %dma_wait3A_188 = tpu.memref_slice %arg6[%dma_wait3A_186, %dma_wait3A_187] : memref<512x40xf32, #tpu.memory_space<vmem>> -> memref<128x40xf32, #tpu.memory_space<vmem>>
        %dma_wait3A_189 = arith.constant 0 : i32
        %dma_wait3A_190 = tpu.memref_slice %arg4[%mul3A_175, %dma_wait3A_189] : memref<160000x40xf32, #tpu.memory_space<hbm>> -> memref<128x40xf32, #tpu.memory_space<hbm>>
        %dma_wait3A_191 = arith.constant 0 : i32
        %dma_wait3A_192 = tpu.memref_slice %arg4[%mul3A_175, %dma_wait3A_191] : memref<160000x40xf32, #tpu.memory_space<hbm>> -> memref<128x40xf32, #tpu.memory_space<hbm>>
        %dma_wait3A_193 = arith.constant 0 : i32
        %dma_wait3A_194 = arith.constant 0 : i32
        %dma_wait3A_195 = tpu.memref_slice %arg6[%dma_wait3A_193, %dma_wait3A_194] : memref<512x40xf32, #tpu.memory_space<vmem>> -> memref<128x40xf32, #tpu.memory_space<vmem>>
        tpu.wait_dma2 semaphore(%run_scoped3A : memref<!tpu.dma_semaphore, #tpu.memory_space<semaphore_mem>>) src(%dma_wait3A_195 : memref<128x40xf32, #tpu.memory_space<vmem>>) dst(%dma_wait3A_192 : memref<128x40xf32, #tpu.memory_space<hbm>>)
        tpu.yield
      }) : () -> ()
    } else {
    }
    %gt3A_142 = arith.constant 38 : i32
    %gt3A_143 = arith.cmpi sgt, %sub3A_47, %gt3A_142 : i32
    %convert_element_type3A_144 = arith.extui %gt3A_143 : i1 to i32
    %cond3A_145 = arith.constant 0 : i32
    %cond3A_146 = arith.cmpi ne, %convert_element_type3A_144, %cond3A_145 : i32
    scf.if %cond3A_146 {
      %dma_start3A_152 = arith.constant 38 : i32
      %dma_start3A_153 = arith.constant 0 : i32
      %dma_start3A_154 = arith.constant 0 : i32
      %dma_start3A_155 = tpu.memref_slice %arg6[%dma_start3A_153, %dma_start3A_154] : memref<512x40xf32, #tpu.memory_space<vmem>> -> memref<128x40xf32, #tpu.memory_space<vmem>>
      %dma_start3A_156 = arith.constant 0 : i32
      %dma_start3A_157 = tpu.memref_slice %arg5[%dma_start3A_152, %dma_start3A_156] : memref<40x128xi32, #tpu.memory_space<vmem>> -> memref<1x128xi32, #tpu.memory_space<vmem>>
      %dma_start3A_158 = tpu.memref_squeeze %dma_start3A_157 : memref<1x128xi32, #tpu.memory_space<vmem>> -> memref<128xi32, #tpu.memory_space<vmem>>
      %dma_start3A_159 = arith.constant 0 : i32
      %dma_start3A_160 = arith.constant 0 : i32
      %dma_start3A_161 = tpu.memref_slice %arg2[%dma_start3A_159, %dma_start3A_160] : memref<10000x40xf32, #tpu.memory_space<hbm>> -> memref<10000x40xf32, #tpu.memory_space<hbm>>
      tpu.enqueue_indirect_dma source(%dma_start3A_161 : memref<10000x40xf32, #tpu.memory_space<hbm>>) target(%dma_start3A_155 : memref<128x40xf32, #tpu.memory_space<vmem>>) offsets(%dma_start3A_158 : memref<128xi32, #tpu.memory_space<vmem>>) semaphore(%arg8 : memref<!tpu.dma_semaphore, #tpu.memory_space<semaphore_mem>>)
      %dma_wait3A_162 = arith.constant 38 : i32
      %dma_wait3A_163 = arith.constant 0 : i32
      %dma_wait3A_164 = arith.constant 0 : i32
      %dma_wait3A_165 = tpu.memref_slice %arg6[%dma_wait3A_163, %dma_wait3A_164] : memref<512x40xf32, #tpu.memory_space<vmem>> -> memref<128x40xf32, #tpu.memory_space<vmem>>
      %dma_wait3A_166 = arith.constant 0 : i32
      %dma_wait3A_167 = tpu.memref_slice %arg5[%dma_wait3A_162, %dma_wait3A_166] : memref<40x128xi32, #tpu.memory_space<vmem>> -> memref<1x128xi32, #tpu.memory_space<vmem>>
      %dma_wait3A_168 = tpu.memref_squeeze %dma_wait3A_167 : memref<1x128xi32, #tpu.memory_space<vmem>> -> memref<128xi32, #tpu.memory_space<vmem>>
      %dma_wait3A_169 = arith.constant 0 : i32
      %dma_wait3A_170 = arith.constant 0 : i32
      %dma_wait3A_171 = tpu.memref_slice %arg2[%dma_wait3A_169, %dma_wait3A_170] : memref<10000x40xf32, #tpu.memory_space<hbm>> -> memref<10000x40xf32, #tpu.memory_space<hbm>>
      tpu.wait_indirect_dma semaphore(%arg8 : memref<!tpu.dma_semaphore, #tpu.memory_space<semaphore_mem>>) src(%dma_wait3A_171 : memref<10000x40xf32, #tpu.memory_space<hbm>>) dst(%dma_wait3A_165 : memref<128x40xf32, #tpu.memory_space<vmem>>)
      %add3A_172 = arith.constant 38 : i32
      %add3A_173 = arith.addi %select_n3A, %add3A_172 : i32
      %mul3A_174 = arith.constant 128 : i32
      %mul3A_175 = arith.muli %add3A_173, %mul3A_174 : i32
      "tpu.region"() ({
        %run_scoped3A = tpu.sem_alloc : memref<!tpu.dma_semaphore, #tpu.memory_space<semaphore_mem>>
        %dma_start3A_176 = arith.constant 0 : i32
        %dma_start3A_177 = arith.constant 0 : i32
        %dma_start3A_178 = tpu.memref_slice %arg6[%dma_start3A_176, %dma_start3A_177] : memref<512x40xf32, #tpu.memory_space<vmem>> -> memref<128x40xf32, #tpu.memory_space<vmem>>
        %dma_start3A_179 = arith.constant 0 : i32
        %dma_start3A_180 = tpu.memref_slice %arg4[%mul3A_175, %dma_start3A_179] : memref<160000x40xf32, #tpu.memory_space<hbm>> -> memref<128x40xf32, #tpu.memory_space<hbm>>
        %dma_start3A_181 = arith.constant 0 : i32
        %dma_start3A_182 = tpu.memref_slice %arg4[%mul3A_175, %dma_start3A_181] : memref<160000x40xf32, #tpu.memory_space<hbm>> -> memref<128x40xf32, #tpu.memory_space<hbm>>
        %dma_start3A_183 = arith.constant 0 : i32
        %dma_start3A_184 = arith.constant 0 : i32
        %dma_start3A_185 = tpu.memref_slice %arg6[%dma_start3A_183, %dma_start3A_184] : memref<512x40xf32, #tpu.memory_space<vmem>> -> memref<128x40xf32, #tpu.memory_space<vmem>>
        tpu.enqueue_dma source(%dma_start3A_185 : memref<128x40xf32, #tpu.memory_space<vmem>>) target(%dma_start3A_182 : memref<128x40xf32, #tpu.memory_space<hbm>>) target_semaphore(%run_scoped3A : memref<!tpu.dma_semaphore, #tpu.memory_space<semaphore_mem>>)
        %dma_wait3A_186 = arith.constant 0 : i32
        %dma_wait3A_187 = arith.constant 0 : i32
        %dma_wait3A_188 = tpu.memref_slice %arg6[%dma_wait3A_186, %dma_wait3A_187] : memref<512x40xf32, #tpu.memory_space<vmem>> -> memref<128x40xf32, #tpu.memory_space<vmem>>
        %dma_wait3A_189 = arith.constant 0 : i32
        %dma_wait3A_190 = tpu.memref_slice %arg4[%mul3A_175, %dma_wait3A_189] : memref<160000x40xf32, #tpu.memory_space<hbm>> -> memref<128x40xf32, #tpu.memory_space<hbm>>
        %dma_wait3A_191 = arith.constant 0 : i32
        %dma_wait3A_192 = tpu.memref_slice %arg4[%mul3A_175, %dma_wait3A_191] : memref<160000x40xf32, #tpu.memory_space<hbm>> -> memref<128x40xf32, #tpu.memory_space<hbm>>
        %dma_wait3A_193 = arith.constant 0 : i32
        %dma_wait3A_194 = arith.constant 0 : i32
        %dma_wait3A_195 = tpu.memref_slice %arg6[%dma_wait3A_193, %dma_wait3A_194] : memref<512x40xf32, #tpu.memory_space<vmem>> -> memref<128x40xf32, #tpu.memory_space<vmem>>
        tpu.wait_dma2 semaphore(%run_scoped3A : memref<!tpu.dma_semaphore, #tpu.memory_space<semaphore_mem>>) src(%dma_wait3A_195 : memref<128x40xf32, #tpu.memory_space<vmem>>) dst(%dma_wait3A_192 : memref<128x40xf32, #tpu.memory_space<hbm>>)
        tpu.yield
      }) : () -> ()
    } else {
    }
    %gt3A_147 = arith.constant 39 : i32
    %gt3A_148 = arith.cmpi sgt, %sub3A_47, %gt3A_147 : i32
    %convert_element_type3A_149 = arith.extui %gt3A_148 : i1 to i32
    %cond3A_150 = arith.constant 0 : i32
    %cond3A_151 = arith.cmpi ne, %convert_element_type3A_149, %cond3A_150 : i32
    scf.if %cond3A_151 {
      %dma_start3A_152 = arith.constant 39 : i32
      %dma_start3A_153 = arith.constant 0 : i32
      %dma_start3A_154 = arith.constant 0 : i32
      %dma_start3A_155 = tpu.memref_slice %arg6[%dma_start3A_153, %dma_start3A_154] : memref<512x40xf32, #tpu.memory_space<vmem>> -> memref<128x40xf32, #tpu.memory_space<vmem>>
      %dma_start3A_156 = arith.constant 0 : i32
      %dma_start3A_157 = tpu.memref_slice %arg5[%dma_start3A_152, %dma_start3A_156] : memref<40x128xi32, #tpu.memory_space<vmem>> -> memref<1x128xi32, #tpu.memory_space<vmem>>
      %dma_start3A_158 = tpu.memref_squeeze %dma_start3A_157 : memref<1x128xi32, #tpu.memory_space<vmem>> -> memref<128xi32, #tpu.memory_space<vmem>>
      %dma_start3A_159 = arith.constant 0 : i32
      %dma_start3A_160 = arith.constant 0 : i32
      %dma_start3A_161 = tpu.memref_slice %arg2[%dma_start3A_159, %dma_start3A_160] : memref<10000x40xf32, #tpu.memory_space<hbm>> -> memref<10000x40xf32, #tpu.memory_space<hbm>>
      tpu.enqueue_indirect_dma source(%dma_start3A_161 : memref<10000x40xf32, #tpu.memory_space<hbm>>) target(%dma_start3A_155 : memref<128x40xf32, #tpu.memory_space<vmem>>) offsets(%dma_start3A_158 : memref<128xi32, #tpu.memory_space<vmem>>) semaphore(%arg8 : memref<!tpu.dma_semaphore, #tpu.memory_space<semaphore_mem>>)
      %dma_wait3A_162 = arith.constant 39 : i32
      %dma_wait3A_163 = arith.constant 0 : i32
      %dma_wait3A_164 = arith.constant 0 : i32
      %dma_wait3A_165 = tpu.memref_slice %arg6[%dma_wait3A_163, %dma_wait3A_164] : memref<512x40xf32, #tpu.memory_space<vmem>> -> memref<128x40xf32, #tpu.memory_space<vmem>>
      %dma_wait3A_166 = arith.constant 0 : i32
      %dma_wait3A_167 = tpu.memref_slice %arg5[%dma_wait3A_162, %dma_wait3A_166] : memref<40x128xi32, #tpu.memory_space<vmem>> -> memref<1x128xi32, #tpu.memory_space<vmem>>
      %dma_wait3A_168 = tpu.memref_squeeze %dma_wait3A_167 : memref<1x128xi32, #tpu.memory_space<vmem>> -> memref<128xi32, #tpu.memory_space<vmem>>
      %dma_wait3A_169 = arith.constant 0 : i32
      %dma_wait3A_170 = arith.constant 0 : i32
      %dma_wait3A_171 = tpu.memref_slice %arg2[%dma_wait3A_169, %dma_wait3A_170] : memref<10000x40xf32, #tpu.memory_space<hbm>> -> memref<10000x40xf32, #tpu.memory_space<hbm>>
      tpu.wait_indirect_dma semaphore(%arg8 : memref<!tpu.dma_semaphore, #tpu.memory_space<semaphore_mem>>) src(%dma_wait3A_171 : memref<10000x40xf32, #tpu.memory_space<hbm>>) dst(%dma_wait3A_165 : memref<128x40xf32, #tpu.memory_space<vmem>>)
      %add3A_172 = arith.constant 39 : i32
      %add3A_173 = arith.addi %select_n3A, %add3A_172 : i32
      %mul3A_174 = arith.constant 128 : i32
      %mul3A_175 = arith.muli %add3A_173, %mul3A_174 : i32
      "tpu.region"() ({
        %run_scoped3A = tpu.sem_alloc : memref<!tpu.dma_semaphore, #tpu.memory_space<semaphore_mem>>
        %dma_start3A_176 = arith.constant 0 : i32
        %dma_start3A_177 = arith.constant 0 : i32
        %dma_start3A_178 = tpu.memref_slice %arg6[%dma_start3A_176, %dma_start3A_177] : memref<512x40xf32, #tpu.memory_space<vmem>> -> memref<128x40xf32, #tpu.memory_space<vmem>>
        %dma_start3A_179 = arith.constant 0 : i32
        %dma_start3A_180 = tpu.memref_slice %arg4[%mul3A_175, %dma_start3A_179] : memref<160000x40xf32, #tpu.memory_space<hbm>> -> memref<128x40xf32, #tpu.memory_space<hbm>>
        %dma_start3A_181 = arith.constant 0 : i32
        %dma_start3A_182 = tpu.memref_slice %arg4[%mul3A_175, %dma_start3A_181] : memref<160000x40xf32, #tpu.memory_space<hbm>> -> memref<128x40xf32, #tpu.memory_space<hbm>>
        %dma_start3A_183 = arith.constant 0 : i32
        %dma_start3A_184 = arith.constant 0 : i32
        %dma_start3A_185 = tpu.memref_slice %arg6[%dma_start3A_183, %dma_start3A_184] : memref<512x40xf32, #tpu.memory_space<vmem>> -> memref<128x40xf32, #tpu.memory_space<vmem>>
        tpu.enqueue_dma source(%dma_start3A_185 : memref<128x40xf32, #tpu.memory_space<vmem>>) target(%dma_start3A_182 : memref<128x40xf32, #tpu.memory_space<hbm>>) target_semaphore(%run_scoped3A : memref<!tpu.dma_semaphore, #tpu.memory_space<semaphore_mem>>)
        %dma_wait3A_186 = arith.constant 0 : i32
        %dma_wait3A_187 = arith.constant 0 : i32
        %dma_wait3A_188 = tpu.memref_slice %arg6[%dma_wait3A_186, %dma_wait3A_187] : memref<512x40xf32, #tpu.memory_space<vmem>> -> memref<128x40xf32, #tpu.memory_space<vmem>>
        %dma_wait3A_189 = arith.constant 0 : i32
        %dma_wait3A_190 = tpu.memref_slice %arg4[%mul3A_175, %dma_wait3A_189] : memref<160000x40xf32, #tpu.memory_space<hbm>> -> memref<128x40xf32, #tpu.memory_space<hbm>>
        %dma_wait3A_191 = arith.constant 0 : i32
        %dma_wait3A_192 = tpu.memref_slice %arg4[%mul3A_175, %dma_wait3A_191] : memref<160000x40xf32, #tpu.memory_space<hbm>> -> memref<128x40xf32, #tpu.memory_space<hbm>>
        %dma_wait3A_193 = arith.constant 0 : i32
        %dma_wait3A_194 = arith.constant 0 : i32
        %dma_wait3A_195 = tpu.memref_slice %arg6[%dma_wait3A_193, %dma_wait3A_194] : memref<512x40xf32, #tpu.memory_space<vmem>> -> memref<128x40xf32, #tpu.memory_space<vmem>>
        tpu.wait_dma2 semaphore(%run_scoped3A : memref<!tpu.dma_semaphore, #tpu.memory_space<semaphore_mem>>) src(%dma_wait3A_195 : memref<128x40xf32, #tpu.memory_space<vmem>>) dst(%dma_wait3A_192 : memref<128x40xf32, #tpu.memory_space<hbm>>)
        tpu.yield
      }) : () -> ()
    } else {
    }
    return
  }
}

#map = affine_map<(d0, d1) -> (0, 0)>
#map1 = affine_map<(d0, d1) -> (0)>
#map2 = affine_map<(d0, d1) -> (0, 0, 0)>
module attributes {stable_mosaic.version = 14 : i64} {
  func.func @_scatter_body(%arg0: i32, %arg1: i32, %arg2: memref<40x160000xf32, #tpu.memory_space<hbm>>, %arg3: memref<160000xi32, #tpu.memory_space<hbm>>, %arg4: memref<8x10240xf32, #tpu.memory_space<hbm>>, %arg5: memref<6x40x10240xf32, #tpu.memory_space<hbm>>, %arg6: memref<640xi32, #tpu.memory_space<vmem>>, %arg7: memref<640xi32, #tpu.memory_space<vmem>>, %arg8: memref<8x640xf32, #tpu.memory_space<vmem>>, %arg9: memref<8x640xf32, #tpu.memory_space<vmem>>, %arg10: memref<8x10240xf32, #tpu.memory_space<vmem>>, %arg11: memref<!tpu.dma_semaphore, #tpu.memory_space<semaphore_mem>>, %arg12: memref<!tpu.dma_semaphore, #tpu.memory_space<semaphore_mem>>) attributes {dimension_semantics = [#tpu.dimension_semantics<core_parallel>, #tpu.dimension_semantics<subcore_parallel>], iteration_bounds = array<i64: 2, 16>, scalar_prefetch = 0 : i64, scratch_operands = 7 : i64, tpu.core_type = #tpu.core_type<sc_vector_subcore>, window_params = [{transform_indices = #map}, {transform_indices = #map1}, {transform_indices = #map}, {transform_indices = #map2}]} {
    %jit3A = arith.constant 5 : i32
    %eq3A = arith.constant 0 : i32
    %eq3A_0 = arith.cmpi eq, %jit3A, %eq3A : i32
    %jit3A_1 = arith.constant 1 : i32
    %select_n3A = arith.select %eq3A_0, %jit3A_1, %jit3A : i32
    %rem3A = arith.remsi %arg1, %select_n3A : i32
    %ne3A = arith.constant 0 : i32
    %ne3A_2 = arith.cmpi ne, %rem3A, %ne3A : i32
    %lt3A = arith.constant 0 : i32
    %lt3A_3 = arith.cmpi slt, %rem3A, %lt3A : i32
    %lt3A_4 = arith.constant 0 : i32
    %lt3A_5 = arith.cmpi slt, %select_n3A, %lt3A_4 : i32
    %ne3A_6 = arith.xori %lt3A_3, %lt3A_5 : i1
    %and3A = arith.andi %ne3A_6, %ne3A_2 : i1
    %add3A = arith.addi %rem3A, %select_n3A : i32
    %select_n3A_7 = arith.select %and3A, %add3A, %rem3A : i32
    %jit3A_8 = arith.constant 5 : i32
    %div3A = arith.divsi %arg1, %jit3A_8 : i32
    %sign3A = arith.constant 0 : i32
    %sign3A_9 = arith.cmpi sgt, %arg1, %sign3A : i32
    %sign3A_10 = arith.extui %sign3A_9 : i1 to i32
    %sign3A_11 = arith.constant 0 : i32
    %sign3A_12 = arith.cmpi slt, %arg1, %sign3A_11 : i32
    %sign3A_13 = arith.extui %sign3A_12 : i1 to i32
    %sign3A_14 = arith.subi %sign3A_10, %sign3A_13 : i32
    %sign3A_15 = arith.constant 0 : i32
    %sign3A_16 = arith.cmpi sgt, %jit3A_8, %sign3A_15 : i32
    %sign3A_17 = arith.extui %sign3A_16 : i1 to i32
    %sign3A_18 = arith.constant 0 : i32
    %sign3A_19 = arith.cmpi slt, %jit3A_8, %sign3A_18 : i32
    %sign3A_20 = arith.extui %sign3A_19 : i1 to i32
    %sign3A_21 = arith.subi %sign3A_17, %sign3A_20 : i32
    %ne3A_22 = arith.cmpi ne, %sign3A_14, %sign3A_21 : i32
    %rem3A_23 = arith.remsi %arg1, %jit3A_8 : i32
    %ne3A_24 = arith.constant 0 : i32
    %ne3A_25 = arith.cmpi ne, %rem3A_23, %ne3A_24 : i32
    %and3A_26 = arith.andi %ne3A_22, %ne3A_25 : i1
    %sub3A = arith.constant 1 : i32
    %sub3A_27 = arith.subi %div3A, %sub3A : i32
    %select_n3A_28 = arith.select %and3A_26, %sub3A_27, %div3A : i32
    %lt3A_29 = arith.constant 15 : i32
    %lt3A_30 = arith.cmpi slt, %arg1, %lt3A_29 : i32
    "tpu.region"() ({
      %run_scoped3A = tpu.sem_alloc : memref<!tpu.dma_semaphore, #tpu.memory_space<semaphore_mem>>
      tpu.enqueue_dma source(%arg4 : memref<8x10240xf32, #tpu.memory_space<hbm>>) target(%arg10 : memref<8x10240xf32, #tpu.memory_space<vmem>>) target_semaphore(%run_scoped3A : memref<!tpu.dma_semaphore, #tpu.memory_space<semaphore_mem>>)
      tpu.wait_dma2 semaphore(%run_scoped3A : memref<!tpu.dma_semaphore, #tpu.memory_space<semaphore_mem>>) src(%arg4 : memref<8x10240xf32, #tpu.memory_space<hbm>>) dst(%arg10 : memref<8x10240xf32, #tpu.memory_space<vmem>>)
      tpu.yield
    }) : () -> ()
    %broadcast_in_dim3A = arith.constant 0 : i32
    %broadcast_in_dim3A_31 = vector.broadcast %broadcast_in_dim3A : i32 to vector<16xi32>
    %broadcast_in_dim3A_32 = arith.constant 1 : i32
    %broadcast_in_dim3A_33 = vector.broadcast %broadcast_in_dim3A_32 : i32 to vector<16xi32>
    %broadcast_in_dim3A_34 = arith.constant 2 : i32
    %broadcast_in_dim3A_35 = vector.broadcast %broadcast_in_dim3A_34 : i32 to vector<16xi32>
    %broadcast_in_dim3A_36 = arith.constant 3 : i32
    %broadcast_in_dim3A_37 = vector.broadcast %broadcast_in_dim3A_36 : i32 to vector<16xi32>
    %broadcast_in_dim3A_38 = arith.constant 4 : i32
    %broadcast_in_dim3A_39 = vector.broadcast %broadcast_in_dim3A_38 : i32 to vector<16xi32>
    %broadcast_in_dim3A_40 = arith.constant 5 : i32
    %broadcast_in_dim3A_41 = vector.broadcast %broadcast_in_dim3A_40 : i32 to vector<16xi32>
    %broadcast_in_dim3A_42 = arith.constant 6 : i32
    %broadcast_in_dim3A_43 = vector.broadcast %broadcast_in_dim3A_42 : i32 to vector<16xi32>
    %broadcast_in_dim3A_44 = arith.constant 7 : i32
    %broadcast_in_dim3A_45 = vector.broadcast %broadcast_in_dim3A_44 : i32 to vector<16xi32>
    %convert_element_type3A = arith.extui %lt3A_30 : i1 to i32
    %cond3A = arith.constant 0 : i32
    %cond3A_46 = arith.cmpi ne, %convert_element_type3A, %cond3A : i32
    scf.if %cond3A_46 {
      %mul3A = arith.constant 125 : i32
      %mul3A_47 = arith.muli %arg0, %mul3A : i32
      %add3A_48 = arith.addi %mul3A_47, %select_n3A_28 : i32
      %add3A_49 = arith.constant 0 : i32
      %add3A_50 = arith.addi %add3A_48, %add3A_49 : i32
      %mul3A_51 = arith.constant 640 : i32
      %mul3A_52 = arith.muli %add3A_50, %mul3A_51 : i32
      %mul3A_53 = arith.constant 8 : i32
      %mul3A_54 = arith.muli %mul3A_53, %select_n3A_7 : i32
      %dma_start3A = tpu.memref_slice %arg3[%mul3A_52] : memref<160000xi32, #tpu.memory_space<hbm>> -> memref<640xi32, #tpu.memory_space<hbm>>
      %dma_start3A_55 = tpu.memref_slice %arg3[%mul3A_52] : memref<160000xi32, #tpu.memory_space<hbm>> -> memref<640xi32, #tpu.memory_space<hbm>>
      tpu.enqueue_dma source(%dma_start3A_55 : memref<640xi32, #tpu.memory_space<hbm>>) target(%arg6 : memref<640xi32, #tpu.memory_space<vmem>>) target_semaphore(%arg11 : memref<!tpu.dma_semaphore, #tpu.memory_space<semaphore_mem>>)
      %dma_start3A_56 = tpu.memref_slice %arg2[%mul3A_54, %mul3A_52] : memref<40x160000xf32, #tpu.memory_space<hbm>> -> memref<8x640xf32, #tpu.memory_space<hbm>>
      %dma_start3A_57 = tpu.memref_slice %arg2[%mul3A_54, %mul3A_52] : memref<40x160000xf32, #tpu.memory_space<hbm>> -> memref<8x640xf32, #tpu.memory_space<hbm>>
      tpu.enqueue_dma source(%dma_start3A_57 : memref<8x640xf32, #tpu.memory_space<hbm>>) target(%arg8 : memref<8x640xf32, #tpu.memory_space<vmem>>) target_semaphore(%arg11 : memref<!tpu.dma_semaphore, #tpu.memory_space<semaphore_mem>>)
      %scan3A = arith.constant 0 : i32
      %scan3A_58 = arith.constant 0 : i32
      %scan3A_59 = arith.constant 20 : i32
      %scan3A_60 = arith.addi %scan3A_58, %scan3A_59 : i32
      %scan3A_61 = arith.constant 1 : i32
      scf.for %scan3A_90 = %scan3A_58 to %scan3A_60 step %scan3A_61  : i32 {
        %mul3A_91 = arith.constant 2 : i32
        %mul3A_92 = arith.muli %mul3A_91, %scan3A_90 : i32
        %add3A_93 = arith.constant 1 : i32
        %add3A_94 = arith.addi %mul3A_92, %add3A_93 : i32
        %mul3A_95 = arith.constant 125 : i32
        %mul3A_96 = arith.muli %arg0, %mul3A_95 : i32
        %add3A_97 = arith.addi %mul3A_96, %select_n3A_28 : i32
        %mul3A_98 = arith.constant 3 : i32
        %mul3A_99 = arith.muli %mul3A_98, %add3A_94 : i32
        %add3A_100 = arith.addi %add3A_97, %mul3A_99 : i32
        %mul3A_101 = arith.constant 640 : i32
        %mul3A_102 = arith.muli %add3A_100, %mul3A_101 : i32
        %mul3A_103 = arith.constant 8 : i32
        %mul3A_104 = arith.muli %mul3A_103, %select_n3A_7 : i32
        %dma_start3A_105 = tpu.memref_slice %arg3[%mul3A_102] : memref<160000xi32, #tpu.memory_space<hbm>> -> memref<640xi32, #tpu.memory_space<hbm>>
        %dma_start3A_106 = tpu.memref_slice %arg3[%mul3A_102] : memref<160000xi32, #tpu.memory_space<hbm>> -> memref<640xi32, #tpu.memory_space<hbm>>
        tpu.enqueue_dma source(%dma_start3A_106 : memref<640xi32, #tpu.memory_space<hbm>>) target(%arg7 : memref<640xi32, #tpu.memory_space<vmem>>) target_semaphore(%arg12 : memref<!tpu.dma_semaphore, #tpu.memory_space<semaphore_mem>>)
        %dma_start3A_107 = tpu.memref_slice %arg2[%mul3A_104, %mul3A_102] : memref<40x160000xf32, #tpu.memory_space<hbm>> -> memref<8x640xf32, #tpu.memory_space<hbm>>
        %dma_start3A_108 = tpu.memref_slice %arg2[%mul3A_104, %mul3A_102] : memref<40x160000xf32, #tpu.memory_space<hbm>> -> memref<8x640xf32, #tpu.memory_space<hbm>>
        tpu.enqueue_dma source(%dma_start3A_108 : memref<8x640xf32, #tpu.memory_space<hbm>>) target(%arg9 : memref<8x640xf32, #tpu.memory_space<vmem>>) target_semaphore(%arg12 : memref<!tpu.dma_semaphore, #tpu.memory_space<semaphore_mem>>)
        %mul3A_109 = arith.constant 125 : i32
        %mul3A_110 = arith.muli %arg0, %mul3A_109 : i32
        %add3A_111 = arith.addi %mul3A_110, %select_n3A_28 : i32
        %mul3A_112 = arith.constant 3 : i32
        %mul3A_113 = arith.muli %mul3A_112, %mul3A_92 : i32
        %add3A_114 = arith.addi %add3A_111, %mul3A_113 : i32
        %mul3A_115 = arith.constant 640 : i32
        %mul3A_116 = arith.muli %add3A_114, %mul3A_115 : i32
        %mul3A_117 = arith.constant 8 : i32
        %mul3A_118 = arith.muli %mul3A_117, %select_n3A_7 : i32
        %dma_wait3A_119 = tpu.memref_slice %arg3[%mul3A_116] : memref<160000xi32, #tpu.memory_space<hbm>> -> memref<640xi32, #tpu.memory_space<hbm>>
        %dma_wait3A_120 = tpu.memref_slice %arg3[%mul3A_116] : memref<160000xi32, #tpu.memory_space<hbm>> -> memref<640xi32, #tpu.memory_space<hbm>>
        tpu.wait_dma2 semaphore(%arg11 : memref<!tpu.dma_semaphore, #tpu.memory_space<semaphore_mem>>) src(%dma_wait3A_120 : memref<640xi32, #tpu.memory_space<hbm>>) dst(%arg6 : memref<640xi32, #tpu.memory_space<vmem>>)
        %dma_wait3A_121 = tpu.memref_slice %arg2[%mul3A_118, %mul3A_116] : memref<40x160000xf32, #tpu.memory_space<hbm>> -> memref<8x640xf32, #tpu.memory_space<hbm>>
        %dma_wait3A_122 = tpu.memref_slice %arg2[%mul3A_118, %mul3A_116] : memref<40x160000xf32, #tpu.memory_space<hbm>> -> memref<8x640xf32, #tpu.memory_space<hbm>>
        tpu.wait_dma2 semaphore(%arg11 : memref<!tpu.dma_semaphore, #tpu.memory_space<semaphore_mem>>) src(%dma_wait3A_122 : memref<8x640xf32, #tpu.memory_space<hbm>>) dst(%arg8 : memref<8x640xf32, #tpu.memory_space<vmem>>)
        %scan3A_123 = arith.constant 0 : i32
        %scan3A_124 = arith.constant 0 : i32
        %scan3A_125 = arith.constant 40 : i32
        %scan3A_126 = arith.addi %scan3A_124, %scan3A_125 : i32
        %scan3A_127 = arith.constant 1 : i32
        scf.for %scan3A_167 = %scan3A_124 to %scan3A_126 step %scan3A_127  : i32 {
          %mul3A_168 = arith.constant 16 : i32
          %mul3A_169 = arith.muli %mul3A_168, %scan3A_167 : i32
          %get3A = arith.index_cast %mul3A_169 : i32 to index
          %get3A_170 = tpu.vector_load %arg6[%get3A] {strides = array<i32>} : memref<640xi32, #tpu.memory_space<vmem>>, vector<16xi32>,
          %mul3A_171 = arith.constant 16 : i32
          %mul3A_172 = arith.muli %mul3A_171, %scan3A_167 : i32
          %get3A_173 = arith.constant 0 : i32
          %get3A_174 = arith.index_cast %get3A_173 : i32 to index
          %get3A_175 = arith.index_cast %mul3A_172 : i32 to index
          %get3A_176 = tpu.vector_load %arg8[%get3A_174, %get3A_175] {strides = array<i32>} : memref<8x640xf32, #tpu.memory_space<vmem>>, vector<16xf32>,
          tpu.vector_store_idx %arg10[%broadcast_in_dim3A_31, %get3A_170], %get3A_176 {add = true} : memref<8x10240xf32, #tpu.memory_space<vmem>>[vector<16xi32>, vector<16xi32>], vector<16xf32>,
          %mul3A_177 = arith.constant 16 : i32
          %mul3A_178 = arith.muli %mul3A_177, %scan3A_167 : i32
          %get3A_179 = arith.constant 1 : i32
          %get3A_180 = arith.index_cast %get3A_179 : i32 to index
          %get3A_181 = arith.index_cast %mul3A_178 : i32 to index
          %get3A_182 = tpu.vector_load %arg8[%get3A_180, %get3A_181] {strides = array<i32>} : memref<8x640xf32, #tpu.memory_space<vmem>>, vector<16xf32>,
          tpu.vector_store_idx %arg10[%broadcast_in_dim3A_33, %get3A_170], %get3A_182 {add = true} : memref<8x10240xf32, #tpu.memory_space<vmem>>[vector<16xi32>, vector<16xi32>], vector<16xf32>,
          %mul3A_183 = arith.constant 16 : i32
          %mul3A_184 = arith.muli %mul3A_183, %scan3A_167 : i32
          %get3A_185 = arith.constant 2 : i32
          %get3A_186 = arith.index_cast %get3A_185 : i32 to index
          %get3A_187 = arith.index_cast %mul3A_184 : i32 to index
          %get3A_188 = tpu.vector_load %arg8[%get3A_186, %get3A_187] {strides = array<i32>} : memref<8x640xf32, #tpu.memory_space<vmem>>, vector<16xf32>,
          tpu.vector_store_idx %arg10[%broadcast_in_dim3A_35, %get3A_170], %get3A_188 {add = true} : memref<8x10240xf32, #tpu.memory_space<vmem>>[vector<16xi32>, vector<16xi32>], vector<16xf32>,
          %mul3A_189 = arith.constant 16 : i32
          %mul3A_190 = arith.muli %mul3A_189, %scan3A_167 : i32
          %get3A_191 = arith.constant 3 : i32
          %get3A_192 = arith.index_cast %get3A_191 : i32 to index
          %get3A_193 = arith.index_cast %mul3A_190 : i32 to index
          %get3A_194 = tpu.vector_load %arg8[%get3A_192, %get3A_193] {strides = array<i32>} : memref<8x640xf32, #tpu.memory_space<vmem>>, vector<16xf32>,
          tpu.vector_store_idx %arg10[%broadcast_in_dim3A_37, %get3A_170], %get3A_194 {add = true} : memref<8x10240xf32, #tpu.memory_space<vmem>>[vector<16xi32>, vector<16xi32>], vector<16xf32>,
          %mul3A_195 = arith.constant 16 : i32
          %mul3A_196 = arith.muli %mul3A_195, %scan3A_167 : i32
          %get3A_197 = arith.constant 4 : i32
          %get3A_198 = arith.index_cast %get3A_197 : i32 to index
          %get3A_199 = arith.index_cast %mul3A_196 : i32 to index
          %get3A_200 = tpu.vector_load %arg8[%get3A_198, %get3A_199] {strides = array<i32>} : memref<8x640xf32, #tpu.memory_space<vmem>>, vector<16xf32>,
          tpu.vector_store_idx %arg10[%broadcast_in_dim3A_39, %get3A_170], %get3A_200 {add = true} : memref<8x10240xf32, #tpu.memory_space<vmem>>[vector<16xi32>, vector<16xi32>], vector<16xf32>,
          %mul3A_201 = arith.constant 16 : i32
          %mul3A_202 = arith.muli %mul3A_201, %scan3A_167 : i32
          %get3A_203 = arith.constant 5 : i32
          %get3A_204 = arith.index_cast %get3A_203 : i32 to index
          %get3A_205 = arith.index_cast %mul3A_202 : i32 to index
          %get3A_206 = tpu.vector_load %arg8[%get3A_204, %get3A_205] {strides = array<i32>} : memref<8x640xf32, #tpu.memory_space<vmem>>, vector<16xf32>,
          tpu.vector_store_idx %arg10[%broadcast_in_dim3A_41, %get3A_170], %get3A_206 {add = true} : memref<8x10240xf32, #tpu.memory_space<vmem>>[vector<16xi32>, vector<16xi32>], vector<16xf32>,
          %mul3A_207 = arith.constant 16 : i32
          %mul3A_208 = arith.muli %mul3A_207, %scan3A_167 : i32
          %get3A_209 = arith.constant 6 : i32
          %get3A_210 = arith.index_cast %get3A_209 : i32 to index
          %get3A_211 = arith.index_cast %mul3A_208 : i32 to index
          %get3A_212 = tpu.vector_load %arg8[%get3A_210, %get3A_211] {strides = array<i32>} : memref<8x640xf32, #tpu.memory_space<vmem>>, vector<16xf32>,
          tpu.vector_store_idx %arg10[%broadcast_in_dim3A_43, %get3A_170], %get3A_212 {add = true} : memref<8x10240xf32, #tpu.memory_space<vmem>>[vector<16xi32>, vector<16xi32>], vector<16xf32>,
          %mul3A_213 = arith.constant 16 : i32
          %mul3A_214 = arith.muli %mul3A_213, %scan3A_167 : i32
          %get3A_215 = arith.constant 7 : i32
          %get3A_216 = arith.index_cast %get3A_215 : i32 to index
          %get3A_217 = arith.index_cast %mul3A_214 : i32 to index
          %get3A_218 = tpu.vector_load %arg8[%get3A_216, %get3A_217] {strides = array<i32>} : memref<8x640xf32, #tpu.memory_space<vmem>>, vector<16xf32>,
          tpu.vector_store_idx %arg10[%broadcast_in_dim3A_45, %get3A_170], %get3A_218 {add = true} : memref<8x10240xf32, #tpu.memory_space<vmem>>[vector<16xi32>, vector<16xi32>], vector<16xf32>,
        }
        %scan3A_128 = arith.constant 40 : i32
        %add3A_129 = arith.constant 2 : i32
        %add3A_130 = arith.addi %mul3A_92, %add3A_129 : i32
        %mul3A_131 = arith.constant 125 : i32
        %mul3A_132 = arith.muli %arg0, %mul3A_131 : i32
        %add3A_133 = arith.addi %mul3A_132, %select_n3A_28 : i32
        %mul3A_134 = arith.constant 3 : i32
        %mul3A_135 = arith.muli %mul3A_134, %add3A_130 : i32
        %add3A_136 = arith.addi %add3A_133, %mul3A_135 : i32
        %mul3A_137 = arith.constant 640 : i32
        %mul3A_138 = arith.muli %add3A_136, %mul3A_137 : i32
        %mul3A_139 = arith.constant 8 : i32
        %mul3A_140 = arith.muli %mul3A_139, %select_n3A_7 : i32
        %dma_start3A_141 = tpu.memref_slice %arg3[%mul3A_138] : memref<160000xi32, #tpu.memory_space<hbm>> -> memref<640xi32, #tpu.memory_space<hbm>>
        %dma_start3A_142 = tpu.memref_slice %arg3[%mul3A_138] : memref<160000xi32, #tpu.memory_space<hbm>> -> memref<640xi32, #tpu.memory_space<hbm>>
        tpu.enqueue_dma source(%dma_start3A_142 : memref<640xi32, #tpu.memory_space<hbm>>) target(%arg6 : memref<640xi32, #tpu.memory_space<vmem>>) target_semaphore(%arg11 : memref<!tpu.dma_semaphore, #tpu.memory_space<semaphore_mem>>)
        %dma_start3A_143 = tpu.memref_slice %arg2[%mul3A_140, %mul3A_138] : memref<40x160000xf32, #tpu.memory_space<hbm>> -> memref<8x640xf32, #tpu.memory_space<hbm>>
        %dma_start3A_144 = tpu.memref_slice %arg2[%mul3A_140, %mul3A_138] : memref<40x160000xf32, #tpu.memory_space<hbm>> -> memref<8x640xf32, #tpu.memory_space<hbm>>
        tpu.enqueue_dma source(%dma_start3A_144 : memref<8x640xf32, #tpu.memory_space<hbm>>) target(%arg8 : memref<8x640xf32, #tpu.memory_space<vmem>>) target_semaphore(%arg11 : memref<!tpu.dma_semaphore, #tpu.memory_space<semaphore_mem>>)
        %add3A_145 = arith.constant 1 : i32
        %add3A_146 = arith.addi %mul3A_92, %add3A_145 : i32
        %mul3A_147 = arith.constant 125 : i32
        %mul3A_148 = arith.muli %arg0, %mul3A_147 : i32
        %add3A_149 = arith.addi %mul3A_148, %select_n3A_28 : i32
        %mul3A_150 = arith.constant 3 : i32
        %mul3A_151 = arith.muli %mul3A_150, %add3A_146 : i32
        %add3A_152 = arith.addi %add3A_149, %mul3A_151 : i32
        %mul3A_153 = arith.constant 640 : i32
        %mul3A_154 = arith.muli %add3A_152, %mul3A_153 : i32
        %mul3A_155 = arith.constant 8 : i32
        %mul3A_156 = arith.muli %mul3A_155, %select_n3A_7 : i32
        %dma_wait3A_157 = tpu.memref_slice %arg3[%mul3A_154] : memref<160000xi32, #tpu.memory_space<hbm>> -> memref<640xi32, #tpu.memory_space<hbm>>
        %dma_wait3A_158 = tpu.memref_slice %arg3[%mul3A_154] : memref<160000xi32, #tpu.memory_space<hbm>> -> memref<640xi32, #tpu.memory_space<hbm>>
        tpu.wait_dma2 semaphore(%arg12 : memref<!tpu.dma_semaphore, #tpu.memory_space<semaphore_mem>>) src(%dma_wait3A_158 : memref<640xi32, #tpu.memory_space<hbm>>) dst(%arg7 : memref<640xi32, #tpu.memory_space<vmem>>)
        %dma_wait3A_159 = tpu.memref_slice %arg2[%mul3A_156, %mul3A_154] : memref<40x160000xf32, #tpu.memory_space<hbm>> -> memref<8x640xf32, #tpu.memory_space<hbm>>
        %dma_wait3A_160 = tpu.memref_slice %arg2[%mul3A_156, %mul3A_154] : memref<40x160000xf32, #tpu.memory_space<hbm>> -> memref<8x640xf32, #tpu.memory_space<hbm>>
        tpu.wait_dma2 semaphore(%arg12 : memref<!tpu.dma_semaphore, #tpu.memory_space<semaphore_mem>>) src(%dma_wait3A_160 : memref<8x640xf32, #tpu.memory_space<hbm>>) dst(%arg9 : memref<8x640xf32, #tpu.memory_space<vmem>>)
        %scan3A_161 = arith.constant 0 : i32
        %scan3A_162 = arith.constant 0 : i32
        %scan3A_163 = arith.constant 40 : i32
        %scan3A_164 = arith.addi %scan3A_162, %scan3A_163 : i32
        %scan3A_165 = arith.constant 1 : i32
        scf.for %scan3A_167 = %scan3A_162 to %scan3A_164 step %scan3A_165  : i32 {
          %mul3A_168 = arith.constant 16 : i32
          %mul3A_169 = arith.muli %mul3A_168, %scan3A_167 : i32
          %get3A = arith.index_cast %mul3A_169 : i32 to index
          %get3A_170 = tpu.vector_load %arg7[%get3A] {strides = array<i32>} : memref<640xi32, #tpu.memory_space<vmem>>, vector<16xi32>,
          %mul3A_171 = arith.constant 16 : i32
          %mul3A_172 = arith.muli %mul3A_171, %scan3A_167 : i32
          %get3A_173 = arith.constant 0 : i32
          %get3A_174 = arith.index_cast %get3A_173 : i32 to index
          %get3A_175 = arith.index_cast %mul3A_172 : i32 to index
          %get3A_176 = tpu.vector_load %arg9[%get3A_174, %get3A_175] {strides = array<i32>} : memref<8x640xf32, #tpu.memory_space<vmem>>, vector<16xf32>,
          tpu.vector_store_idx %arg10[%broadcast_in_dim3A_31, %get3A_170], %get3A_176 {add = true} : memref<8x10240xf32, #tpu.memory_space<vmem>>[vector<16xi32>, vector<16xi32>], vector<16xf32>,
          %mul3A_177 = arith.constant 16 : i32
          %mul3A_178 = arith.muli %mul3A_177, %scan3A_167 : i32
          %get3A_179 = arith.constant 1 : i32
          %get3A_180 = arith.index_cast %get3A_179 : i32 to index
          %get3A_181 = arith.index_cast %mul3A_178 : i32 to index
          %get3A_182 = tpu.vector_load %arg9[%get3A_180, %get3A_181] {strides = array<i32>} : memref<8x640xf32, #tpu.memory_space<vmem>>, vector<16xf32>,
          tpu.vector_store_idx %arg10[%broadcast_in_dim3A_33, %get3A_170], %get3A_182 {add = true} : memref<8x10240xf32, #tpu.memory_space<vmem>>[vector<16xi32>, vector<16xi32>], vector<16xf32>,
          %mul3A_183 = arith.constant 16 : i32
          %mul3A_184 = arith.muli %mul3A_183, %scan3A_167 : i32
          %get3A_185 = arith.constant 2 : i32
          %get3A_186 = arith.index_cast %get3A_185 : i32 to index
          %get3A_187 = arith.index_cast %mul3A_184 : i32 to index
          %get3A_188 = tpu.vector_load %arg9[%get3A_186, %get3A_187] {strides = array<i32>} : memref<8x640xf32, #tpu.memory_space<vmem>>, vector<16xf32>,
          tpu.vector_store_idx %arg10[%broadcast_in_dim3A_35, %get3A_170], %get3A_188 {add = true} : memref<8x10240xf32, #tpu.memory_space<vmem>>[vector<16xi32>, vector<16xi32>], vector<16xf32>,
          %mul3A_189 = arith.constant 16 : i32
          %mul3A_190 = arith.muli %mul3A_189, %scan3A_167 : i32
          %get3A_191 = arith.constant 3 : i32
          %get3A_192 = arith.index_cast %get3A_191 : i32 to index
          %get3A_193 = arith.index_cast %mul3A_190 : i32 to index
          %get3A_194 = tpu.vector_load %arg9[%get3A_192, %get3A_193] {strides = array<i32>} : memref<8x640xf32, #tpu.memory_space<vmem>>, vector<16xf32>,
          tpu.vector_store_idx %arg10[%broadcast_in_dim3A_37, %get3A_170], %get3A_194 {add = true} : memref<8x10240xf32, #tpu.memory_space<vmem>>[vector<16xi32>, vector<16xi32>], vector<16xf32>,
          %mul3A_195 = arith.constant 16 : i32
          %mul3A_196 = arith.muli %mul3A_195, %scan3A_167 : i32
          %get3A_197 = arith.constant 4 : i32
          %get3A_198 = arith.index_cast %get3A_197 : i32 to index
          %get3A_199 = arith.index_cast %mul3A_196 : i32 to index
          %get3A_200 = tpu.vector_load %arg9[%get3A_198, %get3A_199] {strides = array<i32>} : memref<8x640xf32, #tpu.memory_space<vmem>>, vector<16xf32>,
          tpu.vector_store_idx %arg10[%broadcast_in_dim3A_39, %get3A_170], %get3A_200 {add = true} : memref<8x10240xf32, #tpu.memory_space<vmem>>[vector<16xi32>, vector<16xi32>], vector<16xf32>,
          %mul3A_201 = arith.constant 16 : i32
          %mul3A_202 = arith.muli %mul3A_201, %scan3A_167 : i32
          %get3A_203 = arith.constant 5 : i32
          %get3A_204 = arith.index_cast %get3A_203 : i32 to index
          %get3A_205 = arith.index_cast %mul3A_202 : i32 to index
          %get3A_206 = tpu.vector_load %arg9[%get3A_204, %get3A_205] {strides = array<i32>} : memref<8x640xf32, #tpu.memory_space<vmem>>, vector<16xf32>,
          tpu.vector_store_idx %arg10[%broadcast_in_dim3A_41, %get3A_170], %get3A_206 {add = true} : memref<8x10240xf32, #tpu.memory_space<vmem>>[vector<16xi32>, vector<16xi32>], vector<16xf32>,
          %mul3A_207 = arith.constant 16 : i32
          %mul3A_208 = arith.muli %mul3A_207, %scan3A_167 : i32
          %get3A_209 = arith.constant 6 : i32
          %get3A_210 = arith.index_cast %get3A_209 : i32 to index
          %get3A_211 = arith.index_cast %mul3A_208 : i32 to index
          %get3A_212 = tpu.vector_load %arg9[%get3A_210, %get3A_211] {strides = array<i32>} : memref<8x640xf32, #tpu.memory_space<vmem>>, vector<16xf32>,
          tpu.vector_store_idx %arg10[%broadcast_in_dim3A_43, %get3A_170], %get3A_212 {add = true} : memref<8x10240xf32, #tpu.memory_space<vmem>>[vector<16xi32>, vector<16xi32>], vector<16xf32>,
          %mul3A_213 = arith.constant 16 : i32
          %mul3A_214 = arith.muli %mul3A_213, %scan3A_167 : i32
          %get3A_215 = arith.constant 7 : i32
          %get3A_216 = arith.index_cast %get3A_215 : i32 to index
          %get3A_217 = arith.index_cast %mul3A_214 : i32 to index
          %get3A_218 = tpu.vector_load %arg9[%get3A_216, %get3A_217] {strides = array<i32>} : memref<8x640xf32, #tpu.memory_space<vmem>>, vector<16xf32>,
          tpu.vector_store_idx %arg10[%broadcast_in_dim3A_45, %get3A_170], %get3A_218 {add = true} : memref<8x10240xf32, #tpu.memory_space<vmem>>[vector<16xi32>, vector<16xi32>], vector<16xf32>,
        }
        %scan3A_166 = arith.constant 40 : i32
      }
      %scan3A_62 = arith.constant 20 : i32
      %mul3A_63 = arith.constant 125 : i32
      %mul3A_64 = arith.muli %arg0, %mul3A_63 : i32
      %add3A_65 = arith.addi %mul3A_64, %select_n3A_28 : i32
      %add3A_66 = arith.constant 120 : i32
      %add3A_67 = arith.addi %add3A_65, %add3A_66 : i32
      %mul3A_68 = arith.constant 640 : i32
      %mul3A_69 = arith.muli %add3A_67, %mul3A_68 : i32
      %mul3A_70 = arith.constant 8 : i32
      %mul3A_71 = arith.muli %mul3A_70, %select_n3A_7 : i32
      %dma_wait3A = tpu.memref_slice %arg3[%mul3A_69] : memref<160000xi32, #tpu.memory_space<hbm>> -> memref<640xi32, #tpu.memory_space<hbm>>
      %dma_wait3A_72 = tpu.memref_slice %arg3[%mul3A_69] : memref<160000xi32, #tpu.memory_space<hbm>> -> memref<640xi32, #tpu.memory_space<hbm>>
      tpu.wait_dma2 semaphore(%arg11 : memref<!tpu.dma_semaphore, #tpu.memory_space<semaphore_mem>>) src(%dma_wait3A_72 : memref<640xi32, #tpu.memory_space<hbm>>) dst(%arg6 : memref<640xi32, #tpu.memory_space<vmem>>)
      %dma_wait3A_73 = tpu.memref_slice %arg2[%mul3A_71, %mul3A_69] : memref<40x160000xf32, #tpu.memory_space<hbm>> -> memref<8x640xf32, #tpu.memory_space<hbm>>
      %dma_wait3A_74 = tpu.memref_slice %arg2[%mul3A_71, %mul3A_69] : memref<40x160000xf32, #tpu.memory_space<hbm>> -> memref<8x640xf32, #tpu.memory_space<hbm>>
      tpu.wait_dma2 semaphore(%arg11 : memref<!tpu.dma_semaphore, #tpu.memory_space<semaphore_mem>>) src(%dma_wait3A_74 : memref<8x640xf32, #tpu.memory_space<hbm>>) dst(%arg8 : memref<8x640xf32, #tpu.memory_space<vmem>>)
      %scan3A_75 = arith.constant 0 : i32
      %scan3A_76 = arith.constant 0 : i32
      %scan3A_77 = arith.constant 40 : i32
      %scan3A_78 = arith.addi %scan3A_76, %scan3A_77 : i32
      %scan3A_79 = arith.constant 1 : i32
      scf.for %scan3A_90 = %scan3A_76 to %scan3A_78 step %scan3A_79  : i32 {
        %mul3A_91 = arith.constant 16 : i32
        %mul3A_92 = arith.muli %mul3A_91, %scan3A_90 : i32
        %get3A = arith.index_cast %mul3A_92 : i32 to index
        %get3A_93 = tpu.vector_load %arg6[%get3A] {strides = array<i32>} : memref<640xi32, #tpu.memory_space<vmem>>, vector<16xi32>,
        %mul3A_94 = arith.constant 16 : i32
        %mul3A_95 = arith.muli %mul3A_94, %scan3A_90 : i32
        %get3A_96 = arith.constant 0 : i32
        %get3A_97 = arith.index_cast %get3A_96 : i32 to index
        %get3A_98 = arith.index_cast %mul3A_95 : i32 to index
        %get3A_99 = tpu.vector_load %arg8[%get3A_97, %get3A_98] {strides = array<i32>} : memref<8x640xf32, #tpu.memory_space<vmem>>, vector<16xf32>,
        tpu.vector_store_idx %arg10[%broadcast_in_dim3A_31, %get3A_93], %get3A_99 {add = true} : memref<8x10240xf32, #tpu.memory_space<vmem>>[vector<16xi32>, vector<16xi32>], vector<16xf32>,
        %mul3A_100 = arith.constant 16 : i32
        %mul3A_101 = arith.muli %mul3A_100, %scan3A_90 : i32
        %get3A_102 = arith.constant 1 : i32
        %get3A_103 = arith.index_cast %get3A_102 : i32 to index
        %get3A_104 = arith.index_cast %mul3A_101 : i32 to index
        %get3A_105 = tpu.vector_load %arg8[%get3A_103, %get3A_104] {strides = array<i32>} : memref<8x640xf32, #tpu.memory_space<vmem>>, vector<16xf32>,
        tpu.vector_store_idx %arg10[%broadcast_in_dim3A_33, %get3A_93], %get3A_105 {add = true} : memref<8x10240xf32, #tpu.memory_space<vmem>>[vector<16xi32>, vector<16xi32>], vector<16xf32>,
        %mul3A_106 = arith.constant 16 : i32
        %mul3A_107 = arith.muli %mul3A_106, %scan3A_90 : i32
        %get3A_108 = arith.constant 2 : i32
        %get3A_109 = arith.index_cast %get3A_108 : i32 to index
        %get3A_110 = arith.index_cast %mul3A_107 : i32 to index
        %get3A_111 = tpu.vector_load %arg8[%get3A_109, %get3A_110] {strides = array<i32>} : memref<8x640xf32, #tpu.memory_space<vmem>>, vector<16xf32>,
        tpu.vector_store_idx %arg10[%broadcast_in_dim3A_35, %get3A_93], %get3A_111 {add = true} : memref<8x10240xf32, #tpu.memory_space<vmem>>[vector<16xi32>, vector<16xi32>], vector<16xf32>,
        %mul3A_112 = arith.constant 16 : i32
        %mul3A_113 = arith.muli %mul3A_112, %scan3A_90 : i32
        %get3A_114 = arith.constant 3 : i32
        %get3A_115 = arith.index_cast %get3A_114 : i32 to index
        %get3A_116 = arith.index_cast %mul3A_113 : i32 to index
        %get3A_117 = tpu.vector_load %arg8[%get3A_115, %get3A_116] {strides = array<i32>} : memref<8x640xf32, #tpu.memory_space<vmem>>, vector<16xf32>,
        tpu.vector_store_idx %arg10[%broadcast_in_dim3A_37, %get3A_93], %get3A_117 {add = true} : memref<8x10240xf32, #tpu.memory_space<vmem>>[vector<16xi32>, vector<16xi32>], vector<16xf32>,
        %mul3A_118 = arith.constant 16 : i32
        %mul3A_119 = arith.muli %mul3A_118, %scan3A_90 : i32
        %get3A_120 = arith.constant 4 : i32
        %get3A_121 = arith.index_cast %get3A_120 : i32 to index
        %get3A_122 = arith.index_cast %mul3A_119 : i32 to index
        %get3A_123 = tpu.vector_load %arg8[%get3A_121, %get3A_122] {strides = array<i32>} : memref<8x640xf32, #tpu.memory_space<vmem>>, vector<16xf32>,
        tpu.vector_store_idx %arg10[%broadcast_in_dim3A_39, %get3A_93], %get3A_123 {add = true} : memref<8x10240xf32, #tpu.memory_space<vmem>>[vector<16xi32>, vector<16xi32>], vector<16xf32>,
        %mul3A_124 = arith.constant 16 : i32
        %mul3A_125 = arith.muli %mul3A_124, %scan3A_90 : i32
        %get3A_126 = arith.constant 5 : i32
        %get3A_127 = arith.index_cast %get3A_126 : i32 to index
        %get3A_128 = arith.index_cast %mul3A_125 : i32 to index
        %get3A_129 = tpu.vector_load %arg8[%get3A_127, %get3A_128] {strides = array<i32>} : memref<8x640xf32, #tpu.memory_space<vmem>>, vector<16xf32>,
        tpu.vector_store_idx %arg10[%broadcast_in_dim3A_41, %get3A_93], %get3A_129 {add = true} : memref<8x10240xf32, #tpu.memory_space<vmem>>[vector<16xi32>, vector<16xi32>], vector<16xf32>,
        %mul3A_130 = arith.constant 16 : i32
        %mul3A_131 = arith.muli %mul3A_130, %scan3A_90 : i32
        %get3A_132 = arith.constant 6 : i32
        %get3A_133 = arith.index_cast %get3A_132 : i32 to index
        %get3A_134 = arith.index_cast %mul3A_131 : i32 to index
        %get3A_135 = tpu.vector_load %arg8[%get3A_133, %get3A_134] {strides = array<i32>} : memref<8x640xf32, #tpu.memory_space<vmem>>, vector<16xf32>,
        tpu.vector_store_idx %arg10[%broadcast_in_dim3A_43, %get3A_93], %get3A_135 {add = true} : memref<8x10240xf32, #tpu.memory_space<vmem>>[vector<16xi32>, vector<16xi32>], vector<16xf32>,
        %mul3A_136 = arith.constant 16 : i32
        %mul3A_137 = arith.muli %mul3A_136, %scan3A_90 : i32
        %get3A_138 = arith.constant 7 : i32
        %get3A_139 = arith.index_cast %get3A_138 : i32 to index
        %get3A_140 = arith.index_cast %mul3A_137 : i32 to index
        %get3A_141 = tpu.vector_load %arg8[%get3A_139, %get3A_140] {strides = array<i32>} : memref<8x640xf32, #tpu.memory_space<vmem>>, vector<16xf32>,
        tpu.vector_store_idx %arg10[%broadcast_in_dim3A_45, %get3A_93], %get3A_141 {add = true} : memref<8x10240xf32, #tpu.memory_space<vmem>>[vector<16xi32>, vector<16xi32>], vector<16xf32>,
      }
      %scan3A_80 = arith.constant 40 : i32
      %le3A = arith.constant 1 : i32
      %le3A_81 = arith.cmpi sle, %select_n3A_28, %le3A : i32
      %convert_element_type3A_82 = arith.extui %le3A_81 : i1 to i32
      %cond3A_83 = arith.constant 0 : i32
      %cond3A_84 = arith.cmpi ne, %convert_element_type3A_82, %cond3A_83 : i32
      scf.if %cond3A_84 {
        %mul3A_90 = arith.constant 125 : i32
        %mul3A_91 = arith.muli %arg0, %mul3A_90 : i32
        %add3A_92 = arith.constant 123 : i32
        %add3A_93 = arith.addi %mul3A_91, %add3A_92 : i32
        %add3A_94 = arith.addi %add3A_93, %select_n3A_28 : i32
        %mul3A_95 = arith.constant 640 : i32
        %mul3A_96 = arith.muli %add3A_94, %mul3A_95 : i32
        "tpu.region"() ({
          %run_scoped3A = tpu.sem_alloc : memref<!tpu.dma_semaphore, #tpu.memory_space<semaphore_mem>>
          %dma_start3A_105 = tpu.memref_slice %arg3[%mul3A_96] : memref<160000xi32, #tpu.memory_space<hbm>> -> memref<640xi32, #tpu.memory_space<hbm>>
          %dma_start3A_106 = tpu.memref_slice %arg3[%mul3A_96] : memref<160000xi32, #tpu.memory_space<hbm>> -> memref<640xi32, #tpu.memory_space<hbm>>
          tpu.enqueue_dma source(%dma_start3A_106 : memref<640xi32, #tpu.memory_space<hbm>>) target(%arg7 : memref<640xi32, #tpu.memory_space<vmem>>) target_semaphore(%run_scoped3A : memref<!tpu.dma_semaphore, #tpu.memory_space<semaphore_mem>>)
          %dma_wait3A_107 = tpu.memref_slice %arg3[%mul3A_96] : memref<160000xi32, #tpu.memory_space<hbm>> -> memref<640xi32, #tpu.memory_space<hbm>>
          %dma_wait3A_108 = tpu.memref_slice %arg3[%mul3A_96] : memref<160000xi32, #tpu.memory_space<hbm>> -> memref<640xi32, #tpu.memory_space<hbm>>
          tpu.wait_dma2 semaphore(%run_scoped3A : memref<!tpu.dma_semaphore, #tpu.memory_space<semaphore_mem>>) src(%dma_wait3A_108 : memref<640xi32, #tpu.memory_space<hbm>>) dst(%arg7 : memref<640xi32, #tpu.memory_space<vmem>>)
          tpu.yield
        }) : () -> ()
        %mul3A_97 = arith.constant 8 : i32
        %mul3A_98 = arith.muli %mul3A_97, %select_n3A_7 : i32
        "tpu.region"() ({
          %run_scoped3A = tpu.sem_alloc : memref<!tpu.dma_semaphore, #tpu.memory_space<semaphore_mem>>
          %dma_start3A_105 = tpu.memref_slice %arg2[%mul3A_98, %mul3A_96] : memref<40x160000xf32, #tpu.memory_space<hbm>> -> memref<8x640xf32, #tpu.memory_space<hbm>>
          %dma_start3A_106 = tpu.memref_slice %arg2[%mul3A_98, %mul3A_96] : memref<40x160000xf32, #tpu.memory_space<hbm>> -> memref<8x640xf32, #tpu.memory_space<hbm>>
          tpu.enqueue_dma source(%dma_start3A_106 : memref<8x640xf32, #tpu.memory_space<hbm>>) target(%arg9 : memref<8x640xf32, #tpu.memory_space<vmem>>) target_semaphore(%run_scoped3A : memref<!tpu.dma_semaphore, #tpu.memory_space<semaphore_mem>>)
          %dma_wait3A_107 = tpu.memref_slice %arg2[%mul3A_98, %mul3A_96] : memref<40x160000xf32, #tpu.memory_space<hbm>> -> memref<8x640xf32, #tpu.memory_space<hbm>>
          %dma_wait3A_108 = tpu.memref_slice %arg2[%mul3A_98, %mul3A_96] : memref<40x160000xf32, #tpu.memory_space<hbm>> -> memref<8x640xf32, #tpu.memory_space<hbm>>
          tpu.wait_dma2 semaphore(%run_scoped3A : memref<!tpu.dma_semaphore, #tpu.memory_space<semaphore_mem>>) src(%dma_wait3A_108 : memref<8x640xf32, #tpu.memory_space<hbm>>) dst(%arg9 : memref<8x640xf32, #tpu.memory_space<vmem>>)
          tpu.yield
        }) : () -> ()
        %scan3A_99 = arith.constant 0 : i32
        %scan3A_100 = arith.constant 0 : i32
        %scan3A_101 = arith.constant 40 : i32
        %scan3A_102 = arith.addi %scan3A_100, %scan3A_101 : i32
        %scan3A_103 = arith.constant 1 : i32
        scf.for %scan3A_105 = %scan3A_100 to %scan3A_102 step %scan3A_103  : i32 {
          %mul3A_106 = arith.constant 16 : i32
          %mul3A_107 = arith.muli %mul3A_106, %scan3A_105 : i32
          %get3A = arith.index_cast %mul3A_107 : i32 to index
          %get3A_108 = tpu.vector_load %arg7[%get3A] {strides = array<i32>} : memref<640xi32, #tpu.memory_space<vmem>>, vector<16xi32>,
          %mul3A_109 = arith.constant 16 : i32
          %mul3A_110 = arith.muli %mul3A_109, %scan3A_105 : i32
          %get3A_111 = arith.constant 0 : i32
          %get3A_112 = arith.index_cast %get3A_111 : i32 to index
          %get3A_113 = arith.index_cast %mul3A_110 : i32 to index
          %get3A_114 = tpu.vector_load %arg9[%get3A_112, %get3A_113] {strides = array<i32>} : memref<8x640xf32, #tpu.memory_space<vmem>>, vector<16xf32>,
          tpu.vector_store_idx %arg10[%broadcast_in_dim3A_31, %get3A_108], %get3A_114 {add = true} : memref<8x10240xf32, #tpu.memory_space<vmem>>[vector<16xi32>, vector<16xi32>], vector<16xf32>,
          %mul3A_115 = arith.constant 16 : i32
          %mul3A_116 = arith.muli %mul3A_115, %scan3A_105 : i32
          %get3A_117 = arith.constant 1 : i32
          %get3A_118 = arith.index_cast %get3A_117 : i32 to index
          %get3A_119 = arith.index_cast %mul3A_116 : i32 to index
          %get3A_120 = tpu.vector_load %arg9[%get3A_118, %get3A_119] {strides = array<i32>} : memref<8x640xf32, #tpu.memory_space<vmem>>, vector<16xf32>,
          tpu.vector_store_idx %arg10[%broadcast_in_dim3A_33, %get3A_108], %get3A_120 {add = true} : memref<8x10240xf32, #tpu.memory_space<vmem>>[vector<16xi32>, vector<16xi32>], vector<16xf32>,
          %mul3A_121 = arith.constant 16 : i32
          %mul3A_122 = arith.muli %mul3A_121, %scan3A_105 : i32
          %get3A_123 = arith.constant 2 : i32
          %get3A_124 = arith.index_cast %get3A_123 : i32 to index
          %get3A_125 = arith.index_cast %mul3A_122 : i32 to index
          %get3A_126 = tpu.vector_load %arg9[%get3A_124, %get3A_125] {strides = array<i32>} : memref<8x640xf32, #tpu.memory_space<vmem>>, vector<16xf32>,
          tpu.vector_store_idx %arg10[%broadcast_in_dim3A_35, %get3A_108], %get3A_126 {add = true} : memref<8x10240xf32, #tpu.memory_space<vmem>>[vector<16xi32>, vector<16xi32>], vector<16xf32>,
          %mul3A_127 = arith.constant 16 : i32
          %mul3A_128 = arith.muli %mul3A_127, %scan3A_105 : i32
          %get3A_129 = arith.constant 3 : i32
          %get3A_130 = arith.index_cast %get3A_129 : i32 to index
          %get3A_131 = arith.index_cast %mul3A_128 : i32 to index
          %get3A_132 = tpu.vector_load %arg9[%get3A_130, %get3A_131] {strides = array<i32>} : memref<8x640xf32, #tpu.memory_space<vmem>>, vector<16xf32>,
          tpu.vector_store_idx %arg10[%broadcast_in_dim3A_37, %get3A_108], %get3A_132 {add = true} : memref<8x10240xf32, #tpu.memory_space<vmem>>[vector<16xi32>, vector<16xi32>], vector<16xf32>,
          %mul3A_133 = arith.constant 16 : i32
          %mul3A_134 = arith.muli %mul3A_133, %scan3A_105 : i32
          %get3A_135 = arith.constant 4 : i32
          %get3A_136 = arith.index_cast %get3A_135 : i32 to index
          %get3A_137 = arith.index_cast %mul3A_134 : i32 to index
          %get3A_138 = tpu.vector_load %arg9[%get3A_136, %get3A_137] {strides = array<i32>} : memref<8x640xf32, #tpu.memory_space<vmem>>, vector<16xf32>,
          tpu.vector_store_idx %arg10[%broadcast_in_dim3A_39, %get3A_108], %get3A_138 {add = true} : memref<8x10240xf32, #tpu.memory_space<vmem>>[vector<16xi32>, vector<16xi32>], vector<16xf32>,
          %mul3A_139 = arith.constant 16 : i32
          %mul3A_140 = arith.muli %mul3A_139, %scan3A_105 : i32
          %get3A_141 = arith.constant 5 : i32
          %get3A_142 = arith.index_cast %get3A_141 : i32 to index
          %get3A_143 = arith.index_cast %mul3A_140 : i32 to index
          %get3A_144 = tpu.vector_load %arg9[%get3A_142, %get3A_143] {strides = array<i32>} : memref<8x640xf32, #tpu.memory_space<vmem>>, vector<16xf32>,
          tpu.vector_store_idx %arg10[%broadcast_in_dim3A_41, %get3A_108], %get3A_144 {add = true} : memref<8x10240xf32, #tpu.memory_space<vmem>>[vector<16xi32>, vector<16xi32>], vector<16xf32>,
          %mul3A_145 = arith.constant 16 : i32
          %mul3A_146 = arith.muli %mul3A_145, %scan3A_105 : i32
          %get3A_147 = arith.constant 6 : i32
          %get3A_148 = arith.index_cast %get3A_147 : i32 to index
          %get3A_149 = arith.index_cast %mul3A_146 : i32 to index
          %get3A_150 = tpu.vector_load %arg9[%get3A_148, %get3A_149] {strides = array<i32>} : memref<8x640xf32, #tpu.memory_space<vmem>>, vector<16xf32>,
          tpu.vector_store_idx %arg10[%broadcast_in_dim3A_43, %get3A_108], %get3A_150 {add = true} : memref<8x10240xf32, #tpu.memory_space<vmem>>[vector<16xi32>, vector<16xi32>], vector<16xf32>,
          %mul3A_151 = arith.constant 16 : i32
          %mul3A_152 = arith.muli %mul3A_151, %scan3A_105 : i32
          %get3A_153 = arith.constant 7 : i32
          %get3A_154 = arith.index_cast %get3A_153 : i32 to index
          %get3A_155 = arith.index_cast %mul3A_152 : i32 to index
          %get3A_156 = tpu.vector_load %arg9[%get3A_154, %get3A_155] {strides = array<i32>} : memref<8x640xf32, #tpu.memory_space<vmem>>, vector<16xf32>,
          tpu.vector_store_idx %arg10[%broadcast_in_dim3A_45, %get3A_108], %get3A_156 {add = true} : memref<8x10240xf32, #tpu.memory_space<vmem>>[vector<16xi32>, vector<16xi32>], vector<16xf32>,
        }
        %scan3A_104 = arith.constant 40 : i32
      } else {
      }
      %mul3A_85 = arith.constant 3 : i32
      %mul3A_86 = arith.muli %arg0, %mul3A_85 : i32
      %add3A_87 = arith.addi %mul3A_86, %select_n3A_28 : i32
      %mul3A_88 = arith.constant 8 : i32
      %mul3A_89 = arith.muli %mul3A_88, %select_n3A_7 : i32
      "tpu.region"() ({
        %run_scoped3A = tpu.sem_alloc : memref<!tpu.dma_semaphore, #tpu.memory_space<semaphore_mem>>
        %dma_start3A_90 = arith.constant 0 : i32
        %dma_start3A_91 = tpu.memref_slice %arg5[%add3A_87, %mul3A_89, %dma_start3A_90] : memref<6x40x10240xf32, #tpu.memory_space<hbm>> -> memref<1x8x10240xf32, #tpu.memory_space<hbm>>
        %dma_start3A_92 = tpu.memref_squeeze %dma_start3A_91 : memref<1x8x10240xf32, #tpu.memory_space<hbm>> -> memref<8x10240xf32, #tpu.memory_space<hbm>>
        %dma_start3A_93 = arith.constant 0 : i32
        %dma_start3A_94 = tpu.memref_slice %arg5[%add3A_87, %mul3A_89, %dma_start3A_93] : memref<6x40x10240xf32, #tpu.memory_space<hbm>> -> memref<1x8x10240xf32, #tpu.memory_space<hbm>>
        %dma_start3A_95 = tpu.memref_squeeze %dma_start3A_94 : memref<1x8x10240xf32, #tpu.memory_space<hbm>> -> memref<8x10240xf32, #tpu.memory_space<hbm>>
        tpu.enqueue_dma source(%arg10 : memref<8x10240xf32, #tpu.memory_space<vmem>>) target(%dma_start3A_95 : memref<8x10240xf32, #tpu.memory_space<hbm>>) target_semaphore(%run_scoped3A : memref<!tpu.dma_semaphore, #tpu.memory_space<semaphore_mem>>)
        %dma_wait3A_96 = arith.constant 0 : i32
        %dma_wait3A_97 = tpu.memref_slice %arg5[%add3A_87, %mul3A_89, %dma_wait3A_96] : memref<6x40x10240xf32, #tpu.memory_space<hbm>> -> memref<1x8x10240xf32, #tpu.memory_space<hbm>>
        %dma_wait3A_98 = tpu.memref_squeeze %dma_wait3A_97 : memref<1x8x10240xf32, #tpu.memory_space<hbm>> -> memref<8x10240xf32, #tpu.memory_space<hbm>>
        %dma_wait3A_99 = arith.constant 0 : i32
        %dma_wait3A_100 = tpu.memref_slice %arg5[%add3A_87, %mul3A_89, %dma_wait3A_99] : memref<6x40x10240xf32, #tpu.memory_space<hbm>> -> memref<1x8x10240xf32, #tpu.memory_space<hbm>>
        %dma_wait3A_101 = tpu.memref_squeeze %dma_wait3A_100 : memref<1x8x10240xf32, #tpu.memory_space<hbm>> -> memref<8x10240xf32, #tpu.memory_space<hbm>>
        tpu.wait_dma2 semaphore(%run_scoped3A : memref<!tpu.dma_semaphore, #tpu.memory_space<semaphore_mem>>) src(%arg10 : memref<8x10240xf32, #tpu.memory_space<vmem>>) dst(%dma_wait3A_101 : memref<8x10240xf32, #tpu.memory_space<hbm>>)
        tpu.yield
      }) : () -> ()
    } else {
    }
    return
  }
}

module attributes {stable_mosaic.version = 14 : i64} {
  func.func @_edge_body(%arg0: i32, %arg1: memref<1x3200xf32, #tpu.memory_space<vmem>>, %arg2: memref<3200x3xf32, #tpu.memory_space<vmem>>, %arg3: memref<3200x40xf32, #tpu.memory_space<vmem>>, %arg4: memref<64x9xbf16, #tpu.memory_space<vmem>>, %arg5: memref<64x65xbf16, #tpu.memory_space<vmem>>, %arg6: memref<576x65xbf16, #tpu.memory_space<vmem>>, %arg7: memref<40x3200xf32, #tpu.memory_space<vmem>>) attributes {dimension_semantics = [#tpu.dimension_semantics<arbitrary>], iteration_bounds = array<i64: 50>, scalar_prefetch = 0 : i64, scratch_operands = 0 : i64, tpu.core_type = #tpu.core_type<tc>, window_params = [{transform_indices = @transform_0, window_bounds = array<i64: 1, 3200>}, {transform_indices = @transform_1, window_bounds = array<i64: 3200, 3>}, {transform_indices = @transform_2, window_bounds = array<i64: 3200, 40>}, {pipeline_mode = #tpu.pipeline_mode<synchronous>, transform_indices = @transform_3, window_bounds = array<i64: 64, 9>}, {pipeline_mode = #tpu.pipeline_mode<synchronous>, transform_indices = @transform_4, window_bounds = array<i64: 64, 65>}, {pipeline_mode = #tpu.pipeline_mode<synchronous>, transform_indices = @transform_5, window_bounds = array<i64: 576, 65>}, {transform_indices = @transform_6, window_bounds = array<i64: 40, 3200>}]} {
    %get3A = arith.constant 0 : index
    %get3A_0 = arith.constant 0 : index
    %get3A_1 = vector.load %arg1[%get3A, %get3A_0] : memref<1x3200xf32, #tpu.memory_space<vmem>>, vector<1x3200xf32>
    %mul3A = arith.constant 0.628318548 : f32
    %mul3A_2 = vector.broadcast %mul3A : f32 to vector<1x3200xf32>
    %mul3A_3 = arith.mulf %get3A_1, %mul3A_2 : vector<1x3200xf32>
    %sin3A = math.sin %mul3A_3 : vector<1x3200xf32>
    %cos3A = math.cos %mul3A_3 : vector<1x3200xf32>
    %mul3A_4 = arith.constant 2.000000e+00 : f32
    %mul3A_5 = vector.broadcast %mul3A_4 : f32 to vector<1x3200xf32>
    %mul3A_6 = arith.mulf %mul3A_5, %cos3A : vector<1x3200xf32>
    %div3A = arith.constant 0.632455527 : f32
    %div3A_7 = vector.broadcast %div3A : f32 to vector<1x3200xf32>
    %div3A_8 = arith.divf %div3A_7, %get3A_1 : vector<1x3200xf32>
    %mul3A_9 = arith.mulf %mul3A_6, %sin3A : vector<1x3200xf32>
    %mul3A_10 = arith.mulf %mul3A_6, %mul3A_9 : vector<1x3200xf32>
    %sub3A = arith.subf %mul3A_10, %sin3A : vector<1x3200xf32>
    %mul3A_11 = arith.mulf %mul3A_6, %sub3A : vector<1x3200xf32>
    %sub3A_12 = arith.subf %mul3A_11, %mul3A_9 : vector<1x3200xf32>
    %mul3A_13 = arith.mulf %mul3A_6, %sub3A_12 : vector<1x3200xf32>
    %sub3A_14 = arith.subf %mul3A_13, %sub3A : vector<1x3200xf32>
    %mul3A_15 = arith.mulf %mul3A_6, %sub3A_14 : vector<1x3200xf32>
    %sub3A_16 = arith.subf %mul3A_15, %sub3A_12 : vector<1x3200xf32>
    %mul3A_17 = arith.mulf %mul3A_6, %sub3A_16 : vector<1x3200xf32>
    %sub3A_18 = arith.subf %mul3A_17, %sub3A_14 : vector<1x3200xf32>
    %mul3A_19 = arith.mulf %mul3A_6, %sub3A_18 : vector<1x3200xf32>
    %sub3A_20 = arith.subf %mul3A_19, %sub3A_16 : vector<1x3200xf32>
    %mul3A_21 = arith.mulf %sin3A, %div3A_8 : vector<1x3200xf32>
    %mul3A_22 = arith.mulf %mul3A_9, %div3A_8 : vector<1x3200xf32>
    %mul3A_23 = arith.mulf %sub3A, %div3A_8 : vector<1x3200xf32>
    %mul3A_24 = arith.mulf %sub3A_12, %div3A_8 : vector<1x3200xf32>
    %mul3A_25 = arith.mulf %sub3A_14, %div3A_8 : vector<1x3200xf32>
    %mul3A_26 = arith.mulf %sub3A_16, %div3A_8 : vector<1x3200xf32>
    %mul3A_27 = arith.mulf %sub3A_18, %div3A_8 : vector<1x3200xf32>
    %mul3A_28 = arith.mulf %sub3A_20, %div3A_8 : vector<1x3200xf32>
    %broadcast_in_dim3A = arith.constant 1.000000e+00 : f32
    %broadcast_in_dim3A_29 = vector.broadcast %broadcast_in_dim3A : f32 to vector<1x3200xf32>
    %concatenate3A = tpu.concatenate %mul3A_21, %mul3A_22, %mul3A_23, %mul3A_24, %mul3A_25, %mul3A_26, %mul3A_27, %mul3A_28, %broadcast_in_dim3A_29 in 0 : vector<1x3200xf32>, vector<1x3200xf32>, vector<1x3200xf32>, vector<1x3200xf32>, vector<1x3200xf32>, vector<1x3200xf32>, vector<1x3200xf32>, vector<1x3200xf32>, vector<1x3200xf32> -> vector<9x3200xf32>
    %convert_element_type3A = arith.truncf %concatenate3A : vector<9x3200xf32> to vector<9x3200xbf16>
    %mul3A_30 = arith.constant 2.000000e-01 : f32
    %mul3A_31 = vector.broadcast %mul3A_30 : f32 to vector<1x3200xf32>
    %mul3A_32 = arith.mulf %get3A_1, %mul3A_31 : vector<1x3200xf32>
    %mul3A_33 = arith.mulf %mul3A_32, %mul3A_32 : vector<1x3200xf32>
    %mul3A_34 = arith.mulf %mul3A_33, %mul3A_33 : vector<1x3200xf32>
    %mul3A_35 = arith.mulf %mul3A_34, %mul3A_32 : vector<1x3200xf32>
    %mul3A_36 = arith.constant 2.100000e+01 : f32
    %mul3A_37 = vector.broadcast %mul3A_36 : f32 to vector<1x3200xf32>
    %mul3A_38 = arith.mulf %mul3A_37, %mul3A_35 : vector<1x3200xf32>
    %sub3A_39 = arith.constant 1.000000e+00 : f32
    %sub3A_40 = vector.broadcast %sub3A_39 : f32 to vector<1x3200xf32>
    %sub3A_41 = arith.subf %sub3A_40, %mul3A_38 : vector<1x3200xf32>
    %mul3A_42 = arith.constant 3.500000e+01 : f32
    %mul3A_43 = vector.broadcast %mul3A_42 : f32 to vector<1x3200xf32>
    %mul3A_44 = arith.mulf %mul3A_43, %mul3A_35 : vector<1x3200xf32>
    %mul3A_45 = arith.mulf %mul3A_44, %mul3A_32 : vector<1x3200xf32>
    %add3A = arith.addf %sub3A_41, %mul3A_45 : vector<1x3200xf32>
    %mul3A_46 = arith.constant 1.500000e+01 : f32
    %mul3A_47 = vector.broadcast %mul3A_46 : f32 to vector<1x3200xf32>
    %mul3A_48 = arith.mulf %mul3A_47, %mul3A_35 : vector<1x3200xf32>
    %mul3A_49 = arith.mulf %mul3A_48, %mul3A_33 : vector<1x3200xf32>
    %sub3A_50 = arith.subf %add3A, %mul3A_49 : vector<1x3200xf32>
    %lt3A = arith.constant 1.000000e+00 : f32
    %lt3A_51 = vector.broadcast %lt3A : f32 to vector<1x3200xf32>
    %lt3A_52 = arith.cmpf olt, %mul3A_32, %lt3A_51 : vector<1x3200xf32>
    %jit3A = arith.constant 0.000000e+00 : f32
    %broadcast_in_dim3A_53 = vector.broadcast %jit3A : f32 to vector<1x3200xf32>
    %select_n3A = arith.select %lt3A_52, %sub3A_50, %broadcast_in_dim3A_53 : vector<1x3200xi1>, vector<1x3200xf32>
    %broadcast_in_dim3A_54 = arith.constant 1.000000e+00 : bf16
    %broadcast_in_dim3A_55 = vector.broadcast %broadcast_in_dim3A_54 : bf16 to vector<1x3200xbf16>
    %get3A_56 = arith.constant 0 : index
    %get3A_57 = arith.constant 0 : index
    %get3A_58 = vector.load %arg4[%get3A_56, %get3A_57] : memref<64x9xbf16, #tpu.memory_space<vmem>>, vector<64x9xbf16>
    %dot_general3A = arith.constant dense<0.000000e+00> : vector<64x3200xf32>
    %dot_general3A_59 = tpu.matmul %get3A_58, %convert_element_type3A, %dot_general3A {dimension_numbers = #tpu.dot_dimension_numbers<[1], [0], [0], [1], [0, 0, 1, 1], [], []>, transpose_lhs_hint = false} : vector<64x9xbf16>, vector<9x3200xbf16>, vector<64x3200xf32> -> vector<64x3200xf32>
    %logistic3A = arith.negf %dot_general3A_59 : vector<64x3200xf32>
    %logistic3A_60 = math.exp %logistic3A : vector<64x3200xf32>
    %logistic3A_61 = arith.constant 1.000000e+00 : f32
    %logistic3A_62 = vector.broadcast %logistic3A_61 : f32 to vector<64x3200xf32>
    %logistic3A_63 = arith.addf %logistic3A_62, %logistic3A_60 : vector<64x3200xf32>
    %logistic3A_64 = arith.divf %logistic3A_62, %logistic3A_63 : vector<64x3200xf32>
    %mul3A_65 = arith.mulf %dot_general3A_59, %logistic3A_64 : vector<64x3200xf32>
    %convert_element_type3A_66 = arith.truncf %mul3A_65 : vector<64x3200xf32> to vector<64x3200xbf16>
    %concatenate3A_67 = tpu.concatenate %convert_element_type3A_66, %broadcast_in_dim3A_55 in 0 : vector<64x3200xbf16>, vector<1x3200xbf16> -> vector<65x3200xbf16>
    %get3A_68 = arith.constant 0 : index
    %get3A_69 = arith.constant 0 : index
    %get3A_70 = vector.load %arg5[%get3A_68, %get3A_69] : memref<64x65xbf16, #tpu.memory_space<vmem>>, vector<64x65xbf16>
    %dot_general3A_71 = arith.constant dense<0.000000e+00> : vector<64x3200xf32>
    %dot_general3A_72 = tpu.matmul %get3A_70, %concatenate3A_67, %dot_general3A_71 {dimension_numbers = #tpu.dot_dimension_numbers<[1], [0], [0], [1], [0, 0, 1, 1], [], []>, transpose_lhs_hint = false} : vector<64x65xbf16>, vector<65x3200xbf16>, vector<64x3200xf32> -> vector<64x3200xf32>
    %logistic3A_73 = arith.negf %dot_general3A_72 : vector<64x3200xf32>
    %logistic3A_74 = math.exp %logistic3A_73 : vector<64x3200xf32>
    %logistic3A_75 = arith.constant 1.000000e+00 : f32
    %logistic3A_76 = vector.broadcast %logistic3A_75 : f32 to vector<64x3200xf32>
    %logistic3A_77 = arith.addf %logistic3A_76, %logistic3A_74 : vector<64x3200xf32>
    %logistic3A_78 = arith.divf %logistic3A_76, %logistic3A_77 : vector<64x3200xf32>
    %mul3A_79 = arith.mulf %dot_general3A_72, %logistic3A_78 : vector<64x3200xf32>
    %convert_element_type3A_80 = arith.truncf %mul3A_79 : vector<64x3200xf32> to vector<64x3200xbf16>
    %concatenate3A_81 = tpu.concatenate %convert_element_type3A_80, %broadcast_in_dim3A_55 in 0 : vector<64x3200xbf16>, vector<1x3200xbf16> -> vector<65x3200xbf16>
    %get3A_82 = arith.constant 0 : index
    %get3A_83 = arith.constant 0 : index
    %get3A_84 = vector.load %arg6[%get3A_82, %get3A_83] : memref<576x65xbf16, #tpu.memory_space<vmem>>, vector<576x65xbf16>
    %dot_general3A_85 = arith.constant dense<0.000000e+00> : vector<576x3200xf32>
    %dot_general3A_86 = tpu.matmul %get3A_84, %concatenate3A_81, %dot_general3A_85 {dimension_numbers = #tpu.dot_dimension_numbers<[1], [0], [0], [1], [0, 0, 1, 1], [], []>, transpose_lhs_hint = false} : vector<576x65xbf16>, vector<65x3200xbf16>, vector<576x3200xf32> -> vector<576x3200xf32>
    %get3A_87 = arith.constant 0 : index
    %get3A_88 = arith.constant 0 : index
    %get3A_89 = vector.load %arg2[%get3A_87, %get3A_88] : memref<3200x3xf32, #tpu.memory_space<vmem>>, vector<3200x3xf32>
    %transpose3A = tpu.transpose %get3A_89, [1, 0] : vector<3200x3xf32> -> vector<3x3200xf32>
    %mul3A_90 = arith.mulf %transpose3A, %transpose3A : vector<3x3200xf32>
    %reduce_sum3A = arith.constant dense<0.000000e+00> : vector<3200xf32>
    %reduce_sum3A_91 = vector.multi_reduction <add>, %mul3A_90, %reduce_sum3A [0] : vector<3x3200xf32> to vector<3200xf32>
    %broadcast_in_dim3A_92 = vector.shape_cast %reduce_sum3A_91 : vector<3200xf32> to vector<1x3200xf32>
    %sqrt3A = math.sqrt %broadcast_in_dim3A_92 : vector<1x3200xf32>
    %mul3A_93 = arith.constant 1.73205078 : f32
    %mul3A_94 = vector.broadcast %mul3A_93 : f32 to vector<3x3200xf32>
    %mul3A_95 = arith.mulf %mul3A_94, %transpose3A : vector<3x3200xf32>
    %max3A = arith.constant 9.99999971E-10 : f32
    %max3A_96 = vector.broadcast %max3A : f32 to vector<1x3200xf32>
    %max3A_97 = arith.maximumf %sqrt3A, %max3A_96 : vector<1x3200xf32>
    %div3A_98 = vector.broadcast %max3A_97 : vector<1x3200xf32> to vector<3x3200xf32>
    %div3A_99 = arith.divf %mul3A_95, %div3A_98 : vector<3x3200xf32>
    %get3A_100 = arith.constant 0 : index
    %get3A_101 = arith.constant 0 : index
    %get3A_102 = vector.load %arg3[%get3A_100, %get3A_101] : memref<3200x40xf32, #tpu.memory_space<vmem>>, vector<3200x40xf32>
    %transpose3A_103 = tpu.transpose %get3A_102, [1, 0] : vector<3200x40xf32> -> vector<40x3200xf32>
    %slice3A = vector.extract_strided_slice %transpose3A_103 {offsets = [0, 0], sizes = [16, 3200], strides = [1, 1]} : vector<40x3200xf32> to vector<16x3200xf32>
    %slice3A_104 = vector.extract_strided_slice %transpose3A_103 {offsets = [16, 0], sizes = [1, 3200], strides = [1, 1]} : vector<40x3200xf32> to vector<1x3200xf32>
    %slice3A_105 = vector.extract_strided_slice %transpose3A_103 {offsets = [19, 0], sizes = [1, 3200], strides = [1, 1]} : vector<40x3200xf32> to vector<1x3200xf32>
    %slice3A_106 = vector.extract_strided_slice %transpose3A_103 {offsets = [22, 0], sizes = [1, 3200], strides = [1, 1]} : vector<40x3200xf32> to vector<1x3200xf32>
    %slice3A_107 = vector.extract_strided_slice %transpose3A_103 {offsets = [25, 0], sizes = [1, 3200], strides = [1, 1]} : vector<40x3200xf32> to vector<1x3200xf32>
    %slice3A_108 = vector.extract_strided_slice %transpose3A_103 {offsets = [28, 0], sizes = [1, 3200], strides = [1, 1]} : vector<40x3200xf32> to vector<1x3200xf32>
    %slice3A_109 = vector.extract_strided_slice %transpose3A_103 {offsets = [31, 0], sizes = [1, 3200], strides = [1, 1]} : vector<40x3200xf32> to vector<1x3200xf32>
    %slice3A_110 = vector.extract_strided_slice %transpose3A_103 {offsets = [34, 0], sizes = [1, 3200], strides = [1, 1]} : vector<40x3200xf32> to vector<1x3200xf32>
    %slice3A_111 = vector.extract_strided_slice %transpose3A_103 {offsets = [37, 0], sizes = [1, 3200], strides = [1, 1]} : vector<40x3200xf32> to vector<1x3200xf32>
    %concatenate3A_112 = tpu.concatenate %slice3A_104, %slice3A_105, %slice3A_106, %slice3A_107, %slice3A_108, %slice3A_109, %slice3A_110, %slice3A_111 in 0 : vector<1x3200xf32>, vector<1x3200xf32>, vector<1x3200xf32>, vector<1x3200xf32>, vector<1x3200xf32>, vector<1x3200xf32>, vector<1x3200xf32>, vector<1x3200xf32> -> vector<8x3200xf32>
    %slice3A_113 = vector.extract_strided_slice %transpose3A_103 {offsets = [17, 0], sizes = [1, 3200], strides = [1, 1]} : vector<40x3200xf32> to vector<1x3200xf32>
    %slice3A_114 = vector.extract_strided_slice %transpose3A_103 {offsets = [20, 0], sizes = [1, 3200], strides = [1, 1]} : vector<40x3200xf32> to vector<1x3200xf32>
    %slice3A_115 = vector.extract_strided_slice %transpose3A_103 {offsets = [23, 0], sizes = [1, 3200], strides = [1, 1]} : vector<40x3200xf32> to vector<1x3200xf32>
    %slice3A_116 = vector.extract_strided_slice %transpose3A_103 {offsets = [26, 0], sizes = [1, 3200], strides = [1, 1]} : vector<40x3200xf32> to vector<1x3200xf32>
    %slice3A_117 = vector.extract_strided_slice %transpose3A_103 {offsets = [29, 0], sizes = [1, 3200], strides = [1, 1]} : vector<40x3200xf32> to vector<1x3200xf32>
    %slice3A_118 = vector.extract_strided_slice %transpose3A_103 {offsets = [32, 0], sizes = [1, 3200], strides = [1, 1]} : vector<40x3200xf32> to vector<1x3200xf32>
    %slice3A_119 = vector.extract_strided_slice %transpose3A_103 {offsets = [35, 0], sizes = [1, 3200], strides = [1, 1]} : vector<40x3200xf32> to vector<1x3200xf32>
    %slice3A_120 = vector.extract_strided_slice %transpose3A_103 {offsets = [38, 0], sizes = [1, 3200], strides = [1, 1]} : vector<40x3200xf32> to vector<1x3200xf32>
    %concatenate3A_121 = tpu.concatenate %slice3A_113, %slice3A_114, %slice3A_115, %slice3A_116, %slice3A_117, %slice3A_118, %slice3A_119, %slice3A_120 in 0 : vector<1x3200xf32>, vector<1x3200xf32>, vector<1x3200xf32>, vector<1x3200xf32>, vector<1x3200xf32>, vector<1x3200xf32>, vector<1x3200xf32>, vector<1x3200xf32> -> vector<8x3200xf32>
    %slice3A_122 = vector.extract_strided_slice %transpose3A_103 {offsets = [18, 0], sizes = [1, 3200], strides = [1, 1]} : vector<40x3200xf32> to vector<1x3200xf32>
    %slice3A_123 = vector.extract_strided_slice %transpose3A_103 {offsets = [21, 0], sizes = [1, 3200], strides = [1, 1]} : vector<40x3200xf32> to vector<1x3200xf32>
    %slice3A_124 = vector.extract_strided_slice %transpose3A_103 {offsets = [24, 0], sizes = [1, 3200], strides = [1, 1]} : vector<40x3200xf32> to vector<1x3200xf32>
    %slice3A_125 = vector.extract_strided_slice %transpose3A_103 {offsets = [27, 0], sizes = [1, 3200], strides = [1, 1]} : vector<40x3200xf32> to vector<1x3200xf32>
    %slice3A_126 = vector.extract_strided_slice %transpose3A_103 {offsets = [30, 0], sizes = [1, 3200], strides = [1, 1]} : vector<40x3200xf32> to vector<1x3200xf32>
    %slice3A_127 = vector.extract_strided_slice %transpose3A_103 {offsets = [33, 0], sizes = [1, 3200], strides = [1, 1]} : vector<40x3200xf32> to vector<1x3200xf32>
    %slice3A_128 = vector.extract_strided_slice %transpose3A_103 {offsets = [36, 0], sizes = [1, 3200], strides = [1, 1]} : vector<40x3200xf32> to vector<1x3200xf32>
    %slice3A_129 = vector.extract_strided_slice %transpose3A_103 {offsets = [39, 0], sizes = [1, 3200], strides = [1, 1]} : vector<40x3200xf32> to vector<1x3200xf32>
    %concatenate3A_130 = tpu.concatenate %slice3A_122, %slice3A_123, %slice3A_124, %slice3A_125, %slice3A_126, %slice3A_127, %slice3A_128, %slice3A_129 in 0 : vector<1x3200xf32>, vector<1x3200xf32>, vector<1x3200xf32>, vector<1x3200xf32>, vector<1x3200xf32>, vector<1x3200xf32>, vector<1x3200xf32>, vector<1x3200xf32> -> vector<8x3200xf32>
    %slice3A_131 = vector.extract_strided_slice %div3A_99 {offsets = [0, 0], sizes = [1, 3200], strides = [1, 1]} : vector<3x3200xf32> to vector<1x3200xf32>
    %mul3A_132 = vector.broadcast %slice3A_131 : vector<1x3200xf32> to vector<8x3200xf32>
    %mul3A_133 = arith.mulf %concatenate3A_112, %mul3A_132 : vector<8x3200xf32>
    %slice3A_134 = vector.extract_strided_slice %div3A_99 {offsets = [1, 0], sizes = [1, 3200], strides = [1, 1]} : vector<3x3200xf32> to vector<1x3200xf32>
    %mul3A_135 = vector.broadcast %slice3A_134 : vector<1x3200xf32> to vector<8x3200xf32>
    %mul3A_136 = arith.mulf %concatenate3A_121, %mul3A_135 : vector<8x3200xf32>
    %add3A_137 = arith.addf %mul3A_133, %mul3A_136 : vector<8x3200xf32>
    %slice3A_138 = vector.extract_strided_slice %div3A_99 {offsets = [2, 0], sizes = [1, 3200], strides = [1, 1]} : vector<3x3200xf32> to vector<1x3200xf32>
    %mul3A_139 = vector.broadcast %slice3A_138 : vector<1x3200xf32> to vector<8x3200xf32>
    %mul3A_140 = arith.mulf %concatenate3A_130, %mul3A_139 : vector<8x3200xf32>
    %add3A_141 = arith.addf %add3A_137, %mul3A_140 : vector<8x3200xf32>
    %mul3A_142 = arith.constant 0.577350259 : f32
    %mul3A_143 = vector.broadcast %mul3A_142 : f32 to vector<8x3200xf32>
    %mul3A_144 = arith.mulf %add3A_141, %mul3A_143 : vector<8x3200xf32>
    %slice3A_145 = vector.extract_strided_slice %dot_general3A_86 {offsets = [0, 0], sizes = [16, 3200], strides = [1, 1]} : vector<576x3200xf32> to vector<16x3200xf32>
    %slice3A_146 = vector.extract_strided_slice %slice3A {offsets = [0, 0], sizes = [1, 3200], strides = [1, 1]} : vector<16x3200xf32> to vector<1x3200xf32>
    %mul3A_147 = vector.broadcast %slice3A_146 : vector<1x3200xf32> to vector<16x3200xf32>
    %mul3A_148 = arith.mulf %slice3A_145, %mul3A_147 : vector<16x3200xf32>
    %slice3A_149 = vector.extract_strided_slice %dot_general3A_86 {offsets = [16, 0], sizes = [16, 3200], strides = [1, 1]} : vector<576x3200xf32> to vector<16x3200xf32>
    %slice3A_150 = vector.extract_strided_slice %slice3A {offsets = [1, 0], sizes = [1, 3200], strides = [1, 1]} : vector<16x3200xf32> to vector<1x3200xf32>
    %mul3A_151 = vector.broadcast %slice3A_150 : vector<1x3200xf32> to vector<16x3200xf32>
    %mul3A_152 = arith.mulf %slice3A_149, %mul3A_151 : vector<16x3200xf32>
    %slice3A_153 = vector.extract_strided_slice %dot_general3A_86 {offsets = [32, 0], sizes = [16, 3200], strides = [1, 1]} : vector<576x3200xf32> to vector<16x3200xf32>
    %slice3A_154 = vector.extract_strided_slice %slice3A {offsets = [2, 0], sizes = [1, 3200], strides = [1, 1]} : vector<16x3200xf32> to vector<1x3200xf32>
    %mul3A_155 = vector.broadcast %slice3A_154 : vector<1x3200xf32> to vector<16x3200xf32>
    %mul3A_156 = arith.mulf %slice3A_153, %mul3A_155 : vector<16x3200xf32>
    %slice3A_157 = vector.extract_strided_slice %dot_general3A_86 {offsets = [48, 0], sizes = [16, 3200], strides = [1, 1]} : vector<576x3200xf32> to vector<16x3200xf32>
    %slice3A_158 = vector.extract_strided_slice %slice3A {offsets = [3, 0], sizes = [1, 3200], strides = [1, 1]} : vector<16x3200xf32> to vector<1x3200xf32>
    %mul3A_159 = vector.broadcast %slice3A_158 : vector<1x3200xf32> to vector<16x3200xf32>
    %mul3A_160 = arith.mulf %slice3A_157, %mul3A_159 : vector<16x3200xf32>
    %slice3A_161 = vector.extract_strided_slice %dot_general3A_86 {offsets = [64, 0], sizes = [16, 3200], strides = [1, 1]} : vector<576x3200xf32> to vector<16x3200xf32>
    %slice3A_162 = vector.extract_strided_slice %slice3A {offsets = [4, 0], sizes = [1, 3200], strides = [1, 1]} : vector<16x3200xf32> to vector<1x3200xf32>
    %mul3A_163 = vector.broadcast %slice3A_162 : vector<1x3200xf32> to vector<16x3200xf32>
    %mul3A_164 = arith.mulf %slice3A_161, %mul3A_163 : vector<16x3200xf32>
    %slice3A_165 = vector.extract_strided_slice %dot_general3A_86 {offsets = [80, 0], sizes = [16, 3200], strides = [1, 1]} : vector<576x3200xf32> to vector<16x3200xf32>
    %slice3A_166 = vector.extract_strided_slice %slice3A {offsets = [5, 0], sizes = [1, 3200], strides = [1, 1]} : vector<16x3200xf32> to vector<1x3200xf32>
    %mul3A_167 = vector.broadcast %slice3A_166 : vector<1x3200xf32> to vector<16x3200xf32>
    %mul3A_168 = arith.mulf %slice3A_165, %mul3A_167 : vector<16x3200xf32>
    %slice3A_169 = vector.extract_strided_slice %dot_general3A_86 {offsets = [96, 0], sizes = [16, 3200], strides = [1, 1]} : vector<576x3200xf32> to vector<16x3200xf32>
    %slice3A_170 = vector.extract_strided_slice %slice3A {offsets = [6, 0], sizes = [1, 3200], strides = [1, 1]} : vector<16x3200xf32> to vector<1x3200xf32>
    %mul3A_171 = vector.broadcast %slice3A_170 : vector<1x3200xf32> to vector<16x3200xf32>
    %mul3A_172 = arith.mulf %slice3A_169, %mul3A_171 : vector<16x3200xf32>
    %slice3A_173 = vector.extract_strided_slice %dot_general3A_86 {offsets = [112, 0], sizes = [16, 3200], strides = [1, 1]} : vector<576x3200xf32> to vector<16x3200xf32>
    %slice3A_174 = vector.extract_strided_slice %slice3A {offsets = [7, 0], sizes = [1, 3200], strides = [1, 1]} : vector<16x3200xf32> to vector<1x3200xf32>
    %mul3A_175 = vector.broadcast %slice3A_174 : vector<1x3200xf32> to vector<16x3200xf32>
    %mul3A_176 = arith.mulf %slice3A_173, %mul3A_175 : vector<16x3200xf32>
    %slice3A_177 = vector.extract_strided_slice %dot_general3A_86 {offsets = [128, 0], sizes = [16, 3200], strides = [1, 1]} : vector<576x3200xf32> to vector<16x3200xf32>
    %slice3A_178 = vector.extract_strided_slice %slice3A {offsets = [8, 0], sizes = [1, 3200], strides = [1, 1]} : vector<16x3200xf32> to vector<1x3200xf32>
    %mul3A_179 = vector.broadcast %slice3A_178 : vector<1x3200xf32> to vector<16x3200xf32>
    %mul3A_180 = arith.mulf %slice3A_177, %mul3A_179 : vector<16x3200xf32>
    %slice3A_181 = vector.extract_strided_slice %dot_general3A_86 {offsets = [144, 0], sizes = [16, 3200], strides = [1, 1]} : vector<576x3200xf32> to vector<16x3200xf32>
    %slice3A_182 = vector.extract_strided_slice %slice3A {offsets = [9, 0], sizes = [1, 3200], strides = [1, 1]} : vector<16x3200xf32> to vector<1x3200xf32>
    %mul3A_183 = vector.broadcast %slice3A_182 : vector<1x3200xf32> to vector<16x3200xf32>
    %mul3A_184 = arith.mulf %slice3A_181, %mul3A_183 : vector<16x3200xf32>
    %slice3A_185 = vector.extract_strided_slice %dot_general3A_86 {offsets = [160, 0], sizes = [16, 3200], strides = [1, 1]} : vector<576x3200xf32> to vector<16x3200xf32>
    %slice3A_186 = vector.extract_strided_slice %slice3A {offsets = [10, 0], sizes = [1, 3200], strides = [1, 1]} : vector<16x3200xf32> to vector<1x3200xf32>
    %mul3A_187 = vector.broadcast %slice3A_186 : vector<1x3200xf32> to vector<16x3200xf32>
    %mul3A_188 = arith.mulf %slice3A_185, %mul3A_187 : vector<16x3200xf32>
    %slice3A_189 = vector.extract_strided_slice %dot_general3A_86 {offsets = [176, 0], sizes = [16, 3200], strides = [1, 1]} : vector<576x3200xf32> to vector<16x3200xf32>
    %slice3A_190 = vector.extract_strided_slice %slice3A {offsets = [11, 0], sizes = [1, 3200], strides = [1, 1]} : vector<16x3200xf32> to vector<1x3200xf32>
    %mul3A_191 = vector.broadcast %slice3A_190 : vector<1x3200xf32> to vector<16x3200xf32>
    %mul3A_192 = arith.mulf %slice3A_189, %mul3A_191 : vector<16x3200xf32>
    %slice3A_193 = vector.extract_strided_slice %dot_general3A_86 {offsets = [192, 0], sizes = [16, 3200], strides = [1, 1]} : vector<576x3200xf32> to vector<16x3200xf32>
    %slice3A_194 = vector.extract_strided_slice %slice3A {offsets = [12, 0], sizes = [1, 3200], strides = [1, 1]} : vector<16x3200xf32> to vector<1x3200xf32>
    %mul3A_195 = vector.broadcast %slice3A_194 : vector<1x3200xf32> to vector<16x3200xf32>
    %mul3A_196 = arith.mulf %slice3A_193, %mul3A_195 : vector<16x3200xf32>
    %slice3A_197 = vector.extract_strided_slice %dot_general3A_86 {offsets = [208, 0], sizes = [16, 3200], strides = [1, 1]} : vector<576x3200xf32> to vector<16x3200xf32>
    %slice3A_198 = vector.extract_strided_slice %slice3A {offsets = [13, 0], sizes = [1, 3200], strides = [1, 1]} : vector<16x3200xf32> to vector<1x3200xf32>
    %mul3A_199 = vector.broadcast %slice3A_198 : vector<1x3200xf32> to vector<16x3200xf32>
    %mul3A_200 = arith.mulf %slice3A_197, %mul3A_199 : vector<16x3200xf32>
    %slice3A_201 = vector.extract_strided_slice %dot_general3A_86 {offsets = [224, 0], sizes = [16, 3200], strides = [1, 1]} : vector<576x3200xf32> to vector<16x3200xf32>
    %slice3A_202 = vector.extract_strided_slice %slice3A {offsets = [14, 0], sizes = [1, 3200], strides = [1, 1]} : vector<16x3200xf32> to vector<1x3200xf32>
    %mul3A_203 = vector.broadcast %slice3A_202 : vector<1x3200xf32> to vector<16x3200xf32>
    %mul3A_204 = arith.mulf %slice3A_201, %mul3A_203 : vector<16x3200xf32>
    %slice3A_205 = vector.extract_strided_slice %dot_general3A_86 {offsets = [240, 0], sizes = [16, 3200], strides = [1, 1]} : vector<576x3200xf32> to vector<16x3200xf32>
    %slice3A_206 = vector.extract_strided_slice %slice3A {offsets = [15, 0], sizes = [1, 3200], strides = [1, 1]} : vector<16x3200xf32> to vector<1x3200xf32>
    %mul3A_207 = vector.broadcast %slice3A_206 : vector<1x3200xf32> to vector<16x3200xf32>
    %mul3A_208 = arith.mulf %slice3A_205, %mul3A_207 : vector<16x3200xf32>
    %slice3A_209 = vector.extract_strided_slice %dot_general3A_86 {offsets = [256, 0], sizes = [16, 3200], strides = [1, 1]} : vector<576x3200xf32> to vector<16x3200xf32>
    %slice3A_210 = vector.extract_strided_slice %mul3A_144 {offsets = [0, 0], sizes = [1, 3200], strides = [1, 1]} : vector<8x3200xf32> to vector<1x3200xf32>
    %mul3A_211 = vector.broadcast %slice3A_210 : vector<1x3200xf32> to vector<16x3200xf32>
    %mul3A_212 = arith.mulf %slice3A_209, %mul3A_211 : vector<16x3200xf32>
    %slice3A_213 = vector.extract_strided_slice %dot_general3A_86 {offsets = [272, 0], sizes = [16, 3200], strides = [1, 1]} : vector<576x3200xf32> to vector<16x3200xf32>
    %slice3A_214 = vector.extract_strided_slice %mul3A_144 {offsets = [1, 0], sizes = [1, 3200], strides = [1, 1]} : vector<8x3200xf32> to vector<1x3200xf32>
    %mul3A_215 = vector.broadcast %slice3A_214 : vector<1x3200xf32> to vector<16x3200xf32>
    %mul3A_216 = arith.mulf %slice3A_213, %mul3A_215 : vector<16x3200xf32>
    %slice3A_217 = vector.extract_strided_slice %dot_general3A_86 {offsets = [288, 0], sizes = [16, 3200], strides = [1, 1]} : vector<576x3200xf32> to vector<16x3200xf32>
    %slice3A_218 = vector.extract_strided_slice %mul3A_144 {offsets = [2, 0], sizes = [1, 3200], strides = [1, 1]} : vector<8x3200xf32> to vector<1x3200xf32>
    %mul3A_219 = vector.broadcast %slice3A_218 : vector<1x3200xf32> to vector<16x3200xf32>
    %mul3A_220 = arith.mulf %slice3A_217, %mul3A_219 : vector<16x3200xf32>
    %slice3A_221 = vector.extract_strided_slice %dot_general3A_86 {offsets = [304, 0], sizes = [16, 3200], strides = [1, 1]} : vector<576x3200xf32> to vector<16x3200xf32>
    %slice3A_222 = vector.extract_strided_slice %mul3A_144 {offsets = [3, 0], sizes = [1, 3200], strides = [1, 1]} : vector<8x3200xf32> to vector<1x3200xf32>
    %mul3A_223 = vector.broadcast %slice3A_222 : vector<1x3200xf32> to vector<16x3200xf32>
    %mul3A_224 = arith.mulf %slice3A_221, %mul3A_223 : vector<16x3200xf32>
    %slice3A_225 = vector.extract_strided_slice %dot_general3A_86 {offsets = [320, 0], sizes = [16, 3200], strides = [1, 1]} : vector<576x3200xf32> to vector<16x3200xf32>
    %slice3A_226 = vector.extract_strided_slice %mul3A_144 {offsets = [4, 0], sizes = [1, 3200], strides = [1, 1]} : vector<8x3200xf32> to vector<1x3200xf32>
    %mul3A_227 = vector.broadcast %slice3A_226 : vector<1x3200xf32> to vector<16x3200xf32>
    %mul3A_228 = arith.mulf %slice3A_225, %mul3A_227 : vector<16x3200xf32>
    %slice3A_229 = vector.extract_strided_slice %dot_general3A_86 {offsets = [336, 0], sizes = [16, 3200], strides = [1, 1]} : vector<576x3200xf32> to vector<16x3200xf32>
    %slice3A_230 = vector.extract_strided_slice %mul3A_144 {offsets = [5, 0], sizes = [1, 3200], strides = [1, 1]} : vector<8x3200xf32> to vector<1x3200xf32>
    %mul3A_231 = vector.broadcast %slice3A_230 : vector<1x3200xf32> to vector<16x3200xf32>
    %mul3A_232 = arith.mulf %slice3A_229, %mul3A_231 : vector<16x3200xf32>
    %slice3A_233 = vector.extract_strided_slice %dot_general3A_86 {offsets = [352, 0], sizes = [16, 3200], strides = [1, 1]} : vector<576x3200xf32> to vector<16x3200xf32>
    %slice3A_234 = vector.extract_strided_slice %mul3A_144 {offsets = [6, 0], sizes = [1, 3200], strides = [1, 1]} : vector<8x3200xf32> to vector<1x3200xf32>
    %mul3A_235 = vector.broadcast %slice3A_234 : vector<1x3200xf32> to vector<16x3200xf32>
    %mul3A_236 = arith.mulf %slice3A_233, %mul3A_235 : vector<16x3200xf32>
    %slice3A_237 = vector.extract_strided_slice %dot_general3A_86 {offsets = [368, 0], sizes = [16, 3200], strides = [1, 1]} : vector<576x3200xf32> to vector<16x3200xf32>
    %slice3A_238 = vector.extract_strided_slice %mul3A_144 {offsets = [7, 0], sizes = [1, 3200], strides = [1, 1]} : vector<8x3200xf32> to vector<1x3200xf32>
    %mul3A_239 = vector.broadcast %slice3A_238 : vector<1x3200xf32> to vector<16x3200xf32>
    %mul3A_240 = arith.mulf %slice3A_237, %mul3A_239 : vector<16x3200xf32>
    %add3A_241 = arith.addf %mul3A_148, %mul3A_152 : vector<16x3200xf32>
    %add3A_242 = arith.addf %mul3A_156, %mul3A_160 : vector<16x3200xf32>
    %add3A_243 = arith.addf %mul3A_164, %mul3A_168 : vector<16x3200xf32>
    %add3A_244 = arith.addf %mul3A_172, %mul3A_176 : vector<16x3200xf32>
    %add3A_245 = arith.addf %mul3A_180, %mul3A_184 : vector<16x3200xf32>
    %add3A_246 = arith.addf %mul3A_188, %mul3A_192 : vector<16x3200xf32>
    %add3A_247 = arith.addf %mul3A_196, %mul3A_200 : vector<16x3200xf32>
    %add3A_248 = arith.addf %mul3A_204, %mul3A_208 : vector<16x3200xf32>
    %add3A_249 = arith.addf %add3A_241, %add3A_242 : vector<16x3200xf32>
    %add3A_250 = arith.addf %add3A_243, %add3A_244 : vector<16x3200xf32>
    %add3A_251 = arith.addf %add3A_245, %add3A_246 : vector<16x3200xf32>
    %add3A_252 = arith.addf %add3A_247, %add3A_248 : vector<16x3200xf32>
    %add3A_253 = arith.addf %add3A_249, %add3A_250 : vector<16x3200xf32>
    %add3A_254 = arith.addf %add3A_251, %add3A_252 : vector<16x3200xf32>
    %add3A_255 = arith.addf %add3A_253, %add3A_254 : vector<16x3200xf32>
    %mul3A_256 = arith.constant 2.500000e-01 : f32
    %mul3A_257 = vector.broadcast %mul3A_256 : f32 to vector<16x3200xf32>
    %mul3A_258 = arith.mulf %add3A_255, %mul3A_257 : vector<16x3200xf32>
    %add3A_259 = arith.addf %mul3A_212, %mul3A_216 : vector<16x3200xf32>
    %add3A_260 = arith.addf %mul3A_220, %mul3A_224 : vector<16x3200xf32>
    %add3A_261 = arith.addf %mul3A_228, %mul3A_232 : vector<16x3200xf32>
    %add3A_262 = arith.addf %mul3A_236, %mul3A_240 : vector<16x3200xf32>
    %add3A_263 = arith.addf %add3A_259, %add3A_260 : vector<16x3200xf32>
    %add3A_264 = arith.addf %add3A_261, %add3A_262 : vector<16x3200xf32>
    %add3A_265 = arith.addf %add3A_263, %add3A_264 : vector<16x3200xf32>
    %mul3A_266 = arith.constant 0.353553385 : f32
    %mul3A_267 = vector.broadcast %mul3A_266 : f32 to vector<16x3200xf32>
    %mul3A_268 = arith.mulf %add3A_265, %mul3A_267 : vector<16x3200xf32>
    %add3A_269 = arith.addf %mul3A_258, %mul3A_268 : vector<16x3200xf32>
    %slice3A_270 = vector.extract_strided_slice %dot_general3A_86 {offsets = [384, 0], sizes = [8, 3200], strides = [1, 1]} : vector<576x3200xf32> to vector<8x3200xf32>
    %slice3A_271 = vector.extract_strided_slice %slice3A {offsets = [0, 0], sizes = [1, 3200], strides = [1, 1]} : vector<16x3200xf32> to vector<1x3200xf32>
    %mul3A_272 = vector.broadcast %slice3A_271 : vector<1x3200xf32> to vector<8x3200xf32>
    %mul3A_273 = arith.mulf %slice3A_270, %mul3A_272 : vector<8x3200xf32>
    %slice3A_274 = vector.extract_strided_slice %dot_general3A_86 {offsets = [392, 0], sizes = [8, 3200], strides = [1, 1]} : vector<576x3200xf32> to vector<8x3200xf32>
    %slice3A_275 = vector.extract_strided_slice %slice3A {offsets = [1, 0], sizes = [1, 3200], strides = [1, 1]} : vector<16x3200xf32> to vector<1x3200xf32>
    %mul3A_276 = vector.broadcast %slice3A_275 : vector<1x3200xf32> to vector<8x3200xf32>
    %mul3A_277 = arith.mulf %slice3A_274, %mul3A_276 : vector<8x3200xf32>
    %slice3A_278 = vector.extract_strided_slice %dot_general3A_86 {offsets = [400, 0], sizes = [8, 3200], strides = [1, 1]} : vector<576x3200xf32> to vector<8x3200xf32>
    %slice3A_279 = vector.extract_strided_slice %slice3A {offsets = [2, 0], sizes = [1, 3200], strides = [1, 1]} : vector<16x3200xf32> to vector<1x3200xf32>
    %mul3A_280 = vector.broadcast %slice3A_279 : vector<1x3200xf32> to vector<8x3200xf32>
    %mul3A_281 = arith.mulf %slice3A_278, %mul3A_280 : vector<8x3200xf32>
    %slice3A_282 = vector.extract_strided_slice %dot_general3A_86 {offsets = [408, 0], sizes = [8, 3200], strides = [1, 1]} : vector<576x3200xf32> to vector<8x3200xf32>
    %slice3A_283 = vector.extract_strided_slice %slice3A {offsets = [3, 0], sizes = [1, 3200], strides = [1, 1]} : vector<16x3200xf32> to vector<1x3200xf32>
    %mul3A_284 = vector.broadcast %slice3A_283 : vector<1x3200xf32> to vector<8x3200xf32>
    %mul3A_285 = arith.mulf %slice3A_282, %mul3A_284 : vector<8x3200xf32>
    %slice3A_286 = vector.extract_strided_slice %dot_general3A_86 {offsets = [416, 0], sizes = [8, 3200], strides = [1, 1]} : vector<576x3200xf32> to vector<8x3200xf32>
    %slice3A_287 = vector.extract_strided_slice %slice3A {offsets = [4, 0], sizes = [1, 3200], strides = [1, 1]} : vector<16x3200xf32> to vector<1x3200xf32>
    %mul3A_288 = vector.broadcast %slice3A_287 : vector<1x3200xf32> to vector<8x3200xf32>
    %mul3A_289 = arith.mulf %slice3A_286, %mul3A_288 : vector<8x3200xf32>
    %slice3A_290 = vector.extract_strided_slice %dot_general3A_86 {offsets = [424, 0], sizes = [8, 3200], strides = [1, 1]} : vector<576x3200xf32> to vector<8x3200xf32>
    %slice3A_291 = vector.extract_strided_slice %slice3A {offsets = [5, 0], sizes = [1, 3200], strides = [1, 1]} : vector<16x3200xf32> to vector<1x3200xf32>
    %mul3A_292 = vector.broadcast %slice3A_291 : vector<1x3200xf32> to vector<8x3200xf32>
    %mul3A_293 = arith.mulf %slice3A_290, %mul3A_292 : vector<8x3200xf32>
    %slice3A_294 = vector.extract_strided_slice %dot_general3A_86 {offsets = [432, 0], sizes = [8, 3200], strides = [1, 1]} : vector<576x3200xf32> to vector<8x3200xf32>
    %slice3A_295 = vector.extract_strided_slice %slice3A {offsets = [6, 0], sizes = [1, 3200], strides = [1, 1]} : vector<16x3200xf32> to vector<1x3200xf32>
    %mul3A_296 = vector.broadcast %slice3A_295 : vector<1x3200xf32> to vector<8x3200xf32>
    %mul3A_297 = arith.mulf %slice3A_294, %mul3A_296 : vector<8x3200xf32>
    %slice3A_298 = vector.extract_strided_slice %dot_general3A_86 {offsets = [440, 0], sizes = [8, 3200], strides = [1, 1]} : vector<576x3200xf32> to vector<8x3200xf32>
    %slice3A_299 = vector.extract_strided_slice %slice3A {offsets = [7, 0], sizes = [1, 3200], strides = [1, 1]} : vector<16x3200xf32> to vector<1x3200xf32>
    %mul3A_300 = vector.broadcast %slice3A_299 : vector<1x3200xf32> to vector<8x3200xf32>
    %mul3A_301 = arith.mulf %slice3A_298, %mul3A_300 : vector<8x3200xf32>
    %slice3A_302 = vector.extract_strided_slice %dot_general3A_86 {offsets = [448, 0], sizes = [8, 3200], strides = [1, 1]} : vector<576x3200xf32> to vector<8x3200xf32>
    %slice3A_303 = vector.extract_strided_slice %slice3A {offsets = [8, 0], sizes = [1, 3200], strides = [1, 1]} : vector<16x3200xf32> to vector<1x3200xf32>
    %mul3A_304 = vector.broadcast %slice3A_303 : vector<1x3200xf32> to vector<8x3200xf32>
    %mul3A_305 = arith.mulf %slice3A_302, %mul3A_304 : vector<8x3200xf32>
    %slice3A_306 = vector.extract_strided_slice %dot_general3A_86 {offsets = [456, 0], sizes = [8, 3200], strides = [1, 1]} : vector<576x3200xf32> to vector<8x3200xf32>
    %slice3A_307 = vector.extract_strided_slice %slice3A {offsets = [9, 0], sizes = [1, 3200], strides = [1, 1]} : vector<16x3200xf32> to vector<1x3200xf32>
    %mul3A_308 = vector.broadcast %slice3A_307 : vector<1x3200xf32> to vector<8x3200xf32>
    %mul3A_309 = arith.mulf %slice3A_306, %mul3A_308 : vector<8x3200xf32>
    %slice3A_310 = vector.extract_strided_slice %dot_general3A_86 {offsets = [464, 0], sizes = [8, 3200], strides = [1, 1]} : vector<576x3200xf32> to vector<8x3200xf32>
    %slice3A_311 = vector.extract_strided_slice %slice3A {offsets = [10, 0], sizes = [1, 3200], strides = [1, 1]} : vector<16x3200xf32> to vector<1x3200xf32>
    %mul3A_312 = vector.broadcast %slice3A_311 : vector<1x3200xf32> to vector<8x3200xf32>
    %mul3A_313 = arith.mulf %slice3A_310, %mul3A_312 : vector<8x3200xf32>
    %slice3A_314 = vector.extract_strided_slice %dot_general3A_86 {offsets = [472, 0], sizes = [8, 3200], strides = [1, 1]} : vector<576x3200xf32> to vector<8x3200xf32>
    %slice3A_315 = vector.extract_strided_slice %slice3A {offsets = [11, 0], sizes = [1, 3200], strides = [1, 1]} : vector<16x3200xf32> to vector<1x3200xf32>
    %mul3A_316 = vector.broadcast %slice3A_315 : vector<1x3200xf32> to vector<8x3200xf32>
    %mul3A_317 = arith.mulf %slice3A_314, %mul3A_316 : vector<8x3200xf32>
    %slice3A_318 = vector.extract_strided_slice %dot_general3A_86 {offsets = [480, 0], sizes = [8, 3200], strides = [1, 1]} : vector<576x3200xf32> to vector<8x3200xf32>
    %slice3A_319 = vector.extract_strided_slice %slice3A {offsets = [12, 0], sizes = [1, 3200], strides = [1, 1]} : vector<16x3200xf32> to vector<1x3200xf32>
    %mul3A_320 = vector.broadcast %slice3A_319 : vector<1x3200xf32> to vector<8x3200xf32>
    %mul3A_321 = arith.mulf %slice3A_318, %mul3A_320 : vector<8x3200xf32>
    %slice3A_322 = vector.extract_strided_slice %dot_general3A_86 {offsets = [488, 0], sizes = [8, 3200], strides = [1, 1]} : vector<576x3200xf32> to vector<8x3200xf32>
    %slice3A_323 = vector.extract_strided_slice %slice3A {offsets = [13, 0], sizes = [1, 3200], strides = [1, 1]} : vector<16x3200xf32> to vector<1x3200xf32>
    %mul3A_324 = vector.broadcast %slice3A_323 : vector<1x3200xf32> to vector<8x3200xf32>
    %mul3A_325 = arith.mulf %slice3A_322, %mul3A_324 : vector<8x3200xf32>
    %slice3A_326 = vector.extract_strided_slice %dot_general3A_86 {offsets = [496, 0], sizes = [8, 3200], strides = [1, 1]} : vector<576x3200xf32> to vector<8x3200xf32>
    %slice3A_327 = vector.extract_strided_slice %slice3A {offsets = [14, 0], sizes = [1, 3200], strides = [1, 1]} : vector<16x3200xf32> to vector<1x3200xf32>
    %mul3A_328 = vector.broadcast %slice3A_327 : vector<1x3200xf32> to vector<8x3200xf32>
    %mul3A_329 = arith.mulf %slice3A_326, %mul3A_328 : vector<8x3200xf32>
    %slice3A_330 = vector.extract_strided_slice %dot_general3A_86 {offsets = [504, 0], sizes = [8, 3200], strides = [1, 1]} : vector<576x3200xf32> to vector<8x3200xf32>
    %slice3A_331 = vector.extract_strided_slice %slice3A {offsets = [15, 0], sizes = [1, 3200], strides = [1, 1]} : vector<16x3200xf32> to vector<1x3200xf32>
    %mul3A_332 = vector.broadcast %slice3A_331 : vector<1x3200xf32> to vector<8x3200xf32>
    %mul3A_333 = arith.mulf %slice3A_330, %mul3A_332 : vector<8x3200xf32>
    %add3A_334 = arith.addf %mul3A_273, %mul3A_277 : vector<8x3200xf32>
    %add3A_335 = arith.addf %mul3A_281, %mul3A_285 : vector<8x3200xf32>
    %add3A_336 = arith.addf %mul3A_289, %mul3A_293 : vector<8x3200xf32>
    %add3A_337 = arith.addf %mul3A_297, %mul3A_301 : vector<8x3200xf32>
    %add3A_338 = arith.addf %mul3A_305, %mul3A_309 : vector<8x3200xf32>
    %add3A_339 = arith.addf %mul3A_313, %mul3A_317 : vector<8x3200xf32>
    %add3A_340 = arith.addf %mul3A_321, %mul3A_325 : vector<8x3200xf32>
    %add3A_341 = arith.addf %mul3A_329, %mul3A_333 : vector<8x3200xf32>
    %add3A_342 = arith.addf %add3A_334, %add3A_335 : vector<8x3200xf32>
    %add3A_343 = arith.addf %add3A_336, %add3A_337 : vector<8x3200xf32>
    %add3A_344 = arith.addf %add3A_338, %add3A_339 : vector<8x3200xf32>
    %add3A_345 = arith.addf %add3A_340, %add3A_341 : vector<8x3200xf32>
    %add3A_346 = arith.addf %add3A_342, %add3A_343 : vector<8x3200xf32>
    %add3A_347 = arith.addf %add3A_344, %add3A_345 : vector<8x3200xf32>
    %add3A_348 = arith.addf %add3A_346, %add3A_347 : vector<8x3200xf32>
    %mul3A_349 = arith.constant 2.500000e-01 : f32
    %mul3A_350 = vector.broadcast %mul3A_349 : f32 to vector<8x3200xf32>
    %mul3A_351 = arith.mulf %add3A_348, %mul3A_350 : vector<8x3200xf32>
    %slice3A_352 = vector.extract_strided_slice %dot_general3A_86 {offsets = [512, 0], sizes = [8, 3200], strides = [1, 1]} : vector<576x3200xf32> to vector<8x3200xf32>
    %slice3A_353 = vector.extract_strided_slice %concatenate3A_112 {offsets = [0, 0], sizes = [1, 3200], strides = [1, 1]} : vector<8x3200xf32> to vector<1x3200xf32>
    %mul3A_354 = vector.broadcast %slice3A_353 : vector<1x3200xf32> to vector<8x3200xf32>
    %mul3A_355 = arith.mulf %slice3A_352, %mul3A_354 : vector<8x3200xf32>
    %slice3A_356 = vector.extract_strided_slice %dot_general3A_86 {offsets = [520, 0], sizes = [8, 3200], strides = [1, 1]} : vector<576x3200xf32> to vector<8x3200xf32>
    %slice3A_357 = vector.extract_strided_slice %concatenate3A_112 {offsets = [1, 0], sizes = [1, 3200], strides = [1, 1]} : vector<8x3200xf32> to vector<1x3200xf32>
    %mul3A_358 = vector.broadcast %slice3A_357 : vector<1x3200xf32> to vector<8x3200xf32>
    %mul3A_359 = arith.mulf %slice3A_356, %mul3A_358 : vector<8x3200xf32>
    %slice3A_360 = vector.extract_strided_slice %dot_general3A_86 {offsets = [528, 0], sizes = [8, 3200], strides = [1, 1]} : vector<576x3200xf32> to vector<8x3200xf32>
    %slice3A_361 = vector.extract_strided_slice %concatenate3A_112 {offsets = [2, 0], sizes = [1, 3200], strides = [1, 1]} : vector<8x3200xf32> to vector<1x3200xf32>
    %mul3A_362 = vector.broadcast %slice3A_361 : vector<1x3200xf32> to vector<8x3200xf32>
    %mul3A_363 = arith.mulf %slice3A_360, %mul3A_362 : vector<8x3200xf32>
    %slice3A_364 = vector.extract_strided_slice %dot_general3A_86 {offsets = [536, 0], sizes = [8, 3200], strides = [1, 1]} : vector<576x3200xf32> to vector<8x3200xf32>
    %slice3A_365 = vector.extract_strided_slice %concatenate3A_112 {offsets = [3, 0], sizes = [1, 3200], strides = [1, 1]} : vector<8x3200xf32> to vector<1x3200xf32>
    %mul3A_366 = vector.broadcast %slice3A_365 : vector<1x3200xf32> to vector<8x3200xf32>
    %mul3A_367 = arith.mulf %slice3A_364, %mul3A_366 : vector<8x3200xf32>
    %slice3A_368 = vector.extract_strided_slice %dot_general3A_86 {offsets = [544, 0], sizes = [8, 3200], strides = [1, 1]} : vector<576x3200xf32> to vector<8x3200xf32>
    %slice3A_369 = vector.extract_strided_slice %concatenate3A_112 {offsets = [4, 0], sizes = [1, 3200], strides = [1, 1]} : vector<8x3200xf32> to vector<1x3200xf32>
    %mul3A_370 = vector.broadcast %slice3A_369 : vector<1x3200xf32> to vector<8x3200xf32>
    %mul3A_371 = arith.mulf %slice3A_368, %mul3A_370 : vector<8x3200xf32>
    %slice3A_372 = vector.extract_strided_slice %dot_general3A_86 {offsets = [552, 0], sizes = [8, 3200], strides = [1, 1]} : vector<576x3200xf32> to vector<8x3200xf32>
    %slice3A_373 = vector.extract_strided_slice %concatenate3A_112 {offsets = [5, 0], sizes = [1, 3200], strides = [1, 1]} : vector<8x3200xf32> to vector<1x3200xf32>
    %mul3A_374 = vector.broadcast %slice3A_373 : vector<1x3200xf32> to vector<8x3200xf32>
    %mul3A_375 = arith.mulf %slice3A_372, %mul3A_374 : vector<8x3200xf32>
    %slice3A_376 = vector.extract_strided_slice %dot_general3A_86 {offsets = [560, 0], sizes = [8, 3200], strides = [1, 1]} : vector<576x3200xf32> to vector<8x3200xf32>
    %slice3A_377 = vector.extract_strided_slice %concatenate3A_112 {offsets = [6, 0], sizes = [1, 3200], strides = [1, 1]} : vector<8x3200xf32> to vector<1x3200xf32>
    %mul3A_378 = vector.broadcast %slice3A_377 : vector<1x3200xf32> to vector<8x3200xf32>
    %mul3A_379 = arith.mulf %slice3A_376, %mul3A_378 : vector<8x3200xf32>
    %slice3A_380 = vector.extract_strided_slice %dot_general3A_86 {offsets = [568, 0], sizes = [8, 3200], strides = [1, 1]} : vector<576x3200xf32> to vector<8x3200xf32>
    %slice3A_381 = vector.extract_strided_slice %concatenate3A_112 {offsets = [7, 0], sizes = [1, 3200], strides = [1, 1]} : vector<8x3200xf32> to vector<1x3200xf32>
    %mul3A_382 = vector.broadcast %slice3A_381 : vector<1x3200xf32> to vector<8x3200xf32>
    %mul3A_383 = arith.mulf %slice3A_380, %mul3A_382 : vector<8x3200xf32>
    %slice3A_384 = vector.extract_strided_slice %div3A_99 {offsets = [0, 0], sizes = [1, 3200], strides = [1, 1]} : vector<3x3200xf32> to vector<1x3200xf32>
    %mul3A_385 = vector.broadcast %slice3A_384 : vector<1x3200xf32> to vector<8x3200xf32>
    %mul3A_386 = arith.mulf %mul3A_351, %mul3A_385 : vector<8x3200xf32>
    %add3A_387 = arith.addf %mul3A_355, %mul3A_359 : vector<8x3200xf32>
    %add3A_388 = arith.addf %mul3A_363, %mul3A_367 : vector<8x3200xf32>
    %add3A_389 = arith.addf %mul3A_371, %mul3A_375 : vector<8x3200xf32>
    %add3A_390 = arith.addf %mul3A_379, %mul3A_383 : vector<8x3200xf32>
    %add3A_391 = arith.addf %add3A_387, %add3A_388 : vector<8x3200xf32>
    %add3A_392 = arith.addf %add3A_389, %add3A_390 : vector<8x3200xf32>
    %add3A_393 = arith.addf %add3A_391, %add3A_392 : vector<8x3200xf32>
    %mul3A_394 = arith.constant 0.353553385 : f32
    %mul3A_395 = vector.broadcast %mul3A_394 : f32 to vector<8x3200xf32>
    %mul3A_396 = arith.mulf %add3A_393, %mul3A_395 : vector<8x3200xf32>
    %add3A_397 = arith.addf %mul3A_386, %mul3A_396 : vector<8x3200xf32>
    %slice3A_398 = vector.extract_strided_slice %dot_general3A_86 {offsets = [512, 0], sizes = [8, 3200], strides = [1, 1]} : vector<576x3200xf32> to vector<8x3200xf32>
    %slice3A_399 = vector.extract_strided_slice %concatenate3A_121 {offsets = [0, 0], sizes = [1, 3200], strides = [1, 1]} : vector<8x3200xf32> to vector<1x3200xf32>
    %mul3A_400 = vector.broadcast %slice3A_399 : vector<1x3200xf32> to vector<8x3200xf32>
    %mul3A_401 = arith.mulf %slice3A_398, %mul3A_400 : vector<8x3200xf32>
    %slice3A_402 = vector.extract_strided_slice %dot_general3A_86 {offsets = [520, 0], sizes = [8, 3200], strides = [1, 1]} : vector<576x3200xf32> to vector<8x3200xf32>
    %slice3A_403 = vector.extract_strided_slice %concatenate3A_121 {offsets = [1, 0], sizes = [1, 3200], strides = [1, 1]} : vector<8x3200xf32> to vector<1x3200xf32>
    %mul3A_404 = vector.broadcast %slice3A_403 : vector<1x3200xf32> to vector<8x3200xf32>
    %mul3A_405 = arith.mulf %slice3A_402, %mul3A_404 : vector<8x3200xf32>
    %slice3A_406 = vector.extract_strided_slice %dot_general3A_86 {offsets = [528, 0], sizes = [8, 3200], strides = [1, 1]} : vector<576x3200xf32> to vector<8x3200xf32>
    %slice3A_407 = vector.extract_strided_slice %concatenate3A_121 {offsets = [2, 0], sizes = [1, 3200], strides = [1, 1]} : vector<8x3200xf32> to vector<1x3200xf32>
    %mul3A_408 = vector.broadcast %slice3A_407 : vector<1x3200xf32> to vector<8x3200xf32>
    %mul3A_409 = arith.mulf %slice3A_406, %mul3A_408 : vector<8x3200xf32>
    %slice3A_410 = vector.extract_strided_slice %dot_general3A_86 {offsets = [536, 0], sizes = [8, 3200], strides = [1, 1]} : vector<576x3200xf32> to vector<8x3200xf32>
    %slice3A_411 = vector.extract_strided_slice %concatenate3A_121 {offsets = [3, 0], sizes = [1, 3200], strides = [1, 1]} : vector<8x3200xf32> to vector<1x3200xf32>
    %mul3A_412 = vector.broadcast %slice3A_411 : vector<1x3200xf32> to vector<8x3200xf32>
    %mul3A_413 = arith.mulf %slice3A_410, %mul3A_412 : vector<8x3200xf32>
    %slice3A_414 = vector.extract_strided_slice %dot_general3A_86 {offsets = [544, 0], sizes = [8, 3200], strides = [1, 1]} : vector<576x3200xf32> to vector<8x3200xf32>
    %slice3A_415 = vector.extract_strided_slice %concatenate3A_121 {offsets = [4, 0], sizes = [1, 3200], strides = [1, 1]} : vector<8x3200xf32> to vector<1x3200xf32>
    %mul3A_416 = vector.broadcast %slice3A_415 : vector<1x3200xf32> to vector<8x3200xf32>
    %mul3A_417 = arith.mulf %slice3A_414, %mul3A_416 : vector<8x3200xf32>
    %slice3A_418 = vector.extract_strided_slice %dot_general3A_86 {offsets = [552, 0], sizes = [8, 3200], strides = [1, 1]} : vector<576x3200xf32> to vector<8x3200xf32>
    %slice3A_419 = vector.extract_strided_slice %concatenate3A_121 {offsets = [5, 0], sizes = [1, 3200], strides = [1, 1]} : vector<8x3200xf32> to vector<1x3200xf32>
    %mul3A_420 = vector.broadcast %slice3A_419 : vector<1x3200xf32> to vector<8x3200xf32>
    %mul3A_421 = arith.mulf %slice3A_418, %mul3A_420 : vector<8x3200xf32>
    %slice3A_422 = vector.extract_strided_slice %dot_general3A_86 {offsets = [560, 0], sizes = [8, 3200], strides = [1, 1]} : vector<576x3200xf32> to vector<8x3200xf32>
    %slice3A_423 = vector.extract_strided_slice %concatenate3A_121 {offsets = [6, 0], sizes = [1, 3200], strides = [1, 1]} : vector<8x3200xf32> to vector<1x3200xf32>
    %mul3A_424 = vector.broadcast %slice3A_423 : vector<1x3200xf32> to vector<8x3200xf32>
    %mul3A_425 = arith.mulf %slice3A_422, %mul3A_424 : vector<8x3200xf32>
    %slice3A_426 = vector.extract_strided_slice %dot_general3A_86 {offsets = [568, 0], sizes = [8, 3200], strides = [1, 1]} : vector<576x3200xf32> to vector<8x3200xf32>
    %slice3A_427 = vector.extract_strided_slice %concatenate3A_121 {offsets = [7, 0], sizes = [1, 3200], strides = [1, 1]} : vector<8x3200xf32> to vector<1x3200xf32>
    %mul3A_428 = vector.broadcast %slice3A_427 : vector<1x3200xf32> to vector<8x3200xf32>
    %mul3A_429 = arith.mulf %slice3A_426, %mul3A_428 : vector<8x3200xf32>
    %slice3A_430 = vector.extract_strided_slice %div3A_99 {offsets = [1, 0], sizes = [1, 3200], strides = [1, 1]} : vector<3x3200xf32> to vector<1x3200xf32>
    %mul3A_431 = vector.broadcast %slice3A_430 : vector<1x3200xf32> to vector<8x3200xf32>
    %mul3A_432 = arith.mulf %mul3A_351, %mul3A_431 : vector<8x3200xf32>
    %add3A_433 = arith.addf %mul3A_401, %mul3A_405 : vector<8x3200xf32>
    %add3A_434 = arith.addf %mul3A_409, %mul3A_413 : vector<8x3200xf32>
    %add3A_435 = arith.addf %mul3A_417, %mul3A_421 : vector<8x3200xf32>
    %add3A_436 = arith.addf %mul3A_425, %mul3A_429 : vector<8x3200xf32>
    %add3A_437 = arith.addf %add3A_433, %add3A_434 : vector<8x3200xf32>
    %add3A_438 = arith.addf %add3A_435, %add3A_436 : vector<8x3200xf32>
    %add3A_439 = arith.addf %add3A_437, %add3A_438 : vector<8x3200xf32>
    %mul3A_440 = arith.constant 0.353553385 : f32
    %mul3A_441 = vector.broadcast %mul3A_440 : f32 to vector<8x3200xf32>
    %mul3A_442 = arith.mulf %add3A_439, %mul3A_441 : vector<8x3200xf32>
    %add3A_443 = arith.addf %mul3A_432, %mul3A_442 : vector<8x3200xf32>
    %slice3A_444 = vector.extract_strided_slice %dot_general3A_86 {offsets = [512, 0], sizes = [8, 3200], strides = [1, 1]} : vector<576x3200xf32> to vector<8x3200xf32>
    %slice3A_445 = vector.extract_strided_slice %concatenate3A_130 {offsets = [0, 0], sizes = [1, 3200], strides = [1, 1]} : vector<8x3200xf32> to vector<1x3200xf32>
    %mul3A_446 = vector.broadcast %slice3A_445 : vector<1x3200xf32> to vector<8x3200xf32>
    %mul3A_447 = arith.mulf %slice3A_444, %mul3A_446 : vector<8x3200xf32>
    %slice3A_448 = vector.extract_strided_slice %dot_general3A_86 {offsets = [520, 0], sizes = [8, 3200], strides = [1, 1]} : vector<576x3200xf32> to vector<8x3200xf32>
    %slice3A_449 = vector.extract_strided_slice %concatenate3A_130 {offsets = [1, 0], sizes = [1, 3200], strides = [1, 1]} : vector<8x3200xf32> to vector<1x3200xf32>
    %mul3A_450 = vector.broadcast %slice3A_449 : vector<1x3200xf32> to vector<8x3200xf32>
    %mul3A_451 = arith.mulf %slice3A_448, %mul3A_450 : vector<8x3200xf32>
    %slice3A_452 = vector.extract_strided_slice %dot_general3A_86 {offsets = [528, 0], sizes = [8, 3200], strides = [1, 1]} : vector<576x3200xf32> to vector<8x3200xf32>
    %slice3A_453 = vector.extract_strided_slice %concatenate3A_130 {offsets = [2, 0], sizes = [1, 3200], strides = [1, 1]} : vector<8x3200xf32> to vector<1x3200xf32>
    %mul3A_454 = vector.broadcast %slice3A_453 : vector<1x3200xf32> to vector<8x3200xf32>
    %mul3A_455 = arith.mulf %slice3A_452, %mul3A_454 : vector<8x3200xf32>
    %slice3A_456 = vector.extract_strided_slice %dot_general3A_86 {offsets = [536, 0], sizes = [8, 3200], strides = [1, 1]} : vector<576x3200xf32> to vector<8x3200xf32>
    %slice3A_457 = vector.extract_strided_slice %concatenate3A_130 {offsets = [3, 0], sizes = [1, 3200], strides = [1, 1]} : vector<8x3200xf32> to vector<1x3200xf32>
    %mul3A_458 = vector.broadcast %slice3A_457 : vector<1x3200xf32> to vector<8x3200xf32>
    %mul3A_459 = arith.mulf %slice3A_456, %mul3A_458 : vector<8x3200xf32>
    %slice3A_460 = vector.extract_strided_slice %dot_general3A_86 {offsets = [544, 0], sizes = [8, 3200], strides = [1, 1]} : vector<576x3200xf32> to vector<8x3200xf32>
    %slice3A_461 = vector.extract_strided_slice %concatenate3A_130 {offsets = [4, 0], sizes = [1, 3200], strides = [1, 1]} : vector<8x3200xf32> to vector<1x3200xf32>
    %mul3A_462 = vector.broadcast %slice3A_461 : vector<1x3200xf32> to vector<8x3200xf32>
    %mul3A_463 = arith.mulf %slice3A_460, %mul3A_462 : vector<8x3200xf32>
    %slice3A_464 = vector.extract_strided_slice %dot_general3A_86 {offsets = [552, 0], sizes = [8, 3200], strides = [1, 1]} : vector<576x3200xf32> to vector<8x3200xf32>
    %slice3A_465 = vector.extract_strided_slice %concatenate3A_130 {offsets = [5, 0], sizes = [1, 3200], strides = [1, 1]} : vector<8x3200xf32> to vector<1x3200xf32>
    %mul3A_466 = vector.broadcast %slice3A_465 : vector<1x3200xf32> to vector<8x3200xf32>
    %mul3A_467 = arith.mulf %slice3A_464, %mul3A_466 : vector<8x3200xf32>
    %slice3A_468 = vector.extract_strided_slice %dot_general3A_86 {offsets = [560, 0], sizes = [8, 3200], strides = [1, 1]} : vector<576x3200xf32> to vector<8x3200xf32>
    %slice3A_469 = vector.extract_strided_slice %concatenate3A_130 {offsets = [6, 0], sizes = [1, 3200], strides = [1, 1]} : vector<8x3200xf32> to vector<1x3200xf32>
    %mul3A_470 = vector.broadcast %slice3A_469 : vector<1x3200xf32> to vector<8x3200xf32>
    %mul3A_471 = arith.mulf %slice3A_468, %mul3A_470 : vector<8x3200xf32>
    %slice3A_472 = vector.extract_strided_slice %dot_general3A_86 {offsets = [568, 0], sizes = [8, 3200], strides = [1, 1]} : vector<576x3200xf32> to vector<8x3200xf32>
    %slice3A_473 = vector.extract_strided_slice %concatenate3A_130 {offsets = [7, 0], sizes = [1, 3200], strides = [1, 1]} : vector<8x3200xf32> to vector<1x3200xf32>
    %mul3A_474 = vector.broadcast %slice3A_473 : vector<1x3200xf32> to vector<8x3200xf32>
    %mul3A_475 = arith.mulf %slice3A_472, %mul3A_474 : vector<8x3200xf32>
    %slice3A_476 = vector.extract_strided_slice %div3A_99 {offsets = [2, 0], sizes = [1, 3200], strides = [1, 1]} : vector<3x3200xf32> to vector<1x3200xf32>
    %mul3A_477 = vector.broadcast %slice3A_476 : vector<1x3200xf32> to vector<8x3200xf32>
    %mul3A_478 = arith.mulf %mul3A_351, %mul3A_477 : vector<8x3200xf32>
    %add3A_479 = arith.addf %mul3A_447, %mul3A_451 : vector<8x3200xf32>
    %add3A_480 = arith.addf %mul3A_455, %mul3A_459 : vector<8x3200xf32>
    %add3A_481 = arith.addf %mul3A_463, %mul3A_467 : vector<8x3200xf32>
    %add3A_482 = arith.addf %mul3A_471, %mul3A_475 : vector<8x3200xf32>
    %add3A_483 = arith.addf %add3A_479, %add3A_480 : vector<8x3200xf32>
    %add3A_484 = arith.addf %add3A_481, %add3A_482 : vector<8x3200xf32>
    %add3A_485 = arith.addf %add3A_483, %add3A_484 : vector<8x3200xf32>
    %mul3A_486 = arith.constant 0.353553385 : f32
    %mul3A_487 = vector.broadcast %mul3A_486 : f32 to vector<8x3200xf32>
    %mul3A_488 = arith.mulf %add3A_485, %mul3A_487 : vector<8x3200xf32>
    %add3A_489 = arith.addf %mul3A_478, %mul3A_488 : vector<8x3200xf32>
    %concatenate3A_490 = tpu.concatenate %add3A_269, %add3A_397, %add3A_443, %add3A_489 in 0 : vector<16x3200xf32>, vector<8x3200xf32>, vector<8x3200xf32>, vector<8x3200xf32> -> vector<40x3200xf32>
    %mul3A_491 = vector.broadcast %select_n3A : vector<1x3200xf32> to vector<40x3200xf32>
    %mul3A_492 = arith.mulf %concatenate3A_490, %mul3A_491 : vector<40x3200xf32>
    %swap3A = arith.constant 0 : index
    %swap3A_493 = arith.constant 0 : index
    %swap3A_494 = vector.load %arg7[%swap3A, %swap3A_493] : memref<40x3200xf32, #tpu.memory_space<vmem>>, vector<40x3200xf32>
    tpu.vector_store %arg7[%swap3A, %swap3A_493], %mul3A_492 {strides = array<i32>} : memref<40x3200xf32, #tpu.memory_space<vmem>>, vector<40x3200xf32>,
    return
  }
  func.func @transform_0(%arg0: i32) -> (i32, i32) {
    %c0_i32 = arith.constant 0 : i32
    %c0_i32_0 = arith.constant 0 : i32
    return %c0_i32, %arg0 : i32, i32
  }
  func.func @transform_1(%arg0: i32) -> (i32, i32) {
    %c0_i32 = arith.constant 0 : i32
    %c0_i32_0 = arith.constant 0 : i32
    return %arg0, %c0_i32 : i32, i32
  }
  func.func @transform_2(%arg0: i32) -> (i32, i32) {
    %c0_i32 = arith.constant 0 : i32
    %c0_i32_0 = arith.constant 0 : i32
    return %arg0, %c0_i32 : i32, i32
  }
  func.func @transform_3(%arg0: i32) -> (i32, i32) {
    %c0_i32 = arith.constant 0 : i32
    %c0_i32_0 = arith.constant 0 : i32
    %c0_i32_1 = arith.constant 0 : i32
    return %c0_i32, %c0_i32_0 : i32, i32
  }
  func.func @transform_4(%arg0: i32) -> (i32, i32) {
    %c0_i32 = arith.constant 0 : i32
    %c0_i32_0 = arith.constant 0 : i32
    %c0_i32_1 = arith.constant 0 : i32
    return %c0_i32, %c0_i32_0 : i32, i32
  }
  func.func @transform_5(%arg0: i32) -> (i32, i32) {
    %c0_i32 = arith.constant 0 : i32
    %c0_i32_0 = arith.constant 0 : i32
    %c0_i32_1 = arith.constant 0 : i32
    return %c0_i32, %c0_i32_0 : i32, i32
  }
  func.func @transform_6(%arg0: i32) -> (i32, i32) {
    %c0_i32 = arith.constant 0 : i32
    %c0_i32_0 = arith.constant 0 : i32
    return %c0_i32, %arg0 : i32, i32
  }
}

module attributes {stable_mosaic.version = 14 : i64} {
  func.func @_node_body(%arg0: i32, %arg1: memref<1280x40xf32, #tpu.memory_space<vmem>>, %arg2: memref<6x40x1280xf32, #tpu.memory_space<vmem>>, %arg3: memref<16x16xf32, #tpu.memory_space<vmem>>, %arg4: memref<16x1xf32, #tpu.memory_space<vmem>>, %arg5: memref<8x8xf32, #tpu.memory_space<vmem>>, %arg6: memref<16x1xf32, #tpu.memory_space<vmem>>, %arg7: memref<8x1xf32, #tpu.memory_space<vmem>>, %arg8: memref<1280x40xf32, #tpu.memory_space<vmem>>) attributes {dimension_semantics = [#tpu.dimension_semantics<arbitrary>], iteration_bounds = array<i64: 8>, scalar_prefetch = 0 : i64, scratch_operands = 0 : i64, tpu.core_type = #tpu.core_type<tc>, window_params = [{transform_indices = @transform_0, window_bounds = array<i64: 1280, 40>}, {transform_indices = @transform_1, window_bounds = array<i64: 6, 40, 1280>}, {pipeline_mode = #tpu.pipeline_mode<synchronous>, transform_indices = @transform_2, window_bounds = array<i64: 16, 16>}, {pipeline_mode = #tpu.pipeline_mode<synchronous>, transform_indices = @transform_3, window_bounds = array<i64: 16, 1>}, {pipeline_mode = #tpu.pipeline_mode<synchronous>, transform_indices = @transform_4, window_bounds = array<i64: 8, 8>}, {pipeline_mode = #tpu.pipeline_mode<synchronous>, transform_indices = @transform_5, window_bounds = array<i64: 16, 1>}, {pipeline_mode = #tpu.pipeline_mode<synchronous>, transform_indices = @transform_6, window_bounds = array<i64: 8, 1>}, {transform_indices = @transform_7, window_bounds = array<i64: 1280, 40>}]} {
    %get3A = arith.constant 0 : index
    %get3A_0 = arith.constant 0 : index
    %get3A_1 = arith.constant 0 : index
    %get3A_2 = vector.load %arg2[%get3A, %get3A_0, %get3A_1] : memref<6x40x1280xf32, #tpu.memory_space<vmem>>, vector<6x40x1280xf32>
    %slice3A = vector.extract_strided_slice %get3A_2 {offsets = [0, 0, 0], sizes = [1, 40, 1280], strides = [1, 1, 1]} : vector<6x40x1280xf32> to vector<1x40x1280xf32>
    %squeeze3A = vector.shape_cast %slice3A : vector<1x40x1280xf32> to vector<40x1280xf32>
    %slice3A_3 = vector.extract_strided_slice %get3A_2 {offsets = [1, 0, 0], sizes = [1, 40, 1280], strides = [1, 1, 1]} : vector<6x40x1280xf32> to vector<1x40x1280xf32>
    %squeeze3A_4 = vector.shape_cast %slice3A_3 : vector<1x40x1280xf32> to vector<40x1280xf32>
    %slice3A_5 = vector.extract_strided_slice %get3A_2 {offsets = [2, 0, 0], sizes = [1, 40, 1280], strides = [1, 1, 1]} : vector<6x40x1280xf32> to vector<1x40x1280xf32>
    %squeeze3A_6 = vector.shape_cast %slice3A_5 : vector<1x40x1280xf32> to vector<40x1280xf32>
    %slice3A_7 = vector.extract_strided_slice %get3A_2 {offsets = [3, 0, 0], sizes = [1, 40, 1280], strides = [1, 1, 1]} : vector<6x40x1280xf32> to vector<1x40x1280xf32>
    %squeeze3A_8 = vector.shape_cast %slice3A_7 : vector<1x40x1280xf32> to vector<40x1280xf32>
    %slice3A_9 = vector.extract_strided_slice %get3A_2 {offsets = [4, 0, 0], sizes = [1, 40, 1280], strides = [1, 1, 1]} : vector<6x40x1280xf32> to vector<1x40x1280xf32>
    %squeeze3A_10 = vector.shape_cast %slice3A_9 : vector<1x40x1280xf32> to vector<40x1280xf32>
    %slice3A_11 = vector.extract_strided_slice %get3A_2 {offsets = [5, 0, 0], sizes = [1, 40, 1280], strides = [1, 1, 1]} : vector<6x40x1280xf32> to vector<1x40x1280xf32>
    %squeeze3A_12 = vector.shape_cast %slice3A_11 : vector<1x40x1280xf32> to vector<40x1280xf32>
    %add3A = arith.addf %squeeze3A, %squeeze3A_4 : vector<40x1280xf32>
    %add3A_13 = arith.addf %squeeze3A_6, %squeeze3A_8 : vector<40x1280xf32>
    %add3A_14 = arith.addf %squeeze3A_10, %squeeze3A_12 : vector<40x1280xf32>
    %add3A_15 = arith.addf %add3A, %add3A_13 : vector<40x1280xf32>
    %add3A_16 = arith.addf %add3A_15, %add3A_14 : vector<40x1280xf32>
    %slice3A_17 = vector.extract_strided_slice %add3A_16 {offsets = [0, 0], sizes = [16, 1280], strides = [1, 1]} : vector<40x1280xf32> to vector<16x1280xf32>
    %slice3A_18 = vector.extract_strided_slice %add3A_16 {offsets = [16, 0], sizes = [8, 1280], strides = [1, 1]} : vector<40x1280xf32> to vector<8x1280xf32>
    %slice3A_19 = vector.extract_strided_slice %add3A_16 {offsets = [24, 0], sizes = [8, 1280], strides = [1, 1]} : vector<40x1280xf32> to vector<8x1280xf32>
    %slice3A_20 = vector.extract_strided_slice %add3A_16 {offsets = [32, 0], sizes = [8, 1280], strides = [1, 1]} : vector<40x1280xf32> to vector<8x1280xf32>
    %get3A_21 = arith.constant 0 : index
    %get3A_22 = arith.constant 0 : index
    %get3A_23 = vector.load %arg3[%get3A_21, %get3A_22] : memref<16x16xf32, #tpu.memory_space<vmem>>, vector<16x16xf32>
    %dot_general3A = arith.constant dense<0.000000e+00> : vector<16x1280xf32>
    %dot_general3A_24 = tpu.matmul %get3A_23, %slice3A_17, %dot_general3A {dimension_numbers = #tpu.dot_dimension_numbers<[1], [0], [0], [1], [0, 0, 1, 1], [], []>, transpose_lhs_hint = false} : vector<16x16xf32>, vector<16x1280xf32>, vector<16x1280xf32> -> vector<16x1280xf32>
    %mul3A = arith.constant 2.500000e-01 : f32
    %mul3A_25 = vector.broadcast %mul3A : f32 to vector<16x1280xf32>
    %mul3A_26 = arith.mulf %dot_general3A_24, %mul3A_25 : vector<16x1280xf32>
    %get3A_27 = arith.constant 0 : index
    %get3A_28 = arith.constant 0 : index
    %get3A_29 = vector.load %arg4[%get3A_27, %get3A_28] : memref<16x1xf32, #tpu.memory_space<vmem>>, vector<16x1xf32>
    %add3A_30 = vector.broadcast %get3A_29 : vector<16x1xf32> to vector<16x1280xf32>
    %add3A_31 = arith.addf %mul3A_26, %add3A_30 : vector<16x1280xf32>
    %get3A_32 = arith.constant 0 : index
    %get3A_33 = arith.constant 0 : index
    %get3A_34 = vector.load %arg5[%get3A_32, %get3A_33] : memref<8x8xf32, #tpu.memory_space<vmem>>, vector<8x8xf32>
    %dot_general3A_35 = arith.constant dense<0.000000e+00> : vector<8x1280xf32>
    %dot_general3A_36 = tpu.matmul %get3A_34, %slice3A_18, %dot_general3A_35 {dimension_numbers = #tpu.dot_dimension_numbers<[1], [0], [0], [1], [0, 0, 1, 1], [], []>, transpose_lhs_hint = false} : vector<8x8xf32>, vector<8x1280xf32>, vector<8x1280xf32> -> vector<8x1280xf32>
    %mul3A_37 = arith.constant 0.353553385 : f32
    %mul3A_38 = vector.broadcast %mul3A_37 : f32 to vector<8x1280xf32>
    %mul3A_39 = arith.mulf %dot_general3A_36, %mul3A_38 : vector<8x1280xf32>
    %get3A_40 = arith.constant 0 : index
    %get3A_41 = arith.constant 0 : index
    %get3A_42 = vector.load %arg5[%get3A_40, %get3A_41] : memref<8x8xf32, #tpu.memory_space<vmem>>, vector<8x8xf32>
    %dot_general3A_43 = arith.constant dense<0.000000e+00> : vector<8x1280xf32>
    %dot_general3A_44 = tpu.matmul %get3A_42, %slice3A_19, %dot_general3A_43 {dimension_numbers = #tpu.dot_dimension_numbers<[1], [0], [0], [1], [0, 0, 1, 1], [], []>, transpose_lhs_hint = false} : vector<8x8xf32>, vector<8x1280xf32>, vector<8x1280xf32> -> vector<8x1280xf32>
    %mul3A_45 = arith.constant 0.353553385 : f32
    %mul3A_46 = vector.broadcast %mul3A_45 : f32 to vector<8x1280xf32>
    %mul3A_47 = arith.mulf %dot_general3A_44, %mul3A_46 : vector<8x1280xf32>
    %get3A_48 = arith.constant 0 : index
    %get3A_49 = arith.constant 0 : index
    %get3A_50 = vector.load %arg5[%get3A_48, %get3A_49] : memref<8x8xf32, #tpu.memory_space<vmem>>, vector<8x8xf32>
    %dot_general3A_51 = arith.constant dense<0.000000e+00> : vector<8x1280xf32>
    %dot_general3A_52 = tpu.matmul %get3A_50, %slice3A_20, %dot_general3A_51 {dimension_numbers = #tpu.dot_dimension_numbers<[1], [0], [0], [1], [0, 0, 1, 1], [], []>, transpose_lhs_hint = false} : vector<8x8xf32>, vector<8x1280xf32>, vector<8x1280xf32> -> vector<8x1280xf32>
    %mul3A_53 = arith.constant 0.353553385 : f32
    %mul3A_54 = vector.broadcast %mul3A_53 : f32 to vector<8x1280xf32>
    %mul3A_55 = arith.mulf %dot_general3A_52, %mul3A_54 : vector<8x1280xf32>
    %reduce_sum3A = arith.constant dense<0.000000e+00> : vector<1280xf32>
    %reduce_sum3A_56 = vector.multi_reduction <add>, %add3A_31, %reduce_sum3A [0] : vector<16x1280xf32> to vector<1280xf32>
    %broadcast_in_dim3A = vector.shape_cast %reduce_sum3A_56 : vector<1280xf32> to vector<1x1280xf32>
    %div3A = arith.constant 1.600000e+01 : f32
    %div3A_57 = vector.broadcast %div3A : f32 to vector<1x1280xf32>
    %div3A_58 = arith.divf %broadcast_in_dim3A, %div3A_57 : vector<1x1280xf32>
    %sub3A = vector.broadcast %div3A_58 : vector<1x1280xf32> to vector<16x1280xf32>
    %sub3A_59 = arith.subf %add3A_31, %sub3A : vector<16x1280xf32>
    %mul3A_60 = arith.mulf %sub3A_59, %sub3A_59 : vector<16x1280xf32>
    %reduce_sum3A_61 = arith.constant dense<0.000000e+00> : vector<1280xf32>
    %reduce_sum3A_62 = vector.multi_reduction <add>, %mul3A_60, %reduce_sum3A_61 [0] : vector<16x1280xf32> to vector<1280xf32>
    %broadcast_in_dim3A_63 = vector.shape_cast %reduce_sum3A_62 : vector<1280xf32> to vector<1x1280xf32>
    %div3A_64 = arith.constant 1.600000e+01 : f32
    %div3A_65 = vector.broadcast %div3A_64 : f32 to vector<1x1280xf32>
    %div3A_66 = arith.divf %broadcast_in_dim3A_63, %div3A_65 : vector<1x1280xf32>
    %add3A_67 = arith.constant 9.99999974E-6 : f32
    %add3A_68 = vector.broadcast %add3A_67 : f32 to vector<1x1280xf32>
    %add3A_69 = arith.addf %div3A_66, %add3A_68 : vector<1x1280xf32>
    %sqrt3A = math.sqrt %add3A_69 : vector<1x1280xf32>
    %div3A_70 = vector.broadcast %sqrt3A : vector<1x1280xf32> to vector<16x1280xf32>
    %div3A_71 = arith.divf %sub3A_59, %div3A_70 : vector<16x1280xf32>
    %get3A_72 = arith.constant 0 : index
    %get3A_73 = arith.constant 0 : index
    %get3A_74 = vector.load %arg6[%get3A_72, %get3A_73] : memref<16x1xf32, #tpu.memory_space<vmem>>, vector<16x1xf32>
    %mul3A_75 = vector.broadcast %get3A_74 : vector<16x1xf32> to vector<16x1280xf32>
    %mul3A_76 = arith.mulf %div3A_71, %mul3A_75 : vector<16x1280xf32>
    %mul3A_77 = arith.mulf %mul3A_39, %mul3A_39 : vector<8x1280xf32>
    %reduce_sum3A_78 = arith.constant dense<0.000000e+00> : vector<1280xf32>
    %reduce_sum3A_79 = vector.multi_reduction <add>, %mul3A_77, %reduce_sum3A_78 [0] : vector<8x1280xf32> to vector<1280xf32>
    %broadcast_in_dim3A_80 = vector.shape_cast %reduce_sum3A_79 : vector<1280xf32> to vector<1x1280xf32>
    %mul3A_81 = arith.mulf %mul3A_47, %mul3A_47 : vector<8x1280xf32>
    %reduce_sum3A_82 = arith.constant dense<0.000000e+00> : vector<1280xf32>
    %reduce_sum3A_83 = vector.multi_reduction <add>, %mul3A_81, %reduce_sum3A_82 [0] : vector<8x1280xf32> to vector<1280xf32>
    %broadcast_in_dim3A_84 = vector.shape_cast %reduce_sum3A_83 : vector<1280xf32> to vector<1x1280xf32>
    %add3A_85 = arith.addf %broadcast_in_dim3A_80, %broadcast_in_dim3A_84 : vector<1x1280xf32>
    %mul3A_86 = arith.mulf %mul3A_55, %mul3A_55 : vector<8x1280xf32>
    %reduce_sum3A_87 = arith.constant dense<0.000000e+00> : vector<1280xf32>
    %reduce_sum3A_88 = vector.multi_reduction <add>, %mul3A_86, %reduce_sum3A_87 [0] : vector<8x1280xf32> to vector<1280xf32>
    %broadcast_in_dim3A_89 = vector.shape_cast %reduce_sum3A_88 : vector<1280xf32> to vector<1x1280xf32>
    %add3A_90 = arith.addf %add3A_85, %broadcast_in_dim3A_89 : vector<1x1280xf32>
    %mul3A_91 = arith.constant 1.250000e-01 : f32
    %mul3A_92 = vector.broadcast %mul3A_91 : f32 to vector<1x1280xf32>
    %mul3A_93 = arith.mulf %add3A_90, %mul3A_92 : vector<1x1280xf32>
    %add3A_94 = arith.constant 9.99999974E-6 : f32
    %add3A_95 = vector.broadcast %add3A_94 : f32 to vector<1x1280xf32>
    %add3A_96 = arith.addf %mul3A_93, %add3A_95 : vector<1x1280xf32>
    %sqrt3A_97 = math.sqrt %add3A_96 : vector<1x1280xf32>
    %div3A_98 = vector.broadcast %sqrt3A_97 : vector<1x1280xf32> to vector<8x1280xf32>
    %div3A_99 = arith.divf %mul3A_39, %div3A_98 : vector<8x1280xf32>
    %get3A_100 = arith.constant 0 : index
    %get3A_101 = arith.constant 0 : index
    %get3A_102 = vector.load %arg7[%get3A_100, %get3A_101] : memref<8x1xf32, #tpu.memory_space<vmem>>, vector<8x1xf32>
    %mul3A_103 = vector.broadcast %get3A_102 : vector<8x1xf32> to vector<8x1280xf32>
    %mul3A_104 = arith.mulf %div3A_99, %mul3A_103 : vector<8x1280xf32>
    %div3A_105 = vector.broadcast %sqrt3A_97 : vector<1x1280xf32> to vector<8x1280xf32>
    %div3A_106 = arith.divf %mul3A_47, %div3A_105 : vector<8x1280xf32>
    %get3A_107 = arith.constant 0 : index
    %get3A_108 = arith.constant 0 : index
    %get3A_109 = vector.load %arg7[%get3A_107, %get3A_108] : memref<8x1xf32, #tpu.memory_space<vmem>>, vector<8x1xf32>
    %mul3A_110 = vector.broadcast %get3A_109 : vector<8x1xf32> to vector<8x1280xf32>
    %mul3A_111 = arith.mulf %div3A_106, %mul3A_110 : vector<8x1280xf32>
    %div3A_112 = vector.broadcast %sqrt3A_97 : vector<1x1280xf32> to vector<8x1280xf32>
    %div3A_113 = arith.divf %mul3A_55, %div3A_112 : vector<8x1280xf32>
    %get3A_114 = arith.constant 0 : index
    %get3A_115 = arith.constant 0 : index
    %get3A_116 = vector.load %arg7[%get3A_114, %get3A_115] : memref<8x1xf32, #tpu.memory_space<vmem>>, vector<8x1xf32>
    %mul3A_117 = vector.broadcast %get3A_116 : vector<8x1xf32> to vector<8x1280xf32>
    %mul3A_118 = arith.mulf %div3A_113, %mul3A_117 : vector<8x1280xf32>
    %slice3A_119 = vector.extract_strided_slice %mul3A_104 {offsets = [0, 0], sizes = [1, 1280], strides = [1, 1]} : vector<8x1280xf32> to vector<1x1280xf32>
    %slice3A_120 = vector.extract_strided_slice %mul3A_111 {offsets = [0, 0], sizes = [1, 1280], strides = [1, 1]} : vector<8x1280xf32> to vector<1x1280xf32>
    %slice3A_121 = vector.extract_strided_slice %mul3A_118 {offsets = [0, 0], sizes = [1, 1280], strides = [1, 1]} : vector<8x1280xf32> to vector<1x1280xf32>
    %slice3A_122 = vector.extract_strided_slice %mul3A_104 {offsets = [1, 0], sizes = [1, 1280], strides = [1, 1]} : vector<8x1280xf32> to vector<1x1280xf32>
    %slice3A_123 = vector.extract_strided_slice %mul3A_111 {offsets = [1, 0], sizes = [1, 1280], strides = [1, 1]} : vector<8x1280xf32> to vector<1x1280xf32>
    %slice3A_124 = vector.extract_strided_slice %mul3A_118 {offsets = [1, 0], sizes = [1, 1280], strides = [1, 1]} : vector<8x1280xf32> to vector<1x1280xf32>
    %slice3A_125 = vector.extract_strided_slice %mul3A_104 {offsets = [2, 0], sizes = [1, 1280], strides = [1, 1]} : vector<8x1280xf32> to vector<1x1280xf32>
    %slice3A_126 = vector.extract_strided_slice %mul3A_111 {offsets = [2, 0], sizes = [1, 1280], strides = [1, 1]} : vector<8x1280xf32> to vector<1x1280xf32>
    %slice3A_127 = vector.extract_strided_slice %mul3A_118 {offsets = [2, 0], sizes = [1, 1280], strides = [1, 1]} : vector<8x1280xf32> to vector<1x1280xf32>
    %slice3A_128 = vector.extract_strided_slice %mul3A_104 {offsets = [3, 0], sizes = [1, 1280], strides = [1, 1]} : vector<8x1280xf32> to vector<1x1280xf32>
    %slice3A_129 = vector.extract_strided_slice %mul3A_111 {offsets = [3, 0], sizes = [1, 1280], strides = [1, 1]} : vector<8x1280xf32> to vector<1x1280xf32>
    %slice3A_130 = vector.extract_strided_slice %mul3A_118 {offsets = [3, 0], sizes = [1, 1280], strides = [1, 1]} : vector<8x1280xf32> to vector<1x1280xf32>
    %slice3A_131 = vector.extract_strided_slice %mul3A_104 {offsets = [4, 0], sizes = [1, 1280], strides = [1, 1]} : vector<8x1280xf32> to vector<1x1280xf32>
    %slice3A_132 = vector.extract_strided_slice %mul3A_111 {offsets = [4, 0], sizes = [1, 1280], strides = [1, 1]} : vector<8x1280xf32> to vector<1x1280xf32>
    %slice3A_133 = vector.extract_strided_slice %mul3A_118 {offsets = [4, 0], sizes = [1, 1280], strides = [1, 1]} : vector<8x1280xf32> to vector<1x1280xf32>
    %slice3A_134 = vector.extract_strided_slice %mul3A_104 {offsets = [5, 0], sizes = [1, 1280], strides = [1, 1]} : vector<8x1280xf32> to vector<1x1280xf32>
    %slice3A_135 = vector.extract_strided_slice %mul3A_111 {offsets = [5, 0], sizes = [1, 1280], strides = [1, 1]} : vector<8x1280xf32> to vector<1x1280xf32>
    %slice3A_136 = vector.extract_strided_slice %mul3A_118 {offsets = [5, 0], sizes = [1, 1280], strides = [1, 1]} : vector<8x1280xf32> to vector<1x1280xf32>
    %slice3A_137 = vector.extract_strided_slice %mul3A_104 {offsets = [6, 0], sizes = [1, 1280], strides = [1, 1]} : vector<8x1280xf32> to vector<1x1280xf32>
    %slice3A_138 = vector.extract_strided_slice %mul3A_111 {offsets = [6, 0], sizes = [1, 1280], strides = [1, 1]} : vector<8x1280xf32> to vector<1x1280xf32>
    %slice3A_139 = vector.extract_strided_slice %mul3A_118 {offsets = [6, 0], sizes = [1, 1280], strides = [1, 1]} : vector<8x1280xf32> to vector<1x1280xf32>
    %slice3A_140 = vector.extract_strided_slice %mul3A_104 {offsets = [7, 0], sizes = [1, 1280], strides = [1, 1]} : vector<8x1280xf32> to vector<1x1280xf32>
    %slice3A_141 = vector.extract_strided_slice %mul3A_111 {offsets = [7, 0], sizes = [1, 1280], strides = [1, 1]} : vector<8x1280xf32> to vector<1x1280xf32>
    %slice3A_142 = vector.extract_strided_slice %mul3A_118 {offsets = [7, 0], sizes = [1, 1280], strides = [1, 1]} : vector<8x1280xf32> to vector<1x1280xf32>
    %concatenate3A = tpu.concatenate %mul3A_76, %slice3A_119, %slice3A_120, %slice3A_121, %slice3A_122, %slice3A_123, %slice3A_124, %slice3A_125, %slice3A_126, %slice3A_127, %slice3A_128, %slice3A_129, %slice3A_130, %slice3A_131, %slice3A_132, %slice3A_133, %slice3A_134, %slice3A_135, %slice3A_136, %slice3A_137, %slice3A_138, %slice3A_139, %slice3A_140, %slice3A_141, %slice3A_142 in 0 : vector<16x1280xf32>, vector<1x1280xf32>, vector<1x1280xf32>, vector<1x1280xf32>, vector<1x1280xf32>, vector<1x1280xf32>, vector<1x1280xf32>, vector<1x1280xf32>, vector<1x1280xf32>, vector<1x1280xf32>, vector<1x1280xf32>, vector<1x1280xf32>, vector<1x1280xf32>, vector<1x1280xf32>, vector<1x1280xf32>, vector<1x1280xf32>, vector<1x1280xf32>, vector<1x1280xf32>, vector<1x1280xf32>, vector<1x1280xf32>, vector<1x1280xf32>, vector<1x1280xf32>, vector<1x1280xf32>, vector<1x1280xf32>, vector<1x1280xf32> -> vector<40x1280xf32>
    %get3A_143 = arith.constant 0 : index
    %get3A_144 = arith.constant 0 : index
    %get3A_145 = vector.load %arg1[%get3A_143, %get3A_144] : memref<1280x40xf32, #tpu.memory_space<vmem>>, vector<1280x40xf32>
    %transpose3A = tpu.transpose %concatenate3A, [1, 0] : vector<40x1280xf32> -> vector<1280x40xf32>
    %add3A_146 = arith.addf %get3A_145, %transpose3A : vector<1280x40xf32>
    %swap3A = arith.constant 0 : index
    %swap3A_147 = arith.constant 0 : index
    %swap3A_148 = vector.load %arg8[%swap3A, %swap3A_147] : memref<1280x40xf32, #tpu.memory_space<vmem>>, vector<1280x40xf32>
    tpu.vector_store %arg8[%swap3A, %swap3A_147], %add3A_146 {strides = array<i32>} : memref<1280x40xf32, #tpu.memory_space<vmem>>, vector<1280x40xf32>,
    return
  }
  func.func @transform_0(%arg0: i32) -> (i32, i32) {
    %c0_i32 = arith.constant 0 : i32
    %c0_i32_0 = arith.constant 0 : i32
    return %arg0, %c0_i32 : i32, i32
  }
  func.func @transform_1(%arg0: i32) -> (i32, i32, i32) {
    %c0_i32 = arith.constant 0 : i32
    %c0_i32_0 = arith.constant 0 : i32
    %c0_i32_1 = arith.constant 0 : i32
    return %c0_i32, %c0_i32_0, %arg0 : i32, i32, i32
  }
  func.func @transform_2(%arg0: i32) -> (i32, i32) {
    %c0_i32 = arith.constant 0 : i32
    %c0_i32_0 = arith.constant 0 : i32
    %c0_i32_1 = arith.constant 0 : i32
    return %c0_i32, %c0_i32_0 : i32, i32
  }
  func.func @transform_3(%arg0: i32) -> (i32, i32) {
    %c0_i32 = arith.constant 0 : i32
    %c0_i32_0 = arith.constant 0 : i32
    %c0_i32_1 = arith.constant 0 : i32
    return %c0_i32, %c0_i32_0 : i32, i32
  }
  func.func @transform_4(%arg0: i32) -> (i32, i32) {
    %c0_i32 = arith.constant 0 : i32
    %c0_i32_0 = arith.constant 0 : i32
    %c0_i32_1 = arith.constant 0 : i32
    return %c0_i32, %c0_i32_0 : i32, i32
  }
  func.func @transform_5(%arg0: i32) -> (i32, i32) {
    %c0_i32 = arith.constant 0 : i32
    %c0_i32_0 = arith.constant 0 : i32
    %c0_i32_1 = arith.constant 0 : i32
    return %c0_i32, %c0_i32_0 : i32, i32
  }
  func.func @transform_6(%arg0: i32) -> (i32, i32) {
    %c0_i32 = arith.constant 0 : i32
    %c0_i32_0 = arith.constant 0 : i32
    %c0_i32_1 = arith.constant 0 : i32
    return %c0_i32, %c0_i32_0 : i32, i32
  }
  func.func @transform_7(%arg0: i32) -> (i32, i32) {
    %c0_i32 = arith.constant 0 : i32
    %c0_i32_0 = arith.constant 0 : i32
    return %arg0, %c0_i32 : i32, i32
  }
}

</mosaic_0001>

<sc_bundles>
// kernel: kernel.6.cloned.1.call-start
scs
__scs_entry_jumppad:
0x0: {  	(pc) =	sbr.rel $0x88, $3  }
0x1: {  	(tag) =	ssettag $0x0;
	lr =	simm.s32 $0x1  }
0x2: {  	[smem:$0x3F92] =	sst lr;
	_ =	strace $0xD0000000  }
0x3: {  	_ = 	snop  }
0x4: {  	_ = 	snop  }
0x5: {  	_ = 	snop  }
0x6: {  	_ = 	snop  }
0x7: {  	_ = 	snop  }
__scs_overlays_trampoline_lowered:
0x8: {  	[smem:$0x3FA1] =	sst s0  }
0x9: {  	[smem:$0x3FA2] =	sst s1  }
0xa: {  	[smem:$0x3FA3] =	sst s2  }
0xb: {  	[smem:$0x3FA4] =	sst s3  }
0xc: {  	[smem:$0x3FA5] =	sst s4  }
0xd: {  	[smem:$0x3FA6] =	sst s5  }
0xe: {  	[smem:$0x3FA7] =	sst s6  }
0xf: {  	[smem:$0x3FA8] =	sst s7  }
0x10: {  	[smem:$0x3FA9] =	sst s8  }
0x11: {  	[smem:$0x3FAA] =	sst s9;
	s0 =	simm.s32 @!p0 $0x0  }
0x12: {  	s1 =	sld [smem:$0x3F90];
	s0 =	simm.s32 @p0 $0x1  }
0x13: {  	[smem:$0x3FAB] =	sst s0;
	s0 =	simm.s32 @!p1 $0x0  }
0x14: {  	s2 =	sld [smem:$0x3F8F];
	s0 =	simm.s32 @p1 $0x1  }
0x15: {  	[smem:$0x3FAC] =	sst s0;
	s0 =	simm.s32 @!p2 $0x0  }
0x16: {  	s3 =	sld [smem:$0x3FDB];
	s0 =	simm.s32 @p2 $0x1  }
0x17: {  	s4 =	simm.s32 $0x1BF5;
	[smem:$0x3FAE] =	sst s0  }
0x18: {  	s0 =	sld [smem:$0x3F91];
	_ =	swait.ge [sflag:s4], $0x0  }
0x19: {  	s7 =	sld [smem:$0x3F92]  }
0x1a: {  	s8 =	sadd.s32 $0xFFFFE003, lr  }
0x1b: {  	s9 =	sadd.s32 $0xFFFFFEF7, lr;
	s5 =	simm.s32 $0xFFFFFFFF;
	p2 =	slt.u32 s8, $0xFFFFF086  }
0x1c: {  	p1 =	slt.u32 s9, $0xF7A;
	s5 =	simm.s32 @!p2 $0x0  }
0x1d: {  	s5 =	simm.s32 @p1 $0x1;
	p0 =	seq.s32 s7, s2  }
0x1e: {  	s7 =	smul.u32 @!p0 $0xF7A, s2;
	p2 =	seq.s32 @!p0 s5, $0x0  }
0x1f: {  	s9 =	smul.u32 $0xF7A, s1;
	s8 =	simm.s32 @!p0 $0x1BF5;
	p2 =	por !p2, p0  }
0x20: {  	[sflag:s8] =	ssyncset.s32 @!p0 $0xFFFFF086;
	s6 =	sadd.s32 @!p0 s3, s7;
	s7 =	simm.s32 @!p0 $0x108  }
0x21: {  	s3 =	sadd.s32 s3, s9;
	s6 =	sadd.s32 @!p0 $0x88, s6;
	s7 =	simm.s32 @p2 $0x1082  }
0x22: {  	[simem:s7], [sflag:s8] =	dma.local @!p0 [hbm:s6], $0xF7A  }
0x23: {  	s9 =	sor.u32 $0xD0000000, s2;
	s6 =	simm.s32 $0x108;
	_ =	swait.ge @!p0 [sflag:s8], $0x0  }
0x24: {  	s3 =	sadd.s32 $0x88, s3;
	s6 =	simm.s32 @!p1 $0x1082;
	[sflag:s4] =	ssyncset.s32 $0xFFFFF086  }
0x25: {  	[simem:s6], [sflag:s4] =	dma.local [hbm:s3], $0xF7A  }
0x26: {  	[smem:$0x3F92] =	sst s1;
	(tag) =	ssettag s2;
	_ =	strace s9  }
0x27: {  	s1 =	sld [smem:$0x3FA2]  }
0x28: {  	s2 =	sld [smem:$0x3FA3]  }
0x29: {  	s4 =	sld [smem:$0x3FA5]  }
0x2a: {  	p0 =	seq.s32 s5, $0x0;
	s5 =	sld [smem:$0x3FA6]  }
0x2b: {  	s6 =	sld [smem:$0x3FA7]  }
0x2c: {  	s7 =	sld [smem:$0x3FA8]  }
0x2d: {  	s3 =	simm.s32 $0x108;
	s8 =	sld [smem:$0x3FA9]  }
0x2e: {  	s3 =	simm.s32 @!p0 $0x1082;
	s9 =	sld [smem:$0x3FAA]  }
0x2f: {  	lr =	sadd.s32 s0, s3;
	s0 =	sld [smem:$0x3FA1]  }
0x30: {  	s3 =	sld [smem:$0x3FA4]  }
0x31: {  	[smem:$0x3FAD] =	sst s10  }
0x32: {  	s10 =	sld [smem:$0x3FAB];
	_ =	sdelay $0x3  }
0x33: {  	p0 =	seq.s32 s10, $0x1;
	s10 =	sld [smem:$0x3FAD];
	_ =	sdelay $0x3  }
0x34: {  	[smem:$0x3FAD] =	sst s10  }
0x35: {  	s10 =	sld [smem:$0x3FAC];
	_ =	sdelay $0x3  }
0x36: {  	p1 =	seq.s32 s10, $0x1;
	s10 =	sld [smem:$0x3FAD];
	_ =	sdelay $0x3  }
0x37: {  	[smem:$0x3FAD] =	sst s10  }
0x38: {  	s10 =	sld [smem:$0x3FAE]  }
0x39: {  	_ = 	snop;
	(pc) =	sbr.ind lr, $3  }
0x3a: {  	_ = 	snop  }
0x3b: {  	_ = 	snop  }
0x3c: {  	p2 =	seq.s32 s10, $0x1;
	s10 =	sld [smem:$0x3FAD]  }
0x3d: {  	_ =	shalt  }
0x3e: {  	_ =	shalt  }
0x3f: {  	_ =	shalt  }
0x40: {  	_ =	shalt  }
0x41: {  	_ =	shalt  }
0x42: {  	_ =	shalt  }
0x43: {  	_ =	shalt  }
0x44: {  	_ =	shalt  }
0x45: {  	_ =	shalt  }
0x46: {  	_ =	shalt  }
0x47: {  	_ =	shalt  }
0x48: {  	_ =	shalt  }
0x49: {  	_ =	shalt  }
0x4a: {  	_ =	shalt  }
0x4b: {  	_ =	shalt  }
0x4c: {  	_ =	shalt  }
0x4d: {  	_ =	shalt  }
0x4e: {  	_ =	shalt  }
0x4f: {  	_ =	shalt  }
0x50: {  	_ =	shalt  }
0x51: {  	_ =	shalt  }
0x52: {  	_ =	shalt  }
0x53: {  	_ =	shalt  }
0x54: {  	_ =	shalt  }
0x55: {  	_ =	shalt  }
0x56: {  	_ =	shalt  }
0x57: {  	_ =	shalt  }
0x58: {  	_ =	shalt  }
0x59: {  	_ =	shalt  }
0x5a: {  	_ =	shalt  }
0x5b: {  	_ =	shalt  }
0x5c: {  	_ =	shalt  }
0x5d: {  	_ =	shalt  }
0x5e: {  	_ =	shalt  }
0x5f: {  	_ =	shalt  }
0x60: {  	_ =	shalt  }
0x61: {  	_ =	shalt  }
0x62: {  	_ =	shalt  }
0x63: {  	_ =	shalt  }
0x64: {  	_ =	shalt  }
0x65: {  	_ =	shalt  }
0x66: {  	_ =	shalt  }
0x67: {  	_ =	shalt  }
0x68: {  	_ =	shalt  }
0x69: {  	_ =	shalt  }
0x6a: {  	_ =	shalt  }
0x6b: {  	_ =	shalt  }
0x6c: {  	_ =	shalt  }
0x6d: {  	_ =	shalt  }
0x6e: {  	_ =	shalt  }
0x6f: {  	_ =	shalt  }
0x70: {  	_ =	shalt  }
0x71: {  	_ =	shalt  }
0x72: {  	_ =	shalt  }
0x73: {  	_ =	shalt  }
0x74: {  	_ =	shalt  }
0x75: {  	_ =	shalt  }
0x76: {  	_ =	shalt  }
0x77: {  	_ =	shalt  }
0x78: {  	_ =	shalt  }
0x79: {  	_ =	shalt  }
0x7a: {  	_ =	shalt  }
0x7b: {  	_ =	shalt  }
0x7c: {  	_ =	shalt  }
0x7d: {  	_ =	shalt  }
0x7e: {  	_ =	shalt  }
0x7f: {  	_ =	shalt  }
0x80: {  	_ =	shalt  }
0x81: {  	_ =	shalt  }
0x82: {  	_ =	shalt  }
0x83: {  	_ =	shalt  }
0x84: {  	_ =	shalt  }
0x85: {  	_ =	shalt  }
0x86: {  	_ =	shalt  }
0x87: {  	_ =	shalt  }
.Lfunc_end0:
.L_simem_size_0:
called_computation_lowered:
.L_overlay_start_0:
0x88: {  	s2 =	sld [smem:$0x3FD9]  }
0x89: {  	s3 =	sld [smem:$0x3FFE];
	_ =	sdelay $0x1  }
0x8a: {  	s1 =	srdreg.scid  }
0x8b: {  	s0 =	sand.u32 $0x1, s1  }
0x8c: {  	s17 =	sshll.u32 s0, $0xA;
	s2 =	sadd.s32 s3, s2  }
0x8d: {  	s2 =	sadd.s32 s2, s17  }
0x8e: {  	[smem:$0x3FB9] =	sst s2  }
0x8f: {  	_ = 	snop  }
0x90: {  	s2 =	sld [smem:$0x3FD0];
	(tm) =	ssettm $0x1  }
0x91: {  	s18 =	sld [smem:$0x3FFB];
	_ =	sdelay $0x3  }
0x92: {  	_ =	strace s18  }
0x93: {  	s3 =	sld [smem:$0x3FFC];
	_ =	sdelay $0x3  }
0x94: {  	_ =	strace s3  }
0x95: {  	s3 =	sld [smem:$0x3FFD];
	_ =	sdelay $0x3  }
0x96: {  	_ =	strace s3  }
0x97: {  	_ =	strace $0x8FFFFFFF  }
0x98: {  	s19 =	sld [smem:$0x3FDB];
	_ =	sdelay $0x1  }
0x99: {  	s4 =	simm.s32 $_scs_section_size  }
0x9a: {  	s5 =	simm.s32 $_size__tile_overlayer_lowered;
	s6 =	simm.s32 $_tile_overlayer_lowered  }
0x9b: {  	s22 =	simm.s32 $0x1BFF;
	s21 =	sshll.u32 s6, $0x1;
	s3 =	sadd.s32 s4, s19  }
0x9c: {  	s7 =	simm.s32 $0x0;
	s20 =	sshll.u32 s5, $0x1;
	s5 =	sadd.s32 s21, s3  }
0x9d: {  	[timem:s7], [sflag:s22] =	dma.local [hbm:s5], s20  }
0x9e: {  	_ =	swait.ge [sflag:s22], s20  }
0x9f: {  	s4 =	ssub.s32 $0x0, s20;
	[sflag:s22] =	ssyncset.done $0x0  }
0xa0: {  	[sflag:s22] =	ssyncadd.s32 s4;
	_ =	sdelay $0x1  }
0xa1: {  	s23 =	simm.s32 $0x1B8B  }
0xa2: {  	_ =	swait.ge [sflag:s23], $0x1  }
0xa3: {  	[sflag:s23] =	ssyncset.done $0x0  }
0xa4: {  	s25 =	simm.s32 $0x1B8E;
	s24 =	sld [smem:$0x3FFE];
	[sflag:s23] =	ssyncadd.s32 $0xFFFFFFFF  }
0xa5: {  	s26 =	simm.s32 $execute0_lowered;
	[smem:$0x3FD2] =	sst s25  }
0xa6: {  	s5 =	sshll.u32 s26, $0x1;
	_ =	strace $0x80000046;
	[dreg:$0x1] =	wrdreg $0xFFFFFFFF  }
0xa7: {  	s28 =	simm.s32 $_size_execute0_lowered;
	s3 =	sadd.s32 s3, s5;
	[dreg:$0x0] =	wrdreg $0x0  }
0xa8: {  	s5 =	sshll.u32 s28, $0x1;
	[dreg:$0x2] =	wrdreg s3  }
0xa9: {  	[dreg:$0x3] =	wrdreg s5  }
0xaa: {  	[dreg:$0x4] =	wrdreg $0xC0  }
0xab: {  	_ =	task [dreg:s7], $0x5FFFF  }
0xac: {  	[dreg:$0x1] =	wrdreg $0xFFFFFFFF  }
0xad: {  	[dreg:$0x0] =	wrdreg $0x60  }
0xae: {  	[dreg:$0x2] =	wrdreg s2  }
0xaf: {  	[dreg:$0x3] =	wrdreg s24  }
0xb0: {  	[dreg:$0x4] =	wrdreg $0x9  }
0xb1: {  	_ =	task.clear_ibuf [dreg:s7], $0x5FFFF;
	_ =	strace $0x90000046  }
0xb2: {  	s29 =	simm.s32 $0x9;
	_ =	strace $0x80000048  }
0xb3: {  	_ =	swait.ge [sflag:s29], $0x1  }
0xb4: {  	[sflag:s29] =	ssyncadd.s32 $0xFFFFFFFF  }
0xb5: {  	_ =	strace $0x90000048  }
0xb6: {  	_ =	sfence  }
0xb7: {  	s30 =	sld [smem:$0x0];
	_ =	sdelay $0x2  }
0xb8: {  	s31 =	sshll.u32 s1, $0xD;
	s1 =	sshrl.u32 s1, $0x2  }
0xb9: {  	s3 =	sand.u32 $0x4000, s31;
	s1 =	sadd.s32 s1, s30  }
0xba: {  	s0 =	sor.u32 s3, s0;
	s1 =	sshll.u32 s1, $0x11  }
0xbb: {  	s0 =	sor.u32 s1, s0  }
0xbc: {  	s0 =	sadd.s32 $0x8F2B, s0  }
0xbd: {  	[sflag:s0] =	ssyncadd.remote.s32 $0x1  }
0xbe: {  	_ =	sfence.sel $0xFFFF  }
0xbf: {  	[dreg:$0x0] =	wrdreg $0xFFFFFFFF;
	(pc) =	sbr.abs _section_cstart, $3  }
0xc0: {  	[dreg:$0x1] =	wrdreg $0xFFFFFFFF  }
0xc1: {  	_ =	task.clear_ibuf [dreg:s7], $0x2FFFF;
	_ =	strace $0x9FFFFFFF  }
0xc2: {  	(tm) =	ssettm $0x7FFFFFFF  }
0xc3: {  	_ =	shalt  }
tec
execute0_lowered:
.L_overlay_start_1:
0x0: {  	(tag) =	ssettag $0x1  }
0x1: {  	s0 =	srdreg.scid;
	s2 =	rddreg [dreg:$0x0]  }
0x2: {  	s9 =	stileid.u32;
	s4 =	rddreg [dreg:$0x1];
	s3 =	simm.s32 $0x0  }
0x3: {  	s12 =	simm.s32 $0x3;
	s13 =	simm.s32 $0x80;
	s14 =	simm.s32 $0x1400  }
0x4: {  	s15 =	simm.s32 $0x2800;
	s16 =	simm.s32 $0x100;
	s17 =	simm.s32 $0x3C00  }
0x5: {  	s18 =	simm.s32 $0x180;
	s19 =	simm.s32 $0x5000;
	s20 =	simm.s32 $0x6400  }
0x6: {  	s21 =	simm.s32 $0x7800;
	s22 =	simm.s32 $0x8C00;
	s23 =	simm.s32 $0xA000  }
0x7: {  	s24 =	simm.s32 $0x1;
	s25 =	simm.s32 $0x2;
	s28 =	simm.s32 $0x0  }
0x8: {  	s0 =	sand.u32 $0x1, s0;
	s1 =	sshll.u32 s9, $0x1;
	s9 =	smul.u32 $0x9C4, s9  }
0x9: {  	s1 =	sor.u32 s0, s1;
	s8 =	ssub.s32 $0x2, s0;
	s0 =	smul.u32 $0x4E2, s0  }
0xa: {  	[smem:$0x7FF] =	sst s3;
	s1 =	smul.u32 $0x4E2, s1;
	s10 =	sshrl.u32 s8, $0x1  }
0xb: {  	s11 =	sadd.s32 $0x33800, s4;
	_ =	strace $0x80000047;
	s10 =	ssub.s32 s8, s10  }
0xc: {  	s0 =	sadd.s32 s0, s9;
	s5 =	sshrl.u32 s1, $0x5;
	s6 =	sshrl.u32 s1, $0x1  }
0xd: {  	s1 =	sadd.s32 $0x4E2, s1;
	s0 =	sshrl.u32 s0, $0x5;
	s10 =	smax.u32 s10, $0x1  }
0xe: {  	s7 =	smul.u32 $0x1400, s5;
	s6 =	sand.u32 $0x7FF0, s6;
	s1 =	sshrl.u32 s1, $0x5  }
0xf: {  	s0 =	smul.u32 $0x280, s0;
	s6 =	sadd.s32 s6, s4;
	s1 =	ssub.s32 s1, s5  }
0x10: {  	s30 =	sshrl.u32 s7, $0x3;
	s4 =	sadd.s32 $0x29800, s6;
	p0 =	seq.s32 s1, $0x25  }
.Ltmp0:
0x11: {  	s0 =	sadd.s32 s0, s11;
	p3 =	slt.u32 @!p0 s1, $0x27;
	(pc) =	sbr.rel .LBB2_1-.Ltmp0, $4  }
0x12: {  	p2 =	slt.s32 s1, $0x25;
	s31 =	sadd.s32 s11, s30;
	p1 =	por p3, p0  }
0x13: {  	s11 =	sadd.s32 $0xA00, s0;
	s5 =	sadd.s32 $0x5000, s31;
	p4 =	seq.s32 @!p1 s1, $0x27  }
0x14: {  	s6 =	sadd.s32 $0x5A00, s31;
	s7 =	sadd.s32 $0x5C80, s31;
	p3 =	por @!p0 p4, p3  }
0x15: {  	s8 =	sadd.s32 $0x5F00, s31;
	s9 =	sadd.s32 $0x6180, s31;
	p3 =	por p3, p0  }
.LBB2_5:
0x16: {  	s28 =	sadd.s32 $0x1, s28  }
0x17: {  	p4 =	sne.s32 s28, s10  }
.Ltmp1:
0x18: {  	_ = 	snop;
	(pc) =	sbr.rel @!p4 .LBB2_6-.Ltmp1, $1  }
0x19: {  	_ =	sdelay $0x3  }
.LBB2_1:
0x1a: {  	[tilespmem:s3], [sflag:$0x3] =	stream.linear.gather [hbm4b:s4+s3], $0x1400, $0x38;
	[tilespmem:$0xB400] =	vst v63  }
0x1b: {  	_ =	swait.ge [sflag:s12], $0x1400  }
0x1c: {  	[sflag:s12] =	ssyncset.done $0x0  }
0x1d: {  	[sflag:s12] =	ssyncadd.s32 $0xFFFFEC00  }
0x1e: {  	[tilespmem:s14], [sflag:$0x1] =	stream.indirect.gather [hbm4b:s2+s13], $0x28, s3, s13, $0xb8;
	[tilespmem:$0xB400] =	vst v63  }
0x1f: {  	_ = 	snop  }
0x20: {  	[tilespmem:s15], [sflag:$0x1] =	stream.indirect.gather [hbm4b:s2+s13], $0x28, s13, s13, $0xb8;
	[tilespmem:$0xB400] =	vst v63  }
0x21: {  	_ = 	snop  }
0x22: {  	[tilespmem:s17], [sflag:$0x1] =	stream.indirect.gather [hbm4b:s2+s13], $0x28, s16, s13, $0xb8;
	[tilespmem:$0xB400] =	vst v63  }
0x23: {  	_ = 	snop  }
0x24: {  	[tilespmem:s19], [sflag:$0x1] =	stream.indirect.gather [hbm4b:s2+s13], $0x28, s18, s13, $0xb8;
	[tilespmem:$0xB400] =	vst v63  }
0x25: {  	s0 =	simm.s32 $0x200  }
0x26: {  	[tilespmem:s20], [sflag:$0x2] =	stream.indirect.gather [hbm4b:s2+s13], $0x28, s0, s13, $0xb8;
	[tilespmem:$0xB400] =	vst v63  }
0x27: {  	s1 =	simm.s32 $0x280  }
0x28: {  	[tilespmem:s21], [sflag:$0x2] =	stream.indirect.gather [hbm4b:s2+s13], $0x28, s1, s13, $0xb8;
	[tilespmem:$0xB400] =	vst v63  }
0x29: {  	s26 =	simm.s32 $0x300  }
0x2a: {  	[tilespmem:s22], [sflag:$0x2] =	stream.indirect.gather [hbm4b:s2+s13], $0x28, s26, s13, $0xb8;
	[tilespmem:$0xB400] =	vst v63  }
0x2b: {  	s1 =	simm.s32 $0x380  }
0x2c: {  	[tilespmem:s23], [sflag:$0x2] =	stream.indirect.gather [hbm4b:s2+s13], $0x28, s1, s13, $0xb8;
	[tilespmem:$0xB400] =	vst v63  }
0x2d: {  	_ =	swait.ge [sflag:s24], $0x1400  }
0x2e: {  	[sflag:s24] =	ssyncset.done $0x0  }
0x2f: {  	[sflag:s24] =	ssyncadd.s32 $0xFFFFEC00  }
0x30: {  	_ =	swait.ge [sflag:s24], $0x1400  }
0x31: {  	[sflag:s24] =	ssyncset.done $0x0  }
0x32: {  	[sflag:s24] =	ssyncadd.s32 $0xFFFFEC00  }
0x33: {  	_ =	swait.ge [sflag:s24], $0x1400  }
0x34: {  	[sflag:s24] =	ssyncset.done $0x0  }
0x35: {  	[sflag:s24] =	ssyncadd.s32 $0xFFFFEC00  }
0x36: {  	_ =	swait.ge [sflag:s24], $0x1400  }
0x37: {  	[sflag:s24] =	ssyncset.done $0x0  }
0x38: {  	s26 =	sadd.s32 $0xFFFFF600, s11;
	[sflag:s24] =	ssyncadd.s32 $0xFFFFEC00  }
0x39: {  	[hbm4b:s26+s3] =	stream.linear.scatter [tilespmem:s14], [sflag:$0x3], $0x5000, $0x38;
	[tilespmem:$0xB400] =	vst v63  }
0x3a: {  	_ =	swait.ge [sflag:s12], $0x5000  }
0x3b: {  	[sflag:s12] =	ssyncset.done $0x0  }
0x3c: {  	s1 =	simm.s32 $0x400;
	[sflag:s12] =	ssyncadd.s32 $0xFFFFB000  }
0x3d: {  	[tilespmem:s14], [sflag:$0x1] =	stream.indirect.gather [hbm4b:s2+s13], $0x28, s1, s13, $0xb8;
	[tilespmem:$0xB400] =	vst v63  }
0x3e: {  	s26 =	simm.s32 $0x480  }
0x3f: {  	[tilespmem:s15], [sflag:$0x1] =	stream.indirect.gather [hbm4b:s2+s13], $0x28, s26, s13, $0xb8;
	[tilespmem:$0xB400] =	vst v63  }
0x40: {  	s1 =	simm.s32 $0x500  }
0x41: {  	[tilespmem:s17], [sflag:$0x1] =	stream.indirect.gather [hbm4b:s2+s13], $0x28, s1, s13, $0xb8;
	[tilespmem:$0xB400] =	vst v63  }
0x42: {  	s26 =	simm.s32 $0x580  }
0x43: {  	[tilespmem:s19], [sflag:$0x1] =	stream.indirect.gather [hbm4b:s2+s13], $0x28, s26, s13, $0xb8;
	[tilespmem:$0xB400] =	vst v63  }
0x44: {  	_ =	swait.ge [sflag:s25], $0x1400  }
0x45: {  	[sflag:s25] =	ssyncset.done $0x0  }
0x46: {  	[sflag:s25] =	ssyncadd.s32 $0xFFFFEC00  }
0x47: {  	_ =	swait.ge [sflag:s25], $0x1400  }
0x48: {  	[sflag:s25] =	ssyncset.done $0x0  }
0x49: {  	[sflag:s25] =	ssyncadd.s32 $0xFFFFEC00  }
0x4a: {  	_ =	swait.ge [sflag:s25], $0x1400  }
0x4b: {  	[sflag:s25] =	ssyncset.done $0x0  }
0x4c: {  	[sflag:s25] =	ssyncadd.s32 $0xFFFFEC00  }
0x4d: {  	_ =	swait.ge [sflag:s25], $0x1400  }
0x4e: {  	[sflag:s25] =	ssyncset.done $0x0  }
0x4f: {  	[sflag:s25] =	ssyncadd.s32 $0xFFFFEC00  }
0x50: {  	[hbm4b:s11+s3] =	stream.linear.scatter [tilespmem:s20], [sflag:$0x3], $0x5000, $0x38;
	[tilespmem:$0xB400] =	vst v63  }
0x51: {  	s31 =	simm.s32 $0x2000;
	_ =	swait.ge [sflag:s12], $0x5000  }
0x52: {  	s30 =	simm.s32 $0x400;
	s29 =	sadd.s32 $0x1400, s11;
	[sflag:s12] =	ssyncset.done $0x0  }
.LBB2_2:
0x53: {  	s26 =	sadd.s32 $0x200, s30  }
0x54: {  	[sflag:s12] =	ssyncadd.s32 $0xFFFFB000;
	s1 =	smov.u32 s31;
	s0 =	sadd.s32 $0x1000, s31  }
0x55: {  	[tilespmem:s20], [sflag:$0x2] =	stream.indirect.gather [hbm4b:s2+s13], $0x28, s26, s13, $0xb8;
	[tilespmem:$0xB400] =	vst v63  }
0x56: {  	p4 =	sne.s32 s31, $0x3000;
	s26 =	sadd.s32 $0x280, s30  }
0x57: {  	[tilespmem:s21], [sflag:$0x2] =	stream.indirect.gather [hbm4b:s2+s13], $0x28, s26, s13, $0xb8;
	[tilespmem:$0xB400] =	vst v63  }
0x58: {  	s26 =	sadd.s32 $0x300, s30  }
0x59: {  	[tilespmem:s22], [sflag:$0x2] =	stream.indirect.gather [hbm4b:s2+s13], $0x28, s26, s13, $0xb8;
	[tilespmem:$0xB400] =	vst v63  }
0x5a: {  	s26 =	sadd.s32 $0x380, s30  }
0x5b: {  	[tilespmem:s23], [sflag:$0x2] =	stream.indirect.gather [hbm4b:s2+s13], $0x28, s26, s13, $0xb8;
	[tilespmem:$0xB400] =	vst v63  }
0x5c: {  	_ =	swait.ge [sflag:s24], $0x1400  }
0x5d: {  	[sflag:s24] =	ssyncset.done $0x0  }
0x5e: {  	[sflag:s24] =	ssyncadd.s32 $0xFFFFEC00  }
0x5f: {  	_ =	swait.ge [sflag:s24], $0x1400  }
0x60: {  	[sflag:s24] =	ssyncset.done $0x0  }
0x61: {  	[sflag:s24] =	ssyncadd.s32 $0xFFFFEC00  }
0x62: {  	_ =	swait.ge [sflag:s24], $0x1400  }
0x63: {  	[sflag:s24] =	ssyncset.done $0x0  }
0x64: {  	[sflag:s24] =	ssyncadd.s32 $0xFFFFEC00  }
0x65: {  	_ =	swait.ge [sflag:s24], $0x1400  }
0x66: {  	[sflag:s24] =	ssyncset.done $0x0  }
0x67: {  	s26 =	sadd.s32 $0xFFFFF600, s29;
	[sflag:s24] =	ssyncadd.s32 $0xFFFFEC00  }
0x68: {  	[hbm4b:s26+s3] =	stream.linear.scatter [tilespmem:s14], [sflag:$0x3], $0x5000, $0x38;
	[tilespmem:$0xB400] =	vst v63  }
0x69: {  	_ =	swait.ge [sflag:s12], $0x5000  }
0x6a: {  	[sflag:s12] =	ssyncset.done $0x0  }
0x6b: {  	s26 =	sadd.s32 $0x400, s30;
	[sflag:s12] =	ssyncadd.s32 $0xFFFFB000  }
0x6c: {  	[tilespmem:s14], [sflag:$0x1] =	stream.indirect.gather [hbm4b:s2+s13], $0x28, s26, s13, $0xb8;
	[tilespmem:$0xB400] =	vst v63  }
0x6d: {  	s26 =	sadd.s32 $0x480, s30  }
0x6e: {  	[tilespmem:s15], [sflag:$0x1] =	stream.indirect.gather [hbm4b:s2+s13], $0x28, s26, s13, $0xb8;
	[tilespmem:$0xB400] =	vst v63  }
0x6f: {  	s26 =	sadd.s32 $0x500, s30  }
0x70: {  	[tilespmem:s17], [sflag:$0x1] =	stream.indirect.gather [hbm4b:s2+s13], $0x28, s26, s13, $0xb8;
	[tilespmem:$0xB400] =	vst v63  }
0x71: {  	s26 =	sadd.s32 $0x580, s30  }
0x72: {  	[tilespmem:s19], [sflag:$0x1] =	stream.indirect.gather [hbm4b:s2+s13], $0x28, s26, s13, $0xb8;
	[tilespmem:$0xB400] =	vst v63  }
0x73: {  	_ =	swait.ge [sflag:s25], $0x1400  }
0x74: {  	[sflag:s25] =	ssyncset.done $0x0  }
0x75: {  	[sflag:s25] =	ssyncadd.s32 $0xFFFFEC00  }
0x76: {  	_ =	swait.ge [sflag:s25], $0x1400  }
0x77: {  	[sflag:s25] =	ssyncset.done $0x0  }
0x78: {  	[sflag:s25] =	ssyncadd.s32 $0xFFFFEC00  }
0x79: {  	_ =	swait.ge [sflag:s25], $0x1400  }
0x7a: {  	[sflag:s25] =	ssyncset.done $0x0  }
0x7b: {  	[sflag:s25] =	ssyncadd.s32 $0xFFFFEC00  }
0x7c: {  	_ =	swait.ge [sflag:s25], $0x1400  }
.Ltmp2:
0x7d: {  	[sflag:s25] =	ssyncset.done $0x0;
	(pc) =	sbr.rel @p4 .LBB2_2-.Ltmp2, $4  }
0x7e: {  	[sflag:s25] =	ssyncadd.s32 $0xFFFFEC00  }
0x7f: {  	[hbm4b:s29+s3] =	stream.linear.scatter [tilespmem:s20], [sflag:$0x3], $0x5000, $0x38;
	[tilespmem:$0xB400] =	vst v63  }
0x80: {  	s31 =	smov.u32 s0;
	_ =	swait.ge [sflag:s12], $0x5000  }
0x81: {  	s30 =	sshra.s32 s1, $0x2;
	s29 =	sadd.s32 $0x1400, s29;
	[sflag:s12] =	ssyncset.done $0x0  }
0x82: {  	s0 =	sadd.s32 $0x200, s30;
	[sflag:s12] =	ssyncadd.s32 $0xFFFFB000  }
0x83: {  	[tilespmem:s20], [sflag:$0x2] =	stream.indirect.gather [hbm4b:s2+s13], $0x28, s0, s13, $0xb8;
	[tilespmem:$0xB400] =	vst v63  }
0x84: {  	s26 =	sadd.s32 $0x280, s30  }
0x85: {  	[tilespmem:s21], [sflag:$0x2] =	stream.indirect.gather [hbm4b:s2+s13], $0x28, s26, s13, $0xb8;
	[tilespmem:$0xB400] =	vst v63  }
0x86: {  	s31 =	sadd.s32 $0x300, s30  }
0x87: {  	[tilespmem:s22], [sflag:$0x2] =	stream.indirect.gather [hbm4b:s2+s13], $0x28, s31, s13, $0xb8;
	[tilespmem:$0xB400] =	vst v63  }
0x88: {  	s1 =	sadd.s32 $0x380, s30  }
0x89: {  	[tilespmem:s23], [sflag:$0x2] =	stream.indirect.gather [hbm4b:s2+s13], $0x28, s1, s13, $0xb8;
	[tilespmem:$0xB400] =	vst v63  }
0x8a: {  	_ =	swait.ge [sflag:s24], $0x1400  }
0x8b: {  	[sflag:s24] =	ssyncset.done $0x0  }
0x8c: {  	[sflag:s24] =	ssyncadd.s32 $0xFFFFEC00  }
0x8d: {  	_ =	swait.ge [sflag:s24], $0x1400  }
0x8e: {  	[sflag:s24] =	ssyncset.done $0x0  }
0x8f: {  	[sflag:s24] =	ssyncadd.s32 $0xFFFFEC00  }
0x90: {  	_ =	swait.ge [sflag:s24], $0x1400  }
0x91: {  	[sflag:s24] =	ssyncset.done $0x0  }
0x92: {  	[sflag:s24] =	ssyncadd.s32 $0xFFFFEC00  }
0x93: {  	_ =	swait.ge [sflag:s24], $0x1400  }
0x94: {  	[sflag:s24] =	ssyncset.done $0x0  }
0x95: {  	s26 =	sadd.s32 $0xFFFFF600, s29;
	[sflag:s24] =	ssyncadd.s32 $0xFFFFEC00  }
0x96: {  	[hbm4b:s26+s3] =	stream.linear.scatter [tilespmem:s14], [sflag:$0x3], $0x5000, $0x38;
	[tilespmem:$0xB400] =	vst v63  }
0x97: {  	_ =	swait.ge [sflag:s12], $0x5000  }
0x98: {  	[sflag:s12] =	ssyncset.done $0x0  }
0x99: {  	s31 =	sadd.s32 $0x400, s30;
	[sflag:s12] =	ssyncadd.s32 $0xFFFFB000  }
0x9a: {  	[tilespmem:s14], [sflag:$0x1] =	stream.indirect.gather [hbm4b:s2+s13], $0x28, s31, s13, $0xb8;
	[tilespmem:$0xB400] =	vst v63  }
0x9b: {  	s1 =	sadd.s32 $0x480, s30  }
0x9c: {  	[tilespmem:s15], [sflag:$0x1] =	stream.indirect.gather [hbm4b:s2+s13], $0x28, s1, s13, $0xb8;
	[tilespmem:$0xB400] =	vst v63  }
0x9d: {  	s26 =	sadd.s32 $0x500, s30  }
0x9e: {  	[tilespmem:s17], [sflag:$0x1] =	stream.indirect.gather [hbm4b:s2+s13], $0x28, s26, s13, $0xb8;
	[tilespmem:$0xB400] =	vst v63  }
0x9f: {  	s31 =	sadd.s32 $0x580, s30  }
0xa0: {  	[tilespmem:s19], [sflag:$0x1] =	stream.indirect.gather [hbm4b:s2+s13], $0x28, s31, s13, $0xb8;
	[tilespmem:$0xB400] =	vst v63  }
0xa1: {  	_ =	swait.ge [sflag:s25], $0x1400  }
0xa2: {  	[sflag:s25] =	ssyncset.done $0x0  }
0xa3: {  	[sflag:s25] =	ssyncadd.s32 $0xFFFFEC00  }
0xa4: {  	_ =	swait.ge [sflag:s25], $0x1400  }
0xa5: {  	[sflag:s25] =	ssyncset.done $0x0  }
0xa6: {  	[sflag:s25] =	ssyncadd.s32 $0xFFFFEC00  }
0xa7: {  	_ =	swait.ge [sflag:s25], $0x1400  }
0xa8: {  	[sflag:s25] =	ssyncset.done $0x0  }
0xa9: {  	[sflag:s25] =	ssyncadd.s32 $0xFFFFEC00  }
0xaa: {  	_ =	swait.ge [sflag:s25], $0x1400  }
0xab: {  	[sflag:s25] =	ssyncset.done $0x0  }
0xac: {  	[sflag:s25] =	ssyncadd.s32 $0xFFFFEC00  }
0xad: {  	[hbm4b:s29+s3] =	stream.linear.scatter [tilespmem:s20], [sflag:$0x3], $0x5000, $0x38;
	[tilespmem:$0xB400] =	vst v63  }
0xae: {  	_ =	swait.ge [sflag:s12], $0x5000  }
0xaf: {  	[sflag:s12] =	ssyncset.done $0x0  }
0xb0: {  	[sflag:s12] =	ssyncadd.s32 $0xFFFFB000  }
0xb1: {  	_ =	swait.ge [sflag:s24], $0x1400  }
0xb2: {  	[sflag:s24] =	ssyncset.done $0x0  }
0xb3: {  	[sflag:s24] =	ssyncadd.s32 $0xFFFFEC00  }
0xb4: {  	_ =	swait.ge [sflag:s24], $0x1400  }
0xb5: {  	[sflag:s24] =	ssyncset.done $0x0  }
0xb6: {  	[sflag:s24] =	ssyncadd.s32 $0xFFFFEC00  }
0xb7: {  	_ =	swait.ge [sflag:s24], $0x1400  }
0xb8: {  	[sflag:s24] =	ssyncset.done $0x0  }
0xb9: {  	[sflag:s24] =	ssyncadd.s32 $0xFFFFEC00  }
0xba: {  	_ =	swait.ge [sflag:s24], $0x1400  }
0xbb: {  	[sflag:s24] =	ssyncset.done $0x0  }
.Ltmp3:
0xbc: {  	[sflag:s24] =	ssyncadd.s32 $0xFFFFEC00;
	(pc) =	sbr.rel @p2 .LBB2_5-.Ltmp3, $4  }
0xbd: {  	[hbm4b:s5+s3] =	stream.linear.scatter [tilespmem:s14], [sflag:$0x3], $0x5000, $0x38;
	[tilespmem:$0xB400] =	vst v63  }
0xbe: {  	_ =	swait.ge [sflag:s12], $0x5000  }
0xbf: {  	[sflag:s12] =	ssyncset.done $0x0  }
0xc0: {  	[sflag:s12] =	ssyncadd.s32 $0xFFFFB000  }
0xc1: {  	s0 =	simm.s32 $0x1200  }
0xc2: {  	[tilespmem:s14], [sflag:$0x1] =	stream.indirect.gather [hbm4b:s2+s13], $0x28, s0, s13, $0xb8;
	[tilespmem:$0xB400] =	vst v63  }
0xc3: {  	_ =	swait.ge [sflag:s24], $0x1400  }
0xc4: {  	[sflag:s24] =	ssyncset.done $0x0  }
0xc5: {  	[sflag:s24] =	ssyncadd.s32 $0xFFFFEC00  }
0xc6: {  	[hbm4b:s6+s3] =	stream.linear.scatter [tilespmem:s14], [sflag:$0x3], $0x1400, $0x38;
	[tilespmem:$0xB400] =	vst v63  }
0xc7: {  	_ =	swait.ge [sflag:s12], $0x1400  }
0xc8: {  	s1 =	simm.s32 @!p0 $0x1280;
	[sflag:s12] =	ssyncset.done $0x0  }
0xc9: {  	s26 =	simm.s32 @!p0 $0x1400;
	s0 =	simm.s32 @!p0 $0x80;
	[sflag:s12] =	ssyncadd.s32 $0xFFFFEC00  }
0xca: {  	[tilespmem:s26], [sflag:$0x1] =	stream.indirect.gather @!p0 [hbm4b:s2+s0], $0x28, s1, s0, $0xb8;
	[tilespmem:$0xB400] =	vst v63  }
0xcb: {  	s0 =	simm.s32 @!p0 $0x1  }
0xcc: {  	_ =	swait.ge @!p0 [sflag:s0], $0x1400  }
0xcd: {  	[sflag:s0] =	ssyncset.done @!p0 $0x0  }
0xce: {  	[sflag:s0] =	ssyncadd.s32 @!p0 $0xFFFFEC00;
	s0 =	simm.s32 @!p0 $0x0  }
0xcf: {  	[hbm4b:s7+s0] =	stream.linear.scatter @!p0 [tilespmem:s26], [sflag:$0x3], $0x1400, $0x38;
	[tilespmem:$0xB400] =	vst v63  }
0xd0: {  	s0 =	simm.s32 @!p0 $0x3  }
0xd1: {  	_ =	swait.ge @!p0 [sflag:s0], $0x1400  }
0xd2: {  	s1 =	simm.s32 @!p1 $0x1300;
	[sflag:s0] =	ssyncset.done @!p0 $0x0  }
0xd3: {  	s26 =	simm.s32 @!p1 $0x1400;
	[sflag:s0] =	ssyncadd.s32 @!p0 $0xFFFFEC00;
	s0 =	simm.s32 @!p1 $0x80  }
0xd4: {  	[tilespmem:s26], [sflag:$0x1] =	stream.indirect.gather @!p1 [hbm4b:s2+s0], $0x28, s1, s0, $0xb8;
	[tilespmem:$0xB400] =	vst v63  }
0xd5: {  	s0 =	simm.s32 @!p1 $0x1  }
0xd6: {  	_ =	swait.ge @!p1 [sflag:s0], $0x1400  }
0xd7: {  	[sflag:s0] =	ssyncset.done @!p1 $0x0  }
0xd8: {  	[sflag:s0] =	ssyncadd.s32 @!p1 $0xFFFFEC00;
	s0 =	simm.s32 @!p1 $0x0  }
0xd9: {  	[hbm4b:s8+s0] =	stream.linear.scatter @!p1 [tilespmem:s26], [sflag:$0x3], $0x1400, $0x38;
	[tilespmem:$0xB400] =	vst v63  }
0xda: {  	s0 =	simm.s32 @!p1 $0x3  }
0xdb: {  	_ =	swait.ge @!p1 [sflag:s0], $0x1400  }
0xdc: {  	s1 =	simm.s32 @!p3 $0x1380;
	[sflag:s0] =	ssyncset.done @!p1 $0x0  }
0xdd: {  	s26 =	simm.s32 @!p3 $0x1400;
	[sflag:s0] =	ssyncadd.s32 @!p1 $0xFFFFEC00;
	s0 =	simm.s32 @!p3 $0x80  }
0xde: {  	[tilespmem:s26], [sflag:$0x1] =	stream.indirect.gather @!p3 [hbm4b:s2+s0], $0x28, s1, s0, $0xb8;
	[tilespmem:$0xB400] =	vst v63  }
0xdf: {  	s0 =	simm.s32 @!p3 $0x1  }
0xe0: {  	_ =	swait.ge @!p3 [sflag:s0], $0x1400  }
0xe1: {  	[sflag:s0] =	ssyncset.done @!p3 $0x0  }
0xe2: {  	[sflag:s0] =	ssyncadd.s32 @!p3 $0xFFFFEC00;
	s0 =	simm.s32 @!p3 $0x0  }
0xe3: {  	[hbm4b:s9+s0] =	stream.linear.scatter @!p3 [tilespmem:s26], [sflag:$0x3], $0x1400, $0x38;
	[tilespmem:$0xB400] =	vst v63  }
.Ltmp4:
0xe4: {  	_ = 	snop;
	(pc) =	sbr.rel .LBB2_5-.Ltmp4, $4  }
0xe5: {  	s0 =	simm.s32 @!p3 $0x3  }
0xe6: {  	_ =	swait.ge @!p3 [sflag:s0], $0x1400  }
0xe7: {  	[sflag:s0] =	ssyncset.done @!p3 $0x0  }
0xe8: {  	[sflag:s0] =	ssyncadd.s32 @!p3 $0xFFFFEC00  }
.LBB2_6:
0xe9: {  	_ =	sfence.sel $0x180000  }
0xea: {  	[bflag:$0x0] =	sbarrier.arrive $0xFFFF  }
0xeb: {  	_ =	strace $0x90000047  }
0xec: {  	s0 =	stileid.u32;
	[bflag:$0x2] =	sbarrier.arrive $0xFFFF  }
0xed: {  	p0 =	sne.s32 s0, $0x0;
	s0 =	rddreg [dreg:$0x2]  }
0xee: {  	s0 =	sadd.s32 @!p0 $0x100000, s0  }
0xef: {  	[sflag:s0] =	ssyncadd.tile.s32 @!p0 $0x1;
	_ =	shalt  }
.Lfunc_end2:
_tile_overlayer_lowered:
.L_overlay_start_2:
0xf0: {  	(tag) =	ssettag $0x2  }
0xf1: {  	s0 =	rddreg [dreg:$0x0];
	s2 =	stileid.u32  }
0xf2: {  	s1 =	rddreg [dreg:$0x1];
	p0 =	sne.s32 s2, $0x0  }
0xf3: {  	s3 =	rddreg [dreg:$0x2];
	[bflag:$0x3] =	sbarrier.arrive $0xFFFF;
	s2 =	simm.s32 @!p0 $0x1C03  }
0xf4: {  	[timem:s3], [sflag:s2] =	dma.local @!p0 [hbm:s0], s1  }
0xf5: {  	s0 =	simm.s32 @!p0 $0x3  }
0xf6: {  	_ =	swait.ge @!p0 [sflag:s0], s1  }
0xf7: {  	s1 =	ssub.s32 @!p0 $0x0, s1;
	[sflag:s0] =	ssyncset.done @!p0 $0x0  }
0xf8: {  	[sflag:s0] =	ssyncadd.s32 @!p0 s1  }
0xf9: {  	[bflag:$0x3] =	sbarrier.arrive $0xFFFF  }
0xfa: {  	_ =	shalt  }

// kernel: kernel.9.cloned.1.call-start
scs
__scs_entry_jumppad:
0x0: {  	(pc) =	sbr.rel $0x88, $3  }
0x1: {  	(tag) =	ssettag $0x0;
	lr =	simm.s32 $0x1  }
0x2: {  	[smem:$0x3F92] =	sst lr;
	_ =	strace $0xD0000000  }
0x3: {  	_ = 	snop  }
0x4: {  	_ = 	snop  }
0x5: {  	_ = 	snop  }
0x6: {  	_ = 	snop  }
0x7: {  	_ = 	snop  }
__scs_overlays_trampoline_lowered:
0x8: {  	[smem:$0x3FA1] =	sst s0  }
0x9: {  	[smem:$0x3FA2] =	sst s1  }
0xa: {  	[smem:$0x3FA3] =	sst s2  }
0xb: {  	[smem:$0x3FA4] =	sst s3  }
0xc: {  	[smem:$0x3FA5] =	sst s4  }
0xd: {  	[smem:$0x3FA6] =	sst s5  }
0xe: {  	[smem:$0x3FA7] =	sst s6  }
0xf: {  	[smem:$0x3FA8] =	sst s7  }
0x10: {  	[smem:$0x3FA9] =	sst s8  }
0x11: {  	[smem:$0x3FAA] =	sst s9;
	s0 =	simm.s32 @!p0 $0x0  }
0x12: {  	s1 =	sld [smem:$0x3F90];
	s0 =	simm.s32 @p0 $0x1  }
0x13: {  	[smem:$0x3FAB] =	sst s0;
	s0 =	simm.s32 @!p1 $0x0  }
0x14: {  	s2 =	sld [smem:$0x3F8F];
	s0 =	simm.s32 @p1 $0x1  }
0x15: {  	[smem:$0x3FAC] =	sst s0;
	s0 =	simm.s32 @!p2 $0x0  }
0x16: {  	s3 =	sld [smem:$0x3FDB];
	s0 =	simm.s32 @p2 $0x1  }
0x17: {  	s4 =	simm.s32 $0x1BF5;
	[smem:$0x3FAE] =	sst s0  }
0x18: {  	s0 =	sld [smem:$0x3F91];
	_ =	swait.ge [sflag:s4], $0x0  }
0x19: {  	s7 =	sld [smem:$0x3F92]  }
0x1a: {  	s8 =	sadd.s32 $0xFFFFE003, lr  }
0x1b: {  	s9 =	sadd.s32 $0xFFFFFEF7, lr;
	s5 =	simm.s32 $0xFFFFFFFF;
	p2 =	slt.u32 s8, $0xFFFFF086  }
0x1c: {  	p1 =	slt.u32 s9, $0xF7A;
	s5 =	simm.s32 @!p2 $0x0  }
0x1d: {  	s5 =	simm.s32 @p1 $0x1;
	p0 =	seq.s32 s7, s2  }
0x1e: {  	s7 =	smul.u32 @!p0 $0xF7A, s2;
	p2 =	seq.s32 @!p0 s5, $0x0  }
0x1f: {  	s9 =	smul.u32 $0xF7A, s1;
	s8 =	simm.s32 @!p0 $0x1BF5;
	p2 =	por !p2, p0  }
0x20: {  	[sflag:s8] =	ssyncset.s32 @!p0 $0xFFFFF086;
	s6 =	sadd.s32 @!p0 s3, s7;
	s7 =	simm.s32 @!p0 $0x108  }
0x21: {  	s3 =	sadd.s32 s3, s9;
	s6 =	sadd.s32 @!p0 $0x88, s6;
	s7 =	simm.s32 @p2 $0x1082  }
0x22: {  	[simem:s7], [sflag:s8] =	dma.local @!p0 [hbm:s6], $0xF7A  }
0x23: {  	s9 =	sor.u32 $0xD0000000, s2;
	s6 =	simm.s32 $0x108;
	_ =	swait.ge @!p0 [sflag:s8], $0x0  }
0x24: {  	s3 =	sadd.s32 $0x88, s3;
	s6 =	simm.s32 @!p1 $0x1082;
	[sflag:s4] =	ssyncset.s32 $0xFFFFF086  }
0x25: {  	[simem:s6], [sflag:s4] =	dma.local [hbm:s3], $0xF7A  }
0x26: {  	[smem:$0x3F92] =	sst s1;
	(tag) =	ssettag s2;
	_ =	strace s9  }
0x27: {  	s1 =	sld [smem:$0x3FA2]  }
0x28: {  	s2 =	sld [smem:$0x3FA3]  }
0x29: {  	s4 =	sld [smem:$0x3FA5]  }
0x2a: {  	p0 =	seq.s32 s5, $0x0;
	s5 =	sld [smem:$0x3FA6]  }
0x2b: {  	s6 =	sld [smem:$0x3FA7]  }
0x2c: {  	s7 =	sld [smem:$0x3FA8]  }
0x2d: {  	s3 =	simm.s32 $0x108;
	s8 =	sld [smem:$0x3FA9]  }
0x2e: {  	s3 =	simm.s32 @!p0 $0x1082;
	s9 =	sld [smem:$0x3FAA]  }
0x2f: {  	lr =	sadd.s32 s0, s3;
	s0 =	sld [smem:$0x3FA1]  }
0x30: {  	s3 =	sld [smem:$0x3FA4]  }
0x31: {  	[smem:$0x3FAD] =	sst s10  }
0x32: {  	s10 =	sld [smem:$0x3FAB];
	_ =	sdelay $0x3  }
0x33: {  	p0 =	seq.s32 s10, $0x1;
	s10 =	sld [smem:$0x3FAD];
	_ =	sdelay $0x3  }
0x34: {  	[smem:$0x3FAD] =	sst s10  }
0x35: {  	s10 =	sld [smem:$0x3FAC];
	_ =	sdelay $0x3  }
0x36: {  	p1 =	seq.s32 s10, $0x1;
	s10 =	sld [smem:$0x3FAD];
	_ =	sdelay $0x3  }
0x37: {  	[smem:$0x3FAD] =	sst s10  }
0x38: {  	s10 =	sld [smem:$0x3FAE]  }
0x39: {  	_ = 	snop;
	(pc) =	sbr.ind lr, $3  }
0x3a: {  	_ = 	snop  }
0x3b: {  	_ = 	snop  }
0x3c: {  	p2 =	seq.s32 s10, $0x1;
	s10 =	sld [smem:$0x3FAD]  }
0x3d: {  	_ =	shalt  }
0x3e: {  	_ =	shalt  }
0x3f: {  	_ =	shalt  }
0x40: {  	_ =	shalt  }
0x41: {  	_ =	shalt  }
0x42: {  	_ =	shalt  }
0x43: {  	_ =	shalt  }
0x44: {  	_ =	shalt  }
0x45: {  	_ =	shalt  }
0x46: {  	_ =	shalt  }
0x47: {  	_ =	shalt  }
0x48: {  	_ =	shalt  }
0x49: {  	_ =	shalt  }
0x4a: {  	_ =	shalt  }
0x4b: {  	_ =	shalt  }
0x4c: {  	_ =	shalt  }
0x4d: {  	_ =	shalt  }
0x4e: {  	_ =	shalt  }
0x4f: {  	_ =	shalt  }
0x50: {  	_ =	shalt  }
0x51: {  	_ =	shalt  }
0x52: {  	_ =	shalt  }
0x53: {  	_ =	shalt  }
0x54: {  	_ =	shalt  }
0x55: {  	_ =	shalt  }
0x56: {  	_ =	shalt  }
0x57: {  	_ =	shalt  }
0x58: {  	_ =	shalt  }
0x59: {  	_ =	shalt  }
0x5a: {  	_ =	shalt  }
0x5b: {  	_ =	shalt  }
0x5c: {  	_ =	shalt  }
0x5d: {  	_ =	shalt  }
0x5e: {  	_ =	shalt  }
0x5f: {  	_ =	shalt  }
0x60: {  	_ =	shalt  }
0x61: {  	_ =	shalt  }
0x62: {  	_ =	shalt  }
0x63: {  	_ =	shalt  }
0x64: {  	_ =	shalt  }
0x65: {  	_ =	shalt  }
0x66: {  	_ =	shalt  }
0x67: {  	_ =	shalt  }
0x68: {  	_ =	shalt  }
0x69: {  	_ =	shalt  }
0x6a: {  	_ =	shalt  }
0x6b: {  	_ =	shalt  }
0x6c: {  	_ =	shalt  }
0x6d: {  	_ =	shalt  }
0x6e: {  	_ =	shalt  }
0x6f: {  	_ =	shalt  }
0x70: {  	_ =	shalt  }
0x71: {  	_ =	shalt  }
0x72: {  	_ =	shalt  }
0x73: {  	_ =	shalt  }
0x74: {  	_ =	shalt  }
0x75: {  	_ =	shalt  }
0x76: {  	_ =	shalt  }
0x77: {  	_ =	shalt  }
0x78: {  	_ =	shalt  }
0x79: {  	_ =	shalt  }
0x7a: {  	_ =	shalt  }
0x7b: {  	_ =	shalt  }
0x7c: {  	_ =	shalt  }
0x7d: {  	_ =	shalt  }
0x7e: {  	_ =	shalt  }
0x7f: {  	_ =	shalt  }
0x80: {  	_ =	shalt  }
0x81: {  	_ =	shalt  }
0x82: {  	_ =	shalt  }
0x83: {  	_ =	shalt  }
0x84: {  	_ =	shalt  }
0x85: {  	_ =	shalt  }
0x86: {  	_ =	shalt  }
0x87: {  	_ =	shalt  }
.Lfunc_end0:
.L_simem_size_0:
called_computation.1_lowered:
.L_overlay_start_0:
0x88: {  	s2 =	sld [smem:$0x3FD9]  }
0x89: {  	s3 =	sld [smem:$0x3FFE];
	_ =	sdelay $0x1  }
0x8a: {  	s1 =	srdreg.scid  }
0x8b: {  	s0 =	sand.u32 $0x1, s1  }
0x8c: {  	s17 =	sshll.u32 s0, $0xA;
	s2 =	sadd.s32 s3, s2  }
0x8d: {  	s2 =	sadd.s32 s2, s17  }
0x8e: {  	[smem:$0x3FB9] =	sst s2  }
0x8f: {  	_ = 	snop  }
0x90: {  	s2 =	sld [smem:$0x3FD0];
	(tm) =	ssettm $0x1  }
0x91: {  	s18 =	sld [smem:$0x3FFB];
	_ =	sdelay $0x3  }
0x92: {  	_ =	strace s18  }
0x93: {  	s3 =	sld [smem:$0x3FFC];
	_ =	sdelay $0x3  }
0x94: {  	_ =	strace s3  }
0x95: {  	s3 =	sld [smem:$0x3FFD];
	_ =	sdelay $0x3  }
0x96: {  	_ =	strace s3  }
0x97: {  	_ =	strace $0x8FFFFFFF  }
0x98: {  	s19 =	sld [smem:$0x3FDB];
	_ =	sdelay $0x1  }
0x99: {  	s4 =	simm.s32 $_scs_section_size  }
0x9a: {  	s5 =	simm.s32 $_size__tile_overlayer_lowered;
	s6 =	simm.s32 $_tile_overlayer_lowered  }
0x9b: {  	s22 =	simm.s32 $0x1BFF;
	s21 =	sshll.u32 s6, $0x1;
	s3 =	sadd.s32 s4, s19  }
0x9c: {  	s7 =	simm.s32 $0x0;
	s20 =	sshll.u32 s5, $0x1;
	s5 =	sadd.s32 s21, s3  }
0x9d: {  	[timem:s7], [sflag:s22] =	dma.local [hbm:s5], s20  }
0x9e: {  	_ =	swait.ge [sflag:s22], s20  }
0x9f: {  	s4 =	ssub.s32 $0x0, s20;
	[sflag:s22] =	ssyncset.done $0x0  }
0xa0: {  	[sflag:s22] =	ssyncadd.s32 s4;
	_ =	sdelay $0x1  }
0xa1: {  	s23 =	simm.s32 $0x1B8B  }
0xa2: {  	_ =	swait.ge [sflag:s23], $0x1  }
0xa3: {  	[sflag:s23] =	ssyncset.done $0x0  }
0xa4: {  	s25 =	simm.s32 $0x1B8E;
	s24 =	sld [smem:$0x3FFE];
	[sflag:s23] =	ssyncadd.s32 $0xFFFFFFFF  }
0xa5: {  	s26 =	simm.s32 $execute0_lowered;
	[smem:$0x3FD2] =	sst s25  }
0xa6: {  	s5 =	sshll.u32 s26, $0x1;
	_ =	strace $0x80000049;
	[dreg:$0x1] =	wrdreg $0xFFFFFFFF  }
0xa7: {  	s28 =	simm.s32 $_size_execute0_lowered;
	s3 =	sadd.s32 s3, s5;
	[dreg:$0x0] =	wrdreg $0x0  }
0xa8: {  	s5 =	sshll.u32 s28, $0x1;
	[dreg:$0x2] =	wrdreg s3  }
0xa9: {  	[dreg:$0x3] =	wrdreg s5  }
0xaa: {  	[dreg:$0x4] =	wrdreg $0xC0  }
0xab: {  	_ =	task [dreg:s7], $0x5FFFF  }
0xac: {  	[dreg:$0x1] =	wrdreg $0xFFFFFFFF  }
0xad: {  	[dreg:$0x0] =	wrdreg $0x60  }
0xae: {  	[dreg:$0x2] =	wrdreg s24  }
0xaf: {  	[dreg:$0x3] =	wrdreg s2  }
0xb0: {  	[dreg:$0x4] =	wrdreg $0x9  }
0xb1: {  	_ =	task.clear_ibuf [dreg:s7], $0x5FFFF;
	_ =	strace $0x90000049  }
0xb2: {  	s29 =	simm.s32 $0x9;
	_ =	strace $0x8000004B  }
0xb3: {  	_ =	swait.ge [sflag:s29], $0x1  }
0xb4: {  	[sflag:s29] =	ssyncadd.s32 $0xFFFFFFFF  }
0xb5: {  	_ =	strace $0x9000004B  }
0xb6: {  	_ =	sfence  }
0xb7: {  	s30 =	sld [smem:$0x0];
	_ =	sdelay $0x2  }
0xb8: {  	s31 =	sshll.u32 s1, $0xD;
	s1 =	sshrl.u32 s1, $0x2  }
0xb9: {  	s3 =	sand.u32 $0x4000, s31;
	s1 =	sadd.s32 s1, s30  }
0xba: {  	s0 =	sor.u32 s3, s0;
	s1 =	sshll.u32 s1, $0x11  }
0xbb: {  	s0 =	sor.u32 s1, s0  }
0xbc: {  	s0 =	sadd.s32 $0x8F2B, s0  }
0xbd: {  	[sflag:s0] =	ssyncadd.remote.s32 $0x1  }
0xbe: {  	_ =	sfence.sel $0xFFFF  }
0xbf: {  	[dreg:$0x0] =	wrdreg $0xFFFFFFFF;
	(pc) =	sbr.abs _section_cstart, $3  }
0xc0: {  	[dreg:$0x1] =	wrdreg $0xFFFFFFFF  }
0xc1: {  	_ =	task.clear_ibuf [dreg:s7], $0x2FFFF;
	_ =	strace $0x9FFFFFFF  }
0xc2: {  	(tm) =	ssettm $0x7FFFFFFF  }
0xc3: {  	_ =	shalt  }
tec
execute0_lowered:
.L_overlay_start_1:
0x0: {  	(tag) =	ssettag $0x1  }
0x1: {  	s0 =	stileid.u32  }
0x2: {  	s1 =	srdreg.scid;
	s7 =	rddreg [dreg:$0x0]  }
0x3: {  	s16 =	simm.s32 $0x3;
	s17 =	simm.s32 $0x280;
	s18 =	simm.s32 $0x27100  }
0x4: {  	s19 =	simm.s32 $0x500;
	s20 =	simm.s32 $0x1900;
	s21 =	simm.s32 $0x1  }
0x5: {  	s22 =	simm.s32 $0x2;
	s2 =	smul.u32 $0x34, s0;
	s5 =	sand.u32 $0x1, s1  }
0x6: {  	s23 =	simm.s32 $0x0;
	p0 =	seq.s32 s0, $0xF;
	s1 =	smul.u32 $0x3, s5  }
0x7: {  	p1 =	sgt.u32 s0, $0x9;
	s9 =	smul.u32 $0x7D, s5;
	s4 =	sshrl.u32 s2, $0x8  }
0x8: {  	s12 =	ssub.s32 $0x2, s5;
	s2 =	rddreg [dreg:$0x1];
	s3 =	smul.u32 $0x5, s4  }
0x9: {  	s26 =	sshrl.u32 s12, $0x1;
	s6 =	sadd.s32 s4, s1;
	s1 =	rddreg [dreg:$0x2]  }
0xa: {  	s11 =	sadd.s32 s4, s9;
	s6 =	smul.u32 $0x64000, s6;
	s8 =	ssub.s32 s0, s3  }
0xb: {  	s4 =	sadd.s32 $0xF6E00, s7;
	s9 =	smul.u32 $0x280, s11;
	s8 =	sand.u32 $0xFF, s8  }
0xc: {  	s14 =	ssub.s32 s12, s26;
	s3 =	simm.s32 $0x0;
	s10 =	smul.u32 $0x14000, s8  }
0xd: {  	s14 =	smax.u32 s14, $0x1;
	[smem:$0x7FF] =	sst s3;
	s5 =	smul.u32 $0x138800, s8  }
0xe: {  	s28 =	sshrl.u32 s9, $0x3;
	s29 =	sadd.s32 $0x13380, s9;
	_ =	strace $0x8000004A  }
0xf: {  	s30 =	sshrl.u32 s29, $0x3;
	s6 =	sadd.s32 s10, s6;
	s8 =	sadd.s32 s5, s9  }
.Ltmp0:
0x10: {  	s9 =	sadd.s32 $0x3, s11;
	s15 =	sadd.s32 s5, s29;
	(pc) =	sbr.rel .LBB2_1-.Ltmp0, $4  }
0x11: {  	s10 =	sshrl.u32 s6, $0x3;
	s6 =	sadd.s32 $0x2E800, s7;
	s8 =	sshrl.u32 s8, $0x3  }
0x12: {  	s31 =	sshrl.u32 s15, $0x3;
	s15 =	simm.s32 $0x2D00;
	s13 =	sadd.s32 s10, s7  }
0x13: {  	s7 =	sadd.s32 s6, s28;
	s8 =	sadd.s32 s4, s8;
	s10 =	sadd.s32 $0x6, s11  }
0x14: {  	s11 =	sadd.s32 s6, s30;
	s12 =	sadd.s32 s4, s31;
	s13 =	sadd.s32 $0x33800, s13  }
.LBB2_14:
0x15: {  	[hbm4b:s13+s3] =	stream.linear.scatter [tilespmem:s15], [sflag:$0x3], $0x14000, $0x38;
	[tilespmem:$0x16D00] =	vst v63  }
0x16: {  	_ =	swait.ge [sflag:s16], $0x14000  }
0x17: {  	[sflag:s16] =	ssyncset.done $0x0  }
0x18: {  	[sflag:s16] =	ssyncadd.s32 $0xFFFEC000  }
.LBB2_15:
0x19: {  	s23 =	sadd.s32 $0x1, s23  }
0x1a: {  	p2 =	sne.s32 s23, s14  }
.Ltmp1:
0x1b: {  	_ = 	snop;
	(pc) =	sbr.rel @!p2 .LBB2_16-.Ltmp1, $1  }
0x1c: {  	_ =	sdelay $0x3  }
.LBB2_1:
.Ltmp2:
0x1d: {  	(pc) =	sbr.rel @p0 .LBB2_15-.Ltmp2, $4  }
0x1e: {  	[tilespmem:s15], [sflag:$0x3] =	stream.linear.gather [hbm4b:s2+s3], $0x14000, $0x38;
	[tilespmem:$0x16D00] =	vst v63  }
0x1f: {  	_ =	swait.ge [sflag:s16], $0x14000  }
0x20: {  	[sflag:s16] =	ssyncset.done $0x0  }
0x21: {  	[sflag:s16] =	ssyncadd.s32 $0xFFFEC000  }
0x22: {  	s24 =	simm.s32 $0x0  }
0x23: {  	[tilespmem:s24], [sflag:$0x1] =	stream.linear.gather [hbm4b:s7+s24], $0x280, $0x38;
	[tilespmem:$0x16D00] =	vst v63  }
0x24: {  	s25 =	simm.s32 $0x0  }
0x25: {  	[tilespmem:s19], [sflag:$0x1] =	stream.strided.gather [hbm4b:s8+s17], $0x1400, s18, s17, $0x38;
	[tilespmem:$0x16D00] =	vst v63  }
.LBB2_3:
0x26: {  	s26 =	smul.u32 $0x6, s25;
	_ =	sdelay $0x1  }
0x27: {  	s28 =	sadd.s32 s26, s9  }
0x28: {  	s28 =	smul.u32 $0x280, s28;
	_ =	sdelay $0x1  }
0x29: {  	s29 =	sshrl.u32 s28, $0x3;
	s28 =	sadd.s32 s5, s28  }
0x2a: {  	s29 =	sadd.s32 s6, s29;
	s28 =	sshrl.u32 s28, $0x3  }
0x2b: {  	[tilespmem:s17], [sflag:$0x2] =	stream.linear.gather [hbm4b:s29+s24], $0x280, $0x38;
	[tilespmem:$0x16D00] =	vst v63  }
0x2c: {  	s28 =	sadd.s32 s4, s28  }
0x2d: {  	[tilespmem:s20], [sflag:$0x2] =	stream.strided.gather [hbm4b:s28+s17], $0x1400, s18, s17, $0x38;
	[tilespmem:$0x16D00] =	vst v63  }
0x2e: {  	_ =	swait.ge [sflag:s21], $0x280  }
0x2f: {  	[sflag:s21] =	ssyncset.done $0x0  }
0x30: {  	[sflag:s21] =	ssyncadd.s32 $0xFFFFFD80  }
0x31: {  	_ =	swait.ge [sflag:s21], $0x1400  }
0x32: {  	[sflag:s21] =	ssyncset.done $0x0  }
0x33: {  	s29 =	simm.s32 $0x40;
	s28 =	simm.s32 $0x0;
	[sflag:s21] =	ssyncadd.s32 $0xFFFFEC00  }
.LBB2_4:
0x34: {  	p2 =	sne.s32 s29, $0x9C0;
	v0 =	vld [tilespmem:s28+$0x0]  }
0x35: {  	v1 =	vld [tilespmem:s28+$0x500];
	_ =	sdelay $0x3  }
0x36: {  	v2 =	vadd.s32 $0x2800, v0;
	v3 =	vadd.s32 $0x5000, v0;
	v4 =	vadd.s32 $0x7800, v0  }
0x37: {  	v5 =	vadd.s32 $0xA000, v0;
	v6 =	vadd.s32 $0xC800, v0;
	v7 =	vadd.s32 $0xF000, v0;
	_ =	sdelay $0x1  }
0x38: {  	[tilespmem:v0+s15+$0x0] =	vst.idx.add.f32.msk $0xffff, v1  }
0x39: {  	v1 =	vld [tilespmem:s28+$0x780];
	_ =	sdelay $0x4  }
0x3a: {  	[tilespmem:v2+s15+$0x0] =	vst.idx.add.f32.msk $0xffff, v1  }
0x3b: {  	v1 =	vld [tilespmem:s28+$0xA00];
	_ =	sdelay $0x4  }
0x3c: {  	[tilespmem:v3+s15+$0x0] =	vst.idx.add.f32.msk $0xffff, v1  }
0x3d: {  	v1 =	vld [tilespmem:s28+$0xC80];
	_ =	sdelay $0x4  }
0x3e: {  	[tilespmem:v4+s15+$0x0] =	vst.idx.add.f32.msk $0xffff, v1  }
0x3f: {  	v1 =	vld [tilespmem:s28+$0xF00];
	_ =	sdelay $0x4  }
0x40: {  	[tilespmem:v5+s15+$0x0] =	vst.idx.add.f32.msk $0xffff, v1  }
0x41: {  	v1 =	vld [tilespmem:s28+$0x1180];
	_ =	sdelay $0x4  }
0x42: {  	[tilespmem:v6+s15+$0x0] =	vst.idx.add.f32.msk $0xffff, v1  }
0x43: {  	v1 =	vld [tilespmem:s28+$0x1400];
	_ =	sdelay $0x4  }
0x44: {  	[tilespmem:v7+s15+$0x0] =	vst.idx.add.f32.msk $0xffff, v1  }
0x45: {  	v0 =	vadd.s32 $0x11800, v0;
	v1 =	vld [tilespmem:s28+$0x1680]  }
.Ltmp3:
0x46: {  	(pc) =	sbr.rel @p2 .LBB2_4-.Ltmp3, $2  }
0x47: {  	_ =	sdelay $0x2  }
0x48: {  	s28 =	sshra.s32 s29, $0x2;
	s29 =	sadd.s32 $0x40, s29;
	[tilespmem:v0+s15+$0x0] =	vst.idx.add.f32.msk $0xffff, v1  }
0x49: {  	v0 =	vld [tilespmem:s28+$0x0];
	_ =	sdelay $0x2  }
0x4a: {  	v1 =	vld [tilespmem:s28+$0x500];
	_ =	sdelay $0x4  }
0x4b: {  	[tilespmem:v0+s15+$0x0] =	vst.idx.add.f32.msk $0xffff, v1  }
0x4c: {  	v58 =	vadd.s32 $0x2800, v0;
	v2 =	vld [tilespmem:s28+$0x780];
	_ =	sdelay $0x4  }
0x4d: {  	[tilespmem:v58+s15+$0x0] =	vst.idx.add.f32.msk $0xffff, v2  }
0x4e: {  	v59 =	vadd.s32 $0x5000, v0;
	v2 =	vld [tilespmem:s28+$0xA00];
	_ =	sdelay $0x4  }
0x4f: {  	[tilespmem:v59+s15+$0x0] =	vst.idx.add.f32.msk $0xffff, v2  }
0x50: {  	v60 =	vadd.s32 $0x7800, v0;
	v2 =	vld [tilespmem:s28+$0xC80];
	_ =	sdelay $0x4  }
0x51: {  	[tilespmem:v60+s15+$0x0] =	vst.idx.add.f32.msk $0xffff, v2  }
0x52: {  	v61 =	vadd.s32 $0xA000, v0;
	v2 =	vld [tilespmem:s28+$0xF00];
	_ =	sdelay $0x4  }
0x53: {  	[tilespmem:v61+s15+$0x0] =	vst.idx.add.f32.msk $0xffff, v2  }
0x54: {  	v62 =	vadd.s32 $0xC800, v0;
	v2 =	vld [tilespmem:s28+$0x1180];
	_ =	sdelay $0x4  }
0x55: {  	[tilespmem:v62+s15+$0x0] =	vst.idx.add.f32.msk $0xffff, v2  }
0x56: {  	v63 =	vadd.s32 $0xF000, v0;
	v2 =	vld [tilespmem:s28+$0x1400];
	_ =	sdelay $0x4  }
0x57: {  	[tilespmem:v63+s15+$0x0] =	vst.idx.add.f32.msk $0xffff, v2  }
0x58: {  	v0 =	vadd.s32 $0x11800, v0;
	v1 =	vld [tilespmem:s28+$0x1680]  }
0x59: {  	s26 =	sadd.s32 s26, s10  }
0x5a: {  	s26 =	smul.u32 $0x280, s26;
	_ =	sdelay $0x1  }
0x5b: {  	s28 =	sshrl.u32 s26, $0x3;
	s26 =	sadd.s32 s5, s26  }
0x5c: {  	s29 =	simm.s32 $0x0;
	s28 =	sadd.s32 s6, s28;
	s26 =	sshrl.u32 s26, $0x3;
	[tilespmem:v0+s15+$0x0] =	vst.idx.add.f32.msk $0xffff, v1  }
0x5d: {  	[tilespmem:s29], [sflag:$0x1] =	stream.linear.gather [hbm4b:s28+s29], $0x280, $0x38;
	[tilespmem:$0x16D00] =	vst v63  }
0x5e: {  	s26 =	sadd.s32 s4, s26  }
0x5f: {  	[tilespmem:s19], [sflag:$0x1] =	stream.strided.gather [hbm4b:s26+s17], $0x1400, s18, s17, $0x38;
	[tilespmem:$0x16D00] =	vst v63  }
0x60: {  	_ =	swait.ge [sflag:s22], $0x280  }
0x61: {  	[sflag:s22] =	ssyncset.done $0x0  }
0x62: {  	[sflag:s22] =	ssyncadd.s32 $0xFFFFFD80  }
0x63: {  	_ =	swait.ge [sflag:s22], $0x1400  }
0x64: {  	[sflag:s22] =	ssyncset.done $0x0  }
0x65: {  	s28 =	simm.s32 $0x40;
	s26 =	simm.s32 $0x0;
	[sflag:s22] =	ssyncadd.s32 $0xFFFFEC00  }
.LBB2_6:
0x66: {  	p2 =	sne.s32 s28, $0x9C0;
	v0 =	vld [tilespmem:s26+$0x280]  }
0x67: {  	v1 =	vld [tilespmem:s26+$0x1900];
	_ =	sdelay $0x3  }
0x68: {  	v2 =	vadd.s32 $0x2800, v0;
	v3 =	vadd.s32 $0x5000, v0;
	v4 =	vadd.s32 $0x7800, v0  }
0x69: {  	v5 =	vadd.s32 $0xA000, v0;
	v6 =	vadd.s32 $0xC800, v0;
	v7 =	vadd.s32 $0xF000, v0;
	_ =	sdelay $0x1  }
0x6a: {  	[tilespmem:v0+s15+$0x0] =	vst.idx.add.f32.msk $0xffff, v1  }
0x6b: {  	v1 =	vld [tilespmem:s26+$0x1B80];
	_ =	sdelay $0x4  }
0x6c: {  	[tilespmem:v2+s15+$0x0] =	vst.idx.add.f32.msk $0xffff, v1  }
0x6d: {  	v1 =	vld [tilespmem:s26+$0x1E00];
	_ =	sdelay $0x4  }
0x6e: {  	[tilespmem:v3+s15+$0x0] =	vst.idx.add.f32.msk $0xffff, v1  }
0x6f: {  	v1 =	vld [tilespmem:s26+$0x2080];
	_ =	sdelay $0x4  }
0x70: {  	[tilespmem:v4+s15+$0x0] =	vst.idx.add.f32.msk $0xffff, v1  }
0x71: {  	v1 =	vld [tilespmem:s26+$0x2300];
	_ =	sdelay $0x4  }
0x72: {  	[tilespmem:v5+s15+$0x0] =	vst.idx.add.f32.msk $0xffff, v1  }
0x73: {  	v1 =	vld [tilespmem:s26+$0x2580];
	_ =	sdelay $0x4  }
0x74: {  	[tilespmem:v6+s15+$0x0] =	vst.idx.add.f32.msk $0xffff, v1  }
0x75: {  	v1 =	vld [tilespmem:s26+$0x2800];
	_ =	sdelay $0x4  }
0x76: {  	[tilespmem:v7+s15+$0x0] =	vst.idx.add.f32.msk $0xffff, v1  }
0x77: {  	v0 =	vadd.s32 $0x11800, v0;
	v1 =	vld [tilespmem:s26+$0x2A80]  }
.Ltmp4:
0x78: {  	(pc) =	sbr.rel @p2 .LBB2_6-.Ltmp4, $2  }
0x79: {  	_ =	sdelay $0x2  }
0x7a: {  	s26 =	sshra.s32 s28, $0x2;
	s28 =	sadd.s32 $0x40, s28;
	[tilespmem:v0+s15+$0x0] =	vst.idx.add.f32.msk $0xffff, v1  }
0x7b: {  	v0 =	vld [tilespmem:s26+$0x280];
	_ =	sdelay $0x2  }
0x7c: {  	v1 =	vld [tilespmem:s26+$0x1900];
	_ =	sdelay $0x4  }
0x7d: {  	[tilespmem:v0+s15+$0x0] =	vst.idx.add.f32.msk $0xffff, v1  }
0x7e: {  	v58 =	vadd.s32 $0x2800, v0;
	v2 =	vld [tilespmem:s26+$0x1B80];
	_ =	sdelay $0x4  }
0x7f: {  	[tilespmem:v58+s15+$0x0] =	vst.idx.add.f32.msk $0xffff, v2  }
0x80: {  	v59 =	vadd.s32 $0x5000, v0;
	v2 =	vld [tilespmem:s26+$0x1E00];
	_ =	sdelay $0x4  }
0x81: {  	[tilespmem:v59+s15+$0x0] =	vst.idx.add.f32.msk $0xffff, v2  }
0x82: {  	v60 =	vadd.s32 $0x7800, v0;
	v2 =	vld [tilespmem:s26+$0x2080];
	_ =	sdelay $0x4  }
0x83: {  	[tilespmem:v60+s15+$0x0] =	vst.idx.add.f32.msk $0xffff, v2  }
0x84: {  	v61 =	vadd.s32 $0xA000, v0;
	v2 =	vld [tilespmem:s26+$0x2300];
	_ =	sdelay $0x4  }
0x85: {  	[tilespmem:v61+s15+$0x0] =	vst.idx.add.f32.msk $0xffff, v2  }
0x86: {  	v62 =	vadd.s32 $0xC800, v0;
	v2 =	vld [tilespmem:s26+$0x2580];
	_ =	sdelay $0x4  }
0x87: {  	[tilespmem:v62+s15+$0x0] =	vst.idx.add.f32.msk $0xffff, v2  }
0x88: {  	v63 =	vadd.s32 $0xF000, v0;
	v2 =	vld [tilespmem:s26+$0x2800];
	_ =	sdelay $0x4  }
0x89: {  	s25 =	sadd.s32 $0x1, s25;
	[tilespmem:v63+s15+$0x0] =	vst.idx.add.f32.msk $0xffff, v2  }
0x8a: {  	p2 =	sne.s32 s25, $0x14;
	v0 =	vadd.s32 $0x11800, v0;
	v1 =	vld [tilespmem:s26+$0x2A80]  }
.Ltmp5:
0x8b: {  	_ = 	snop;
	(pc) =	sbr.rel @p2 .LBB2_3-.Ltmp5, $2  }
0x8c: {  	_ =	sdelay $0x2  }
0x8d: {  	[tilespmem:v0+s15+$0x0] =	vst.idx.add.f32.msk $0xffff, v1  }
0x8e: {  	_ =	swait.ge [sflag:s21], $0x280  }
0x8f: {  	[sflag:s21] =	ssyncset.done $0x0  }
0x90: {  	[sflag:s21] =	ssyncadd.s32 $0xFFFFFD80  }
0x91: {  	_ =	swait.ge [sflag:s21], $0x1400  }
0x92: {  	[sflag:s21] =	ssyncset.done $0x0  }
0x93: {  	s24 =	simm.s32 $0x0;
	s25 =	simm.s32 $0x40;
	[sflag:s21] =	ssyncadd.s32 $0xFFFFEC00  }
.LBB2_9:
0x94: {  	p2 =	sne.s32 s25, $0x9C0;
	v0 =	vld [tilespmem:s24+$0x0]  }
0x95: {  	v1 =	vld [tilespmem:s24+$0x500];
	_ =	sdelay $0x3  }
0x96: {  	v2 =	vadd.s32 $0x2800, v0;
	v3 =	vadd.s32 $0x5000, v0;
	v4 =	vadd.s32 $0x7800, v0  }
0x97: {  	v5 =	vadd.s32 $0xA000, v0;
	v6 =	vadd.s32 $0xC800, v0;
	v7 =	vadd.s32 $0xF000, v0;
	_ =	sdelay $0x1  }
0x98: {  	[tilespmem:v0+s15+$0x0] =	vst.idx.add.f32.msk $0xffff, v1  }
0x99: {  	v1 =	vld [tilespmem:s24+$0x780];
	_ =	sdelay $0x4  }
0x9a: {  	[tilespmem:v2+s15+$0x0] =	vst.idx.add.f32.msk $0xffff, v1  }
0x9b: {  	v1 =	vld [tilespmem:s24+$0xA00];
	_ =	sdelay $0x4  }
0x9c: {  	[tilespmem:v3+s15+$0x0] =	vst.idx.add.f32.msk $0xffff, v1  }
0x9d: {  	v1 =	vld [tilespmem:s24+$0xC80];
	_ =	sdelay $0x4  }
0x9e: {  	[tilespmem:v4+s15+$0x0] =	vst.idx.add.f32.msk $0xffff, v1  }
0x9f: {  	v1 =	vld [tilespmem:s24+$0xF00];
	_ =	sdelay $0x4  }
0xa0: {  	[tilespmem:v5+s15+$0x0] =	vst.idx.add.f32.msk $0xffff, v1  }
0xa1: {  	v1 =	vld [tilespmem:s24+$0x1180];
	_ =	sdelay $0x4  }
0xa2: {  	[tilespmem:v6+s15+$0x0] =	vst.idx.add.f32.msk $0xffff, v1  }
0xa3: {  	v1 =	vld [tilespmem:s24+$0x1400];
	_ =	sdelay $0x4  }
0xa4: {  	[tilespmem:v7+s15+$0x0] =	vst.idx.add.f32.msk $0xffff, v1  }
0xa5: {  	v0 =	vadd.s32 $0x11800, v0;
	v1 =	vld [tilespmem:s24+$0x1680]  }
.Ltmp6:
0xa6: {  	(pc) =	sbr.rel @p2 .LBB2_9-.Ltmp6, $2  }
0xa7: {  	_ =	sdelay $0x2  }
0xa8: {  	s24 =	sshra.s32 s25, $0x2;
	s25 =	sadd.s32 $0x40, s25;
	[tilespmem:v0+s15+$0x0] =	vst.idx.add.f32.msk $0xffff, v1  }
0xa9: {  	v0 =	vld [tilespmem:s24+$0x0];
	_ =	sdelay $0x2  }
0xaa: {  	v1 =	vld [tilespmem:s24+$0x500];
	_ =	sdelay $0x4  }
0xab: {  	[tilespmem:v0+s15+$0x0] =	vst.idx.add.f32.msk $0xffff, v1  }
0xac: {  	v58 =	vadd.s32 $0x2800, v0;
	v2 =	vld [tilespmem:s24+$0x780];
	_ =	sdelay $0x4  }
0xad: {  	[tilespmem:v58+s15+$0x0] =	vst.idx.add.f32.msk $0xffff, v2  }
0xae: {  	v59 =	vadd.s32 $0x5000, v0;
	v2 =	vld [tilespmem:s24+$0xA00];
	_ =	sdelay $0x4  }
0xaf: {  	[tilespmem:v59+s15+$0x0] =	vst.idx.add.f32.msk $0xffff, v2  }
0xb0: {  	v60 =	vadd.s32 $0x7800, v0;
	v2 =	vld [tilespmem:s24+$0xC80];
	_ =	sdelay $0x4  }
0xb1: {  	[tilespmem:v60+s15+$0x0] =	vst.idx.add.f32.msk $0xffff, v2  }
0xb2: {  	v61 =	vadd.s32 $0xA000, v0;
	v2 =	vld [tilespmem:s24+$0xF00];
	_ =	sdelay $0x4  }
0xb3: {  	[tilespmem:v61+s15+$0x0] =	vst.idx.add.f32.msk $0xffff, v2  }
0xb4: {  	v62 =	vadd.s32 $0xC800, v0;
	v2 =	vld [tilespmem:s24+$0x1180];
	_ =	sdelay $0x4  }
0xb5: {  	[tilespmem:v62+s15+$0x0] =	vst.idx.add.f32.msk $0xffff, v2  }
0xb6: {  	v63 =	vadd.s32 $0xF000, v0;
	v2 =	vld [tilespmem:s24+$0x1400];
	_ =	sdelay $0x4  }
0xb7: {  	[tilespmem:v63+s15+$0x0] =	vst.idx.add.f32.msk $0xffff, v2  }
0xb8: {  	v0 =	vadd.s32 $0x11800, v0;
	v1 =	vld [tilespmem:s24+$0x1680]  }
.Ltmp7:
0xb9: {  	_ = 	snop;
	(pc) =	sbr.rel @p1 .LBB2_14-.Ltmp7, $2  }
0xba: {  	_ =	sdelay $0x2  }
0xbb: {  	[tilespmem:v0+s15+$0x0] =	vst.idx.add.f32.msk $0xffff, v1  }
0xbc: {  	s24 =	simm.s32 $0x0  }
0xbd: {  	[tilespmem:s17], [sflag:$0x3] =	stream.linear.gather [hbm4b:s11+s24], $0x280, $0x38;
	[tilespmem:$0x16D00] =	vst v63  }
0xbe: {  	_ =	swait.ge [sflag:s16], $0x280  }
0xbf: {  	[sflag:s16] =	ssyncset.done $0x0  }
0xc0: {  	[sflag:s16] =	ssyncadd.s32 $0xFFFFFD80  }
0xc1: {  	[tilespmem:s20], [sflag:$0x3] =	stream.strided.gather [hbm4b:s12+s17], $0x1400, s18, s17, $0x38;
	[tilespmem:$0x16D00] =	vst v63  }
0xc2: {  	_ =	swait.ge [sflag:s16], $0x1400  }
0xc3: {  	[sflag:s16] =	ssyncset.done $0x0  }
0xc4: {  	s25 =	simm.s32 $0x40;
	s24 =	simm.s32 $0x0;
	[sflag:s16] =	ssyncadd.s32 $0xFFFFEC00  }
.LBB2_12:
0xc5: {  	p2 =	sne.s32 s25, $0x9C0;
	v0 =	vld [tilespmem:s24+$0x280]  }
0xc6: {  	v1 =	vld [tilespmem:s24+$0x1900];
	_ =	sdelay $0x3  }
0xc7: {  	v2 =	vadd.s32 $0x2800, v0;
	v3 =	vadd.s32 $0x5000, v0;
	v4 =	vadd.s32 $0x7800, v0  }
0xc8: {  	v5 =	vadd.s32 $0xA000, v0;
	v6 =	vadd.s32 $0xC800, v0;
	v7 =	vadd.s32 $0xF000, v0;
	_ =	sdelay $0x1  }
0xc9: {  	[tilespmem:v0+s15+$0x0] =	vst.idx.add.f32.msk $0xffff, v1  }
0xca: {  	v1 =	vld [tilespmem:s24+$0x1B80];
	_ =	sdelay $0x4  }
0xcb: {  	[tilespmem:v2+s15+$0x0] =	vst.idx.add.f32.msk $0xffff, v1  }
0xcc: {  	v1 =	vld [tilespmem:s24+$0x1E00];
	_ =	sdelay $0x4  }
0xcd: {  	[tilespmem:v3+s15+$0x0] =	vst.idx.add.f32.msk $0xffff, v1  }
0xce: {  	v1 =	vld [tilespmem:s24+$0x2080];
	_ =	sdelay $0x4  }
0xcf: {  	[tilespmem:v4+s15+$0x0] =	vst.idx.add.f32.msk $0xffff, v1  }
0xd0: {  	v1 =	vld [tilespmem:s24+$0x2300];
	_ =	sdelay $0x4  }
0xd1: {  	[tilespmem:v5+s15+$0x0] =	vst.idx.add.f32.msk $0xffff, v1  }
0xd2: {  	v1 =	vld [tilespmem:s24+$0x2580];
	_ =	sdelay $0x4  }
0xd3: {  	[tilespmem:v6+s15+$0x0] =	vst.idx.add.f32.msk $0xffff, v1  }
0xd4: {  	v1 =	vld [tilespmem:s24+$0x2800];
	_ =	sdelay $0x4  }
0xd5: {  	[tilespmem:v7+s15+$0x0] =	vst.idx.add.f32.msk $0xffff, v1  }
0xd6: {  	v0 =	vadd.s32 $0x11800, v0;
	v1 =	vld [tilespmem:s24+$0x2A80]  }
.Ltmp8:
0xd7: {  	(pc) =	sbr.rel @p2 .LBB2_12-.Ltmp8, $2  }
0xd8: {  	_ =	sdelay $0x2  }
0xd9: {  	s24 =	sshra.s32 s25, $0x2;
	s25 =	sadd.s32 $0x40, s25;
	[tilespmem:v0+s15+$0x0] =	vst.idx.add.f32.msk $0xffff, v1  }
0xda: {  	v0 =	vld [tilespmem:s24+$0x280];
	_ =	sdelay $0x2  }
0xdb: {  	v1 =	vld [tilespmem:s24+$0x1900];
	_ =	sdelay $0x4  }
0xdc: {  	[tilespmem:v0+s15+$0x0] =	vst.idx.add.f32.msk $0xffff, v1  }
0xdd: {  	v58 =	vadd.s32 $0x2800, v0;
	v2 =	vld [tilespmem:s24+$0x1B80];
	_ =	sdelay $0x4  }
0xde: {  	[tilespmem:v58+s15+$0x0] =	vst.idx.add.f32.msk $0xffff, v2  }
0xdf: {  	v59 =	vadd.s32 $0x5000, v0;
	v2 =	vld [tilespmem:s24+$0x1E00];
	_ =	sdelay $0x4  }
0xe0: {  	[tilespmem:v59+s15+$0x0] =	vst.idx.add.f32.msk $0xffff, v2  }
0xe1: {  	v60 =	vadd.s32 $0x7800, v0;
	v2 =	vld [tilespmem:s24+$0x2080];
	_ =	sdelay $0x4  }
0xe2: {  	[tilespmem:v60+s15+$0x0] =	vst.idx.add.f32.msk $0xffff, v2  }
0xe3: {  	v61 =	vadd.s32 $0xA000, v0;
	v2 =	vld [tilespmem:s24+$0x2300];
	_ =	sdelay $0x4  }
0xe4: {  	[tilespmem:v61+s15+$0x0] =	vst.idx.add.f32.msk $0xffff, v2  }
0xe5: {  	v62 =	vadd.s32 $0xC800, v0;
	v2 =	vld [tilespmem:s24+$0x2580];
	_ =	sdelay $0x4  }
0xe6: {  	[tilespmem:v62+s15+$0x0] =	vst.idx.add.f32.msk $0xffff, v2  }
0xe7: {  	v63 =	vadd.s32 $0xF000, v0;
	v2 =	vld [tilespmem:s24+$0x2800];
	_ =	sdelay $0x4  }
0xe8: {  	[tilespmem:v63+s15+$0x0] =	vst.idx.add.f32.msk $0xffff, v2  }
0xe9: {  	v0 =	vadd.s32 $0x11800, v0;
	v1 =	vld [tilespmem:s24+$0x2A80]  }
.Ltmp9:
0xea: {  	_ = 	snop;
	(pc) =	sbr.rel .LBB2_14-.Ltmp9, $2  }
0xeb: {  	_ =	sdelay $0x2  }
0xec: {  	[tilespmem:v0+s15+$0x0] =	vst.idx.add.f32.msk $0xffff, v1  }
.LBB2_16:
0xed: {  	_ =	sfence.sel $0x180000  }
0xee: {  	[bflag:$0x0] =	sbarrier.arrive $0xFFFF  }
0xef: {  	p0 =	sne.s32 s0, $0x0;
	_ =	strace $0x9000004A  }
0xf0: {  	s0 =	sadd.s32 @!p0 $0x100000, s1;
	[bflag:$0x2] =	sbarrier.arrive $0xFFFF  }
0xf1: {  	[sflag:s0] =	ssyncadd.tile.s32 @!p0 $0x1;
	_ =	shalt  }
.Lfunc_end2:
_tile_overlayer_lowered:
.L_overlay_start_2:
0xf2: {  	(tag) =	ssettag $0x2  }
0xf3: {  	s0 =	rddreg [dreg:$0x0];
	s2 =	stileid.u32  }
0xf4: {  	s1 =	rddreg [dreg:$0x1];
	p0 =	sne.s32 s2, $0x0  }
0xf5: {  	s3 =	rddreg [dreg:$0x2];
	[bflag:$0x3] =	sbarrier.arrive $0xFFFF;
	s2 =	simm.s32 @!p0 $0x1C03  }
0xf6: {  	[timem:s3], [sflag:s2] =	dma.local @!p0 [hbm:s0], s1  }
0xf7: {  	s0 =	simm.s32 @!p0 $0x3  }
0xf8: {  	_ =	swait.ge @!p0 [sflag:s0], s1  }
0xf9: {  	s1 =	ssub.s32 @!p0 $0x0, s1;
	[sflag:s0] =	ssyncset.done @!p0 $0x0  }
0xfa: {  	[sflag:s0] =	ssyncadd.s32 @!p0 s1  }
0xfb: {  	[bflag:$0x3] =	sbarrier.arrive $0xFFFF  }
0xfc: {  	_ =	shalt  }

</sc_bundles>
